<compile_context>
chip_gen: v7x
topology: tpu7x:2x2x1
jax: 0.10.2.dev20260603
libtpu: 0.0.44.dev20260713+nightly
codegen_flags: <defaults>
</compile_context>

<pallas_src>
import functools

import jax
import jax.numpy as jnp
from jax import lax
from jax.experimental import pallas as pl
from jax.experimental.pallas import tpu as pltpu
from jax.experimental.pallas import tpu_sc as plsc

V1, V2, V3 = 20, 40, 40
D1, D2, D3 = 4, 4, 8
RR = 4
NROWS = V1 * V2 * V3
DREAL = D1 * D2 * D3
DOUT = 2 * DREAL
ROWS_PER_I = V2 * V3
GH = RR * D3
RFH = RR * D2 * D3


def _prep_branch(c0, c1, c2):
    a = c0[0]
    b = c1
    c = c2[..., 0]
    eye_f = jnp.eye(D2, dtype=jnp.float32)
    eye_h = jnp.eye(D3, dtype=jnp.float32)
    cmat = c.transpose(1, 0, 2).reshape(V3, GH)
    v = jnp.einsum('rjfg,hq->jghrfq', b, eye_h).reshape(V2, GH, RFH)
    w = jnp.einsum('idr,fp,hq->irfhdpq', a, eye_f, eye_h).reshape(V1, RFH, DREAL)
    return cmat, v, w


def _table_body(cmr, vr, cmi, vi, wr, wi, out_ref, qr, qi):
    i = pl.program_id(0)

    @pl.when(i == 0)
    def _():
        for j in range(V2):
            qr[pl.ds(j * V3, V3), :] = jnp.dot(
                cmr[...], vr[j], preferred_element_type=jnp.float32)
            qi[pl.ds(j * V3, V3), :] = jnp.dot(
                cmi[...], vi[j], preferred_element_type=jnp.float32)

    out_ref[0] = jnp.dot(qr[...], wr[0], preferred_element_type=jnp.float32)
    out_ref[1] = jnp.dot(qi[...], wi[0], preferred_element_type=jnp.float32)


def _build_tables(cmr, vr, wr, cmi, vi, wi):
    return pl.pallas_call(
        _table_body,
        grid=(V1,),
        in_specs=[
            pl.BlockSpec((V3, GH), lambda i: (0, 0)),
            pl.BlockSpec((V2, GH, RFH), lambda i: (0, 0, 0)),
            pl.BlockSpec((V3, GH), lambda i: (0, 0)),
            pl.BlockSpec((V2, GH, RFH), lambda i: (0, 0, 0)),
            pl.BlockSpec((1, RFH, DREAL), lambda i: (i, 0, 0)),
            pl.BlockSpec((1, RFH, DREAL), lambda i: (i, 0, 0)),
        ],
        out_specs=pl.BlockSpec((2, ROWS_PER_I, DREAL), lambda i: (0, i, 0)),
        out_shape=jax.ShapeDtypeStruct((2, NROWS, DREAL), jnp.float32),
        scratch_shapes=[
            pltpu.VMEM((ROWS_PER_I, RFH), jnp.float32),
            pltpu.VMEM((ROWS_PER_I, RFH), jnp.float32),
        ],
    )(cmr, vr, cmi, vi, wr, wi)


CHUNK = 128


def _make_gather(n_tokens):
    info = plsc.get_sparse_core_info()
    nw = info.num_cores * info.num_subcores
    per_w = n_tokens // nw
    n_chunks = per_w // CHUNK
    assert per_w * nw == n_tokens and n_chunks * CHUNK == per_w
    assert n_chunks % 2 == 0
    mesh = plsc.VectorSubcoreMesh(core_axis_name="c", subcore_axis_name="s")

    @functools.partial(
        pl.kernel,
        mesh=mesh,
        out_type=[
            jax.ShapeDtypeStruct((n_tokens, DREAL), jnp.float32),
            jax.ShapeDtypeStruct((n_tokens, DREAL), jnp.float32),
        ],
        scratch_types=[
            pltpu.VMEM((per_w,), jnp.int32),
            pltpu.VMEM((2, CHUNK, DREAL), jnp.float32),
            pltpu.VMEM((2, CHUNK, DREAL), jnp.float32),
            pltpu.SemaphoreType.DMA,
            pltpu.SemaphoreType.DMA,
            pltpu.SemaphoreType.DMA,
            pltpu.SemaphoreType.DMA,
        ],
    )
    def gather_k(ids_hbm, tables_hbm, outr_hbm, outi_hbm,
                 idx_v, rowsr_v, rowsi_v, sg0, sg1, ss0, ss1):
        sem_g = (sg0, sg1)
        sem_s = (ss0, ss1)
        wid = lax.axis_index("s") * info.num_cores + lax.axis_index("c")
        base = pl.multiple_of(wid * per_w, per_w)
        pltpu.sync_copy(ids_hbm.at[pl.ds(base, per_w)], idx_v)

        def mod_slice(t, carry):
            off = pl.multiple_of(t * 16, 16)
            idx_v[pl.ds(off, 16)] = lax.rem(idx_v[pl.ds(off, 16)], NROWS)
            return carry

        def g_copies(g, b):
            off = pl.multiple_of(g * CHUNK, CHUNK)
            sl = idx_v.at[pl.ds(off, CHUNK)]
            return (pltpu.make_async_copy(tables_hbm.at[0].at[sl], rowsr_v.at[b],
                                          sem_g[b]),
                    pltpu.make_async_copy(tables_hbm.at[1].at[sl], rowsi_v.at[b],
                                          sem_g[b]))

        def s_copies(g, b):
            off = pl.multiple_of(g * CHUNK, CHUNK)
            dst = pl.ds(base + off, CHUNK)
            return (pltpu.make_async_copy(rowsr_v.at[b], outr_hbm.at[dst], sem_s[b]),
                    pltpu.make_async_copy(rowsi_v.at[b], outi_hbm.at[dst], sem_s[b]))

        def start(copies):
            for c in copies:
                c.start()

        def wait(copies):
            for c in copies:
                c.wait()

        lax.fori_loop(0, CHUNK // 16, mod_slice, 0)
        start(g_copies(0, 0))
        lax.fori_loop(CHUNK // 16, per_w // 16, mod_slice, 0)

        def body(t, carry):
            for b in range(2):
                g = t * 2 + b
                wait(g_copies(g, b))
                start(s_copies(g, b))

                @pl.when(g >= 1)
                def _():
                    wait(s_copies(g - 1, 1 - b))

                @pl.when(g + 1 < n_chunks)
                def _():
                    start(g_copies(g + 1, 1 - b))

            return carry

        lax.fori_loop(0, n_chunks // 2, body, 0)
        wait(s_copies(n_chunks - 1, (n_chunks - 1) % 2))

    return gather_k


SSPLIT = 24


def _merge_body(r_ref, i_ref, out_ref):
    out_ref[0, :, :DREAL] = r_ref[0]
    out_ref[0, :, DREAL:] = i_ref[0]


def _merge_body_acc(r_ref, i_ref, acc_ref, out_ref):
    del acc_ref
    out_ref[0, :, :DREAL] = r_ref[0]
    out_ref[0, :, DREAL:] = i_ref[0]


def _merge_first(plane_r, plane_i, batch, seq, s_n):
    return pl.pallas_call(
        _merge_body,
        grid=(s_n,),
        in_specs=[
            pl.BlockSpec((1, batch, DREAL), lambda s: (s, 0, 0)),
            pl.BlockSpec((1, batch, DREAL), lambda s: (s, 0, 0)),
        ],
        out_specs=pl.BlockSpec((1, batch, DOUT), lambda s: (s, 0, 0)),
        out_shape=jax.ShapeDtypeStruct((seq, batch, DOUT), jnp.float32),
    )(plane_r.reshape(s_n, batch, DREAL), plane_i.reshape(s_n, batch, DREAL))


def _merge_second(plane_r, plane_i, acc, batch, seq, s0):
    s_n = seq - s0
    return pl.pallas_call(
        _merge_body_acc,
        grid=(s_n,),
        in_specs=[
            pl.BlockSpec((1, batch, DREAL), lambda s: (s, 0, 0)),
            pl.BlockSpec((1, batch, DREAL), lambda s: (s, 0, 0)),
            pl.BlockSpec(memory_space=pl.ANY),
        ],
        out_specs=pl.BlockSpec((1, batch, DOUT), lambda s: (s0 + s, 0, 0)),
        out_shape=jax.ShapeDtypeStruct((seq, batch, DOUT), jnp.float32),
        input_output_aliases={2: 0},
    )(plane_r.reshape(s_n, batch, DREAL), plane_i.reshape(s_n, batch, DREAL),
      acc)


def kernel(input_ids, cr0, cr1, cr2, ci0, ci1, ci2):
    B, S = input_ids.shape
    ids = input_ids.astype(jnp.int32).T.reshape(-1)
    cmr, vr, wr = _prep_branch(cr0, cr1, cr2)
    cmi, vi, wi = _prep_branch(ci0, ci1, ci2)
    tables = _build_tables(cmr, vr, wr, cmi, vi, wi)
    n1 = SSPLIT * B
    pr1, pi1 = _make_gather(n1)(ids[:n1], tables)
    pr2, pi2 = _make_gather(B * S - n1)(ids[n1:], tables)
    out_t = _merge_first(pr1, pi1, B, S, SSPLIT)
    out_t = _merge_second(pr2, pi2, out_t, B, S, SSPLIT)
    return out_t.transpose(1, 0, 2)

# --- scband reference (transcript-rebuilt; emitter-appended) ---
"""Pipeline reference for scband-quantum-ttembedding-55886114455743 (READ-ONLY COPY).

The authoritative reference and input builder live on the scoring server;
editing this copy changes nothing except your own understanding.
"""

import jax, jax.numpy as jnp
import numpy as np

V1, V2, V3 = 20, 40, 40
D1, D2, D3 = 4, 4, 8
R = 4


def setup_inputs(seed: int = 0) -> dict:
    key = jax.random.key(seed)
    ks = jax.random.split(key, 8)
    input_ids = jax.random.randint(ks[0], (4096, 50), 0, 100000, dtype=jnp.int64 if jax.config.read('jax_enable_x64') else jnp.int32)
    cr0 = jax.random.normal(ks[1], (1, V1, D1, R), dtype=jnp.float32) * 0.1
    cr1 = jax.random.normal(ks[2], (R, V2, D2, R), dtype=jnp.float32) * 0.1
    cr2 = jax.random.normal(ks[3], (R, V3, D3, 1), dtype=jnp.float32) * 0.1
    ci0 = jax.random.normal(ks[4], (1, V1, D1, R), dtype=jnp.float32) * 0.1
    ci1 = jax.random.normal(ks[5], (R, V2, D2, R), dtype=jnp.float32) * 0.1
    ci2 = jax.random.normal(ks[6], (R, V3, D3, 1), dtype=jnp.float32) * 0.1
    return {"input_ids": input_ids, "cr0": cr0, "cr1": cr1, "cr2": cr2, "ci0": ci0, "ci1": ci1, "ci2": ci2}


def reference(input_ids, cr0, cr1, cr2, ci0, ci1, ci2):
    B, S = input_ids.shape
    idx = input_ids % (V1 * V2 * V3)
    k = idx % V3
    idx2 = idx // V3
    j = idx2 % V2
    i = idx2 // V2

    def gather_core(core, ix):
        r_in, v, d, r_out = core.shape
        flat = jnp.transpose(core, (1, 0, 2, 3)).reshape(v, -1)
        g = jnp.take(flat, ix, axis=0)
        return g.reshape(B, S, r_in, d, r_out)

    def branch(c0, c1c, c2c):
        a = gather_core(c0, i).reshape(-1, 1, D1, R)
        b = gather_core(c1c, j).reshape(-1, R, D2, R)
        c = gather_core(c2c, k).reshape(-1, R, D3, 1)
        temp = jnp.einsum('nadr,nrfg->nadfg', a, b)
        final = jnp.einsum('nadfg,nghi->nadfhi', temp, c)
        return final.reshape(B, S, -1)

    real_out = branch(cr0, cr1, cr2)
    imag_out = branch(ci0, ci1, ci2)
    return jnp.concatenate([real_out, imag_out], axis=-1)

if __name__ == "__main__":
    import jax
    _d = setup_inputs()
    print(jax.jit(kernel)(*tuple(_d.values())))

</pallas_src>

<mosaic_0001>
#map = affine_map<(d0, d1) -> (0)>
#map1 = affine_map<(d0, d1) -> (0, 0, 0)>
#map2 = affine_map<(d0, d1) -> (0, 0)>
module attributes {stable_mosaic.version = 14 : i64} {
  func.func @gather_k(%arg0: i32, %arg1: i32, %arg2: memref<98304xi32, #tpu.memory_space<hbm>>, %arg3: memref<2x32000x128xf32, #tpu.memory_space<hbm>>, %arg4: memref<98304x128xf32, #tpu.memory_space<hbm>>, %arg5: memref<98304x128xf32, #tpu.memory_space<hbm>>, %arg6: memref<3072xi32, #tpu.memory_space<vmem>>, %arg7: memref<2x128x128xf32, #tpu.memory_space<vmem>>, %arg8: memref<2x128x128xf32, #tpu.memory_space<vmem>>, %arg9: memref<!tpu.dma_semaphore, #tpu.memory_space<semaphore_mem>>, %arg10: memref<!tpu.dma_semaphore, #tpu.memory_space<semaphore_mem>>, %arg11: memref<!tpu.dma_semaphore, #tpu.memory_space<semaphore_mem>>, %arg12: memref<!tpu.dma_semaphore, #tpu.memory_space<semaphore_mem>>) attributes {dimension_semantics = [#tpu.dimension_semantics<core_parallel>, #tpu.dimension_semantics<subcore_parallel>], iteration_bounds = array<i64: 2, 16>, scalar_prefetch = 0 : i64, scratch_operands = 7 : i64, tpu.core_type = #tpu.core_type<sc_vector_subcore>, window_params = [{transform_indices = #map}, {transform_indices = #map1}, {transform_indices = #map2}, {transform_indices = #map2}]} {
    %mul3A = arith.constant 2 : i32
    %mul3A_0 = arith.muli %arg1, %mul3A : i32
    %add3A = arith.addi %mul3A_0, %arg0 : i32
    %mul3A_1 = arith.constant 3072 : i32
    %mul3A_2 = arith.muli %add3A, %mul3A_1 : i32
    %multiple_of3A = tpu.assume_multiple %mul3A_2, 3072 : i32
    "tpu.region"() ({
      %run_scoped3A = tpu.sem_alloc : memref<!tpu.dma_semaphore, #tpu.memory_space<semaphore_mem>>
      %dma_start3A_77 = tpu.memref_slice %arg2[%multiple_of3A] : memref<98304xi32, #tpu.memory_space<hbm>> -> memref<3072xi32, #tpu.memory_space<hbm>>
      %dma_start3A_78 = tpu.memref_slice %arg2[%multiple_of3A] : memref<98304xi32, #tpu.memory_space<hbm>> -> memref<3072xi32, #tpu.memory_space<hbm>>
      tpu.enqueue_dma source(%dma_start3A_78 : memref<3072xi32, #tpu.memory_space<hbm>>) target(%arg6 : memref<3072xi32, #tpu.memory_space<vmem>>) target_semaphore(%run_scoped3A : memref<!tpu.dma_semaphore, #tpu.memory_space<semaphore_mem>>)
      %dma_wait3A_79 = tpu.memref_slice %arg2[%multiple_of3A] : memref<98304xi32, #tpu.memory_space<hbm>> -> memref<3072xi32, #tpu.memory_space<hbm>>
      %dma_wait3A_80 = tpu.memref_slice %arg2[%multiple_of3A] : memref<98304xi32, #tpu.memory_space<hbm>> -> memref<3072xi32, #tpu.memory_space<hbm>>
      tpu.wait_dma2 semaphore(%run_scoped3A : memref<!tpu.dma_semaphore, #tpu.memory_space<semaphore_mem>>) src(%dma_wait3A_80 : memref<3072xi32, #tpu.memory_space<hbm>>) dst(%arg6 : memref<3072xi32, #tpu.memory_space<vmem>>)
      tpu.yield
    }) : () -> ()
    %scan3A = arith.constant 0 : i32
    %scan3A_3 = arith.constant 0 : i32
    %scan3A_4 = arith.constant 8 : i32
    %scan3A_5 = arith.addi %scan3A_3, %scan3A_4 : i32
    %scan3A_6 = arith.constant 1 : i32
    scf.for %scan3A_77 = %scan3A_3 to %scan3A_5 step %scan3A_6  : i32 {
      %mul3A_78 = arith.constant 16 : i32
      %mul3A_79 = arith.muli %scan3A_77, %mul3A_78 : i32
      %multiple_of3A_80 = tpu.assume_multiple %mul3A_79, 16 : i32
      %get3A = arith.index_cast %multiple_of3A_80 : i32 to index
      %get3A_81 = tpu.vector_load %arg6[%get3A] {strides = array<i32>} : memref<3072xi32, #tpu.memory_space<vmem>>, vector<16xi32>,
      %get3A_82 = vector.shape_cast %get3A_81 : vector<16xi32> to vector<16xi32>
      %rem3A = arith.constant 32000 : i32
      %rem3A_83 = vector.broadcast %rem3A : i32 to vector<16xi32>
      %rem3A_84 = arith.remsi %get3A_82, %rem3A_83 : vector<16xi32>
      %swap3A = arith.index_cast %multiple_of3A_80 : i32 to index
      %swap3A_85 = tpu.vector_load %arg6[%swap3A] {strides = array<i32>} : memref<3072xi32, #tpu.memory_space<vmem>>, vector<16xi32>,
      %swap3A_86 = vector.shape_cast %swap3A_85 : vector<16xi32> to vector<16xi32>
      %swap3A_87 = vector.shape_cast %rem3A_84 : vector<16xi32> to vector<16xi32>
      tpu.vector_store %arg6[%swap3A], %swap3A_87 {strides = array<i32>} : memref<3072xi32, #tpu.memory_space<vmem>>, vector<16xi32>,
    }
    %scan3A_7 = arith.constant 8 : i32
    %multiple_of3A_8 = arith.constant 0 : i32
    %multiple_of3A_9 = tpu.assume_multiple %multiple_of3A_8, 128 : i32
    %dma_start3A = arith.constant 0 : i32
    %dma_start3A_10 = arith.constant 0 : i32
    %dma_start3A_11 = arith.constant 0 : i32
    %dma_start3A_12 = arith.constant 0 : i32
    %dma_start3A_13 = tpu.memref_slice %arg7[%dma_start3A_10, %dma_start3A_11, %dma_start3A_12] : memref<2x128x128xf32, #tpu.memory_space<vmem>> -> memref<1x128x128xf32, #tpu.memory_space<vmem>>
    %dma_start3A_14 = tpu.memref_squeeze %dma_start3A_13 : memref<1x128x128xf32, #tpu.memory_space<vmem>> -> memref<128x128xf32, #tpu.memory_space<vmem>>
    %dma_start3A_15 = tpu.memref_slice %arg6[%multiple_of3A_9] : memref<3072xi32, #tpu.memory_space<vmem>> -> memref<128xi32, #tpu.memory_space<vmem>>
    %dma_start3A_16 = arith.constant 0 : i32
    %dma_start3A_17 = arith.constant 0 : i32
    %dma_start3A_18 = tpu.memref_slice %arg3[%dma_start3A, %dma_start3A_16, %dma_start3A_17] : memref<2x32000x128xf32, #tpu.memory_space<hbm>> -> memref<1x32000x128xf32, #tpu.memory_space<hbm>>
    %dma_start3A_19 = tpu.memref_squeeze %dma_start3A_18 : memref<1x32000x128xf32, #tpu.memory_space<hbm>> -> memref<32000x128xf32, #tpu.memory_space<hbm>>
    %dma_start3A_20 = arith.constant 0 : i32
    %dma_start3A_21 = arith.constant 0 : i32
    %dma_start3A_22 = tpu.memref_slice %dma_start3A_19[%dma_start3A_20, %dma_start3A_21] : memref<32000x128xf32, #tpu.memory_space<hbm>> -> memref<32000x128xf32, #tpu.memory_space<hbm>>
    tpu.enqueue_indirect_dma source(%dma_start3A_22 : memref<32000x128xf32, #tpu.memory_space<hbm>>) target(%dma_start3A_14 : memref<128x128xf32, #tpu.memory_space<vmem>>) offsets(%dma_start3A_15 : memref<128xi32, #tpu.memory_space<vmem>>) semaphore(%arg9 : memref<!tpu.dma_semaphore, #tpu.memory_space<semaphore_mem>>)
    %dma_start3A_23 = arith.constant 1 : i32
    %dma_start3A_24 = arith.constant 0 : i32
    %dma_start3A_25 = arith.constant 0 : i32
    %dma_start3A_26 = arith.constant 0 : i32
    %dma_start3A_27 = tpu.memref_slice %arg8[%dma_start3A_24, %dma_start3A_25, %dma_start3A_26] : memref<2x128x128xf32, #tpu.memory_space<vmem>> -> memref<1x128x128xf32, #tpu.memory_space<vmem>>
    %dma_start3A_28 = tpu.memref_squeeze %dma_start3A_27 : memref<1x128x128xf32, #tpu.memory_space<vmem>> -> memref<128x128xf32, #tpu.memory_space<vmem>>
    %dma_start3A_29 = tpu.memref_slice %arg6[%multiple_of3A_9] : memref<3072xi32, #tpu.memory_space<vmem>> -> memref<128xi32, #tpu.memory_space<vmem>>
    %dma_start3A_30 = arith.constant 0 : i32
    %dma_start3A_31 = arith.constant 0 : i32
    %dma_start3A_32 = tpu.memref_slice %arg3[%dma_start3A_23, %dma_start3A_30, %dma_start3A_31] : memref<2x32000x128xf32, #tpu.memory_space<hbm>> -> memref<1x32000x128xf32, #tpu.memory_space<hbm>>
    %dma_start3A_33 = tpu.memref_squeeze %dma_start3A_32 : memref<1x32000x128xf32, #tpu.memory_space<hbm>> -> memref<32000x128xf32, #tpu.memory_space<hbm>>
    %dma_start3A_34 = arith.constant 0 : i32
    %dma_start3A_35 = arith.constant 0 : i32
    %dma_start3A_36 = tpu.memref_slice %dma_start3A_33[%dma_start3A_34, %dma_start3A_35] : memref<32000x128xf32, #tpu.memory_space<hbm>> -> memref<32000x128xf32, #tpu.memory_space<hbm>>
    tpu.enqueue_indirect_dma source(%dma_start3A_36 : memref<32000x128xf32, #tpu.memory_space<hbm>>) target(%dma_start3A_28 : memref<128x128xf32, #tpu.memory_space<vmem>>) offsets(%dma_start3A_29 : memref<128xi32, #tpu.memory_space<vmem>>) semaphore(%arg9 : memref<!tpu.dma_semaphore, #tpu.memory_space<semaphore_mem>>)
    %scan3A_37 = arith.constant 0 : i32
    %scan3A_38 = arith.constant 8 : i32
    %scan3A_39 = arith.constant 184 : i32
    %scan3A_40 = arith.addi %scan3A_38, %scan3A_39 : i32
    %scan3A_41 = arith.constant 1 : i32
    scf.for %scan3A_77 = %scan3A_38 to %scan3A_40 step %scan3A_41  : i32 {
      %mul3A_78 = arith.constant 16 : i32
      %mul3A_79 = arith.muli %scan3A_77, %mul3A_78 : i32
      %multiple_of3A_80 = tpu.assume_multiple %mul3A_79, 16 : i32
      %get3A = arith.index_cast %multiple_of3A_80 : i32 to index
      %get3A_81 = tpu.vector_load %arg6[%get3A] {strides = array<i32>} : memref<3072xi32, #tpu.memory_space<vmem>>, vector<16xi32>,
      %get3A_82 = vector.shape_cast %get3A_81 : vector<16xi32> to vector<16xi32>
      %rem3A = arith.constant 32000 : i32
      %rem3A_83 = vector.broadcast %rem3A : i32 to vector<16xi32>
      %rem3A_84 = arith.remsi %get3A_82, %rem3A_83 : vector<16xi32>
      %swap3A = arith.index_cast %multiple_of3A_80 : i32 to index
      %swap3A_85 = tpu.vector_load %arg6[%swap3A] {strides = array<i32>} : memref<3072xi32, #tpu.memory_space<vmem>>, vector<16xi32>,
      %swap3A_86 = vector.shape_cast %swap3A_85 : vector<16xi32> to vector<16xi32>
      %swap3A_87 = vector.shape_cast %rem3A_84 : vector<16xi32> to vector<16xi32>
      tpu.vector_store %arg6[%swap3A], %swap3A_87 {strides = array<i32>} : memref<3072xi32, #tpu.memory_space<vmem>>, vector<16xi32>,
    }
    %scan3A_42 = arith.constant 184 : i32
    %scan3A_43 = arith.constant 0 : i32
    %scan3A_44 = arith.constant 0 : i32
    %scan3A_45 = arith.constant 12 : i32
    %scan3A_46 = arith.addi %scan3A_44, %scan3A_45 : i32
    %scan3A_47 = arith.constant 1 : i32
    scf.for %scan3A_77 = %scan3A_44 to %scan3A_46 step %scan3A_47  : i32 {
      %mul3A_78 = arith.constant 2 : i32
      %mul3A_79 = arith.muli %scan3A_77, %mul3A_78 : i32
      %add3A_80 = arith.constant 0 : i32
      %add3A_81 = arith.addi %mul3A_79, %add3A_80 : i32
      %mul3A_82 = arith.constant 128 : i32
      %mul3A_83 = arith.muli %add3A_81, %mul3A_82 : i32
      %multiple_of3A_84 = tpu.assume_multiple %mul3A_83, 128 : i32
      %dma_wait3A_85 = arith.constant 0 : i32
      %dma_wait3A_86 = arith.constant 0 : i32
      %dma_wait3A_87 = arith.constant 0 : i32
      %dma_wait3A_88 = arith.constant 0 : i32
      %dma_wait3A_89 = tpu.memref_slice %arg7[%dma_wait3A_86, %dma_wait3A_87, %dma_wait3A_88] : memref<2x128x128xf32, #tpu.memory_space<vmem>> -> memref<1x128x128xf32, #tpu.memory_space<vmem>>
      %dma_wait3A_90 = tpu.memref_squeeze %dma_wait3A_89 : memref<1x128x128xf32, #tpu.memory_space<vmem>> -> memref<128x128xf32, #tpu.memory_space<vmem>>
      %dma_wait3A_91 = tpu.memref_slice %arg6[%multiple_of3A_84] : memref<3072xi32, #tpu.memory_space<vmem>> -> memref<128xi32, #tpu.memory_space<vmem>>
      %dma_wait3A_92 = arith.constant 0 : i32
      %dma_wait3A_93 = arith.constant 0 : i32
      %dma_wait3A_94 = tpu.memref_slice %arg3[%dma_wait3A_85, %dma_wait3A_92, %dma_wait3A_93] : memref<2x32000x128xf32, #tpu.memory_space<hbm>> -> memref<1x32000x128xf32, #tpu.memory_space<hbm>>
      %dma_wait3A_95 = tpu.memref_squeeze %dma_wait3A_94 : memref<1x32000x128xf32, #tpu.memory_space<hbm>> -> memref<32000x128xf32, #tpu.memory_space<hbm>>
      %dma_wait3A_96 = arith.constant 0 : i32
      %dma_wait3A_97 = arith.constant 0 : i32
      %dma_wait3A_98 = tpu.memref_slice %dma_wait3A_95[%dma_wait3A_96, %dma_wait3A_97] : memref<32000x128xf32, #tpu.memory_space<hbm>> -> memref<32000x128xf32, #tpu.memory_space<hbm>>
      tpu.wait_indirect_dma semaphore(%arg9 : memref<!tpu.dma_semaphore, #tpu.memory_space<semaphore_mem>>) src(%dma_wait3A_98 : memref<32000x128xf32, #tpu.memory_space<hbm>>) dst(%dma_wait3A_90 : memref<128x128xf32, #tpu.memory_space<vmem>>)
      %dma_wait3A_99 = arith.constant 1 : i32
      %dma_wait3A_100 = arith.constant 0 : i32
      %dma_wait3A_101 = arith.constant 0 : i32
      %dma_wait3A_102 = arith.constant 0 : i32
      %dma_wait3A_103 = tpu.memref_slice %arg8[%dma_wait3A_100, %dma_wait3A_101, %dma_wait3A_102] : memref<2x128x128xf32, #tpu.memory_space<vmem>> -> memref<1x128x128xf32, #tpu.memory_space<vmem>>
      %dma_wait3A_104 = tpu.memref_squeeze %dma_wait3A_103 : memref<1x128x128xf32, #tpu.memory_space<vmem>> -> memref<128x128xf32, #tpu.memory_space<vmem>>
      %dma_wait3A_105 = tpu.memref_slice %arg6[%multiple_of3A_84] : memref<3072xi32, #tpu.memory_space<vmem>> -> memref<128xi32, #tpu.memory_space<vmem>>
      %dma_wait3A_106 = arith.constant 0 : i32
      %dma_wait3A_107 = arith.constant 0 : i32
      %dma_wait3A_108 = tpu.memref_slice %arg3[%dma_wait3A_99, %dma_wait3A_106, %dma_wait3A_107] : memref<2x32000x128xf32, #tpu.memory_space<hbm>> -> memref<1x32000x128xf32, #tpu.memory_space<hbm>>
      %dma_wait3A_109 = tpu.memref_squeeze %dma_wait3A_108 : memref<1x32000x128xf32, #tpu.memory_space<hbm>> -> memref<32000x128xf32, #tpu.memory_space<hbm>>
      %dma_wait3A_110 = arith.constant 0 : i32
      %dma_wait3A_111 = arith.constant 0 : i32
      %dma_wait3A_112 = tpu.memref_slice %dma_wait3A_109[%dma_wait3A_110, %dma_wait3A_111] : memref<32000x128xf32, #tpu.memory_space<hbm>> -> memref<32000x128xf32, #tpu.memory_space<hbm>>
      tpu.wait_indirect_dma semaphore(%arg9 : memref<!tpu.dma_semaphore, #tpu.memory_space<semaphore_mem>>) src(%dma_wait3A_112 : memref<32000x128xf32, #tpu.memory_space<hbm>>) dst(%dma_wait3A_104 : memref<128x128xf32, #tpu.memory_space<vmem>>)
      %mul3A_113 = arith.constant 128 : i32
      %mul3A_114 = arith.muli %add3A_81, %mul3A_113 : i32
      %multiple_of3A_115 = tpu.assume_multiple %mul3A_114, 128 : i32
      %add3A_116 = arith.addi %multiple_of3A, %multiple_of3A_115 : i32
      %dma_start3A_117 = arith.constant 0 : i32
      %dma_start3A_118 = arith.constant 0 : i32
      %dma_start3A_119 = arith.constant 0 : i32
      %dma_start3A_120 = tpu.memref_slice %arg7[%dma_start3A_117, %dma_start3A_118, %dma_start3A_119] : memref<2x128x128xf32, #tpu.memory_space<vmem>> -> memref<1x128x128xf32, #tpu.memory_space<vmem>>
      %dma_start3A_121 = tpu.memref_squeeze %dma_start3A_120 : memref<1x128x128xf32, #tpu.memory_space<vmem>> -> memref<128x128xf32, #tpu.memory_space<vmem>>
      %dma_start3A_122 = arith.constant 0 : i32
      %dma_start3A_123 = tpu.memref_slice %arg4[%add3A_116, %dma_start3A_122] : memref<98304x128xf32, #tpu.memory_space<hbm>> -> memref<128x128xf32, #tpu.memory_space<hbm>>
      %dma_start3A_124 = arith.constant 0 : i32
      %dma_start3A_125 = tpu.memref_slice %arg4[%add3A_116, %dma_start3A_124] : memref<98304x128xf32, #tpu.memory_space<hbm>> -> memref<128x128xf32, #tpu.memory_space<hbm>>
      %dma_start3A_126 = arith.constant 0 : i32
      %dma_start3A_127 = arith.constant 0 : i32
      %dma_start3A_128 = tpu.memref_slice %arg7[%dma_start3A_117, %dma_start3A_126, %dma_start3A_127] : memref<2x128x128xf32, #tpu.memory_space<vmem>> -> memref<1x128x128xf32, #tpu.memory_space<vmem>>
      %dma_start3A_129 = tpu.memref_squeeze %dma_start3A_128 : memref<1x128x128xf32, #tpu.memory_space<vmem>> -> memref<128x128xf32, #tpu.memory_space<vmem>>
      tpu.enqueue_dma source(%dma_start3A_129 : memref<128x128xf32, #tpu.memory_space<vmem>>) target(%dma_start3A_125 : memref<128x128xf32, #tpu.memory_space<hbm>>) target_semaphore(%arg11 : memref<!tpu.dma_semaphore, #tpu.memory_space<semaphore_mem>>)
      %dma_start3A_130 = arith.constant 0 : i32
      %dma_start3A_131 = arith.constant 0 : i32
      %dma_start3A_132 = arith.constant 0 : i32
      %dma_start3A_133 = tpu.memref_slice %arg8[%dma_start3A_130, %dma_start3A_131, %dma_start3A_132] : memref<2x128x128xf32, #tpu.memory_space<vmem>> -> memref<1x128x128xf32, #tpu.memory_space<vmem>>
      %dma_start3A_134 = tpu.memref_squeeze %dma_start3A_133 : memref<1x128x128xf32, #tpu.memory_space<vmem>> -> memref<128x128xf32, #tpu.memory_space<vmem>>
      %dma_start3A_135 = arith.constant 0 : i32
      %dma_start3A_136 = tpu.memref_slice %arg5[%add3A_116, %dma_start3A_135] : memref<98304x128xf32, #tpu.memory_space<hbm>> -> memref<128x128xf32, #tpu.memory_space<hbm>>
      %dma_start3A_137 = arith.constant 0 : i32
      %dma_start3A_138 = tpu.memref_slice %arg5[%add3A_116, %dma_start3A_137] : memref<98304x128xf32, #tpu.memory_space<hbm>> -> memref<128x128xf32, #tpu.memory_space<hbm>>
      %dma_start3A_139 = arith.constant 0 : i32
      %dma_start3A_140 = arith.constant 0 : i32
      %dma_start3A_141 = tpu.memref_slice %arg8[%dma_start3A_130, %dma_start3A_139, %dma_start3A_140] : memref<2x128x128xf32, #tpu.memory_space<vmem>> -> memref<1x128x128xf32, #tpu.memory_space<vmem>>
      %dma_start3A_142 = tpu.memref_squeeze %dma_start3A_141 : memref<1x128x128xf32, #tpu.memory_space<vmem>> -> memref<128x128xf32, #tpu.memory_space<vmem>>
      tpu.enqueue_dma source(%dma_start3A_142 : memref<128x128xf32, #tpu.memory_space<vmem>>) target(%dma_start3A_138 : memref<128x128xf32, #tpu.memory_space<hbm>>) target_semaphore(%arg11 : memref<!tpu.dma_semaphore, #tpu.memory_space<semaphore_mem>>)
      %ge3A = arith.constant 1 : i32
      %ge3A_143 = arith.cmpi sge, %add3A_81, %ge3A : i32
      %convert_element_type3A = arith.extui %ge3A_143 : i1 to i32
      %cond3A = arith.constant 0 : i32
      %cond3A_144 = arith.cmpi ne, %convert_element_type3A, %cond3A : i32
      scf.if %cond3A_144 {
        %sub3A = arith.constant 1 : i32
        %sub3A_228 = arith.subi %add3A_81, %sub3A : i32
        %mul3A_229 = arith.constant 128 : i32
        %mul3A_230 = arith.muli %sub3A_228, %mul3A_229 : i32
        %multiple_of3A_231 = tpu.assume_multiple %mul3A_230, 128 : i32
        %add3A_232 = arith.addi %multiple_of3A, %multiple_of3A_231 : i32
        %dma_wait3A_233 = arith.constant 1 : i32
        %dma_wait3A_234 = arith.constant 0 : i32
        %dma_wait3A_235 = arith.constant 0 : i32
        %dma_wait3A_236 = tpu.memref_slice %arg7[%dma_wait3A_233, %dma_wait3A_234, %dma_wait3A_235] : memref<2x128x128xf32, #tpu.memory_space<vmem>> -> memref<1x128x128xf32, #tpu.memory_space<vmem>>
        %dma_wait3A_237 = tpu.memref_squeeze %dma_wait3A_236 : memref<1x128x128xf32, #tpu.memory_space<vmem>> -> memref<128x128xf32, #tpu.memory_space<vmem>>
        %dma_wait3A_238 = arith.constant 0 : i32
        %dma_wait3A_239 = tpu.memref_slice %arg4[%add3A_232, %dma_wait3A_238] : memref<98304x128xf32, #tpu.memory_space<hbm>> -> memref<128x128xf32, #tpu.memory_space<hbm>>
        %dma_wait3A_240 = arith.constant 0 : i32
        %dma_wait3A_241 = tpu.memref_slice %arg4[%add3A_232, %dma_wait3A_240] : memref<98304x128xf32, #tpu.memory_space<hbm>> -> memref<128x128xf32, #tpu.memory_space<hbm>>
        %dma_wait3A_242 = arith.constant 0 : i32
        %dma_wait3A_243 = arith.constant 0 : i32
        %dma_wait3A_244 = tpu.memref_slice %arg7[%dma_wait3A_233, %dma_wait3A_242, %dma_wait3A_243] : memref<2x128x128xf32, #tpu.memory_space<vmem>> -> memref<1x128x128xf32, #tpu.memory_space<vmem>>
        %dma_wait3A_245 = tpu.memref_squeeze %dma_wait3A_244 : memref<1x128x128xf32, #tpu.memory_space<vmem>> -> memref<128x128xf32, #tpu.memory_space<vmem>>
        tpu.wait_dma2 semaphore(%arg12 : memref<!tpu.dma_semaphore, #tpu.memory_space<semaphore_mem>>) src(%dma_wait3A_245 : memref<128x128xf32, #tpu.memory_space<vmem>>) dst(%dma_wait3A_241 : memref<128x128xf32, #tpu.memory_space<hbm>>)
        %dma_wait3A_246 = arith.constant 1 : i32
        %dma_wait3A_247 = arith.constant 0 : i32
        %dma_wait3A_248 = arith.constant 0 : i32
        %dma_wait3A_249 = tpu.memref_slice %arg8[%dma_wait3A_246, %dma_wait3A_247, %dma_wait3A_248] : memref<2x128x128xf32, #tpu.memory_space<vmem>> -> memref<1x128x128xf32, #tpu.memory_space<vmem>>
        %dma_wait3A_250 = tpu.memref_squeeze %dma_wait3A_249 : memref<1x128x128xf32, #tpu.memory_space<vmem>> -> memref<128x128xf32, #tpu.memory_space<vmem>>
        %dma_wait3A_251 = arith.constant 0 : i32
        %dma_wait3A_252 = tpu.memref_slice %arg5[%add3A_232, %dma_wait3A_251] : memref<98304x128xf32, #tpu.memory_space<hbm>> -> memref<128x128xf32, #tpu.memory_space<hbm>>
        %dma_wait3A_253 = arith.constant 0 : i32
        %dma_wait3A_254 = tpu.memref_slice %arg5[%add3A_232, %dma_wait3A_253] : memref<98304x128xf32, #tpu.memory_space<hbm>> -> memref<128x128xf32, #tpu.memory_space<hbm>>
        %dma_wait3A_255 = arith.constant 0 : i32
        %dma_wait3A_256 = arith.constant 0 : i32
        %dma_wait3A_257 = tpu.memref_slice %arg8[%dma_wait3A_246, %dma_wait3A_255, %dma_wait3A_256] : memref<2x128x128xf32, #tpu.memory_space<vmem>> -> memref<1x128x128xf32, #tpu.memory_space<vmem>>
        %dma_wait3A_258 = tpu.memref_squeeze %dma_wait3A_257 : memref<1x128x128xf32, #tpu.memory_space<vmem>> -> memref<128x128xf32, #tpu.memory_space<vmem>>
        tpu.wait_dma2 semaphore(%arg12 : memref<!tpu.dma_semaphore, #tpu.memory_space<semaphore_mem>>) src(%dma_wait3A_258 : memref<128x128xf32, #tpu.memory_space<vmem>>) dst(%dma_wait3A_254 : memref<128x128xf32, #tpu.memory_space<hbm>>)
      } else {
      }
      %add3A_145 = arith.constant 1 : i32
      %add3A_146 = arith.addi %add3A_81, %add3A_145 : i32
      %lt3A = arith.constant 24 : i32
      %lt3A_147 = arith.cmpi slt, %add3A_146, %lt3A : i32
      %convert_element_type3A_148 = arith.extui %lt3A_147 : i1 to i32
      %cond3A_149 = arith.constant 0 : i32
      %cond3A_150 = arith.cmpi ne, %convert_element_type3A_148, %cond3A_149 : i32
      scf.if %cond3A_150 {
        %add3A_228 = arith.constant 1 : i32
        %add3A_229 = arith.addi %add3A_81, %add3A_228 : i32
        %mul3A_230 = arith.constant 128 : i32
        %mul3A_231 = arith.muli %add3A_229, %mul3A_230 : i32
        %multiple_of3A_232 = tpu.assume_multiple %mul3A_231, 128 : i32
        %dma_start3A_233 = arith.constant 0 : i32
        %dma_start3A_234 = arith.constant 1 : i32
        %dma_start3A_235 = arith.constant 0 : i32
        %dma_start3A_236 = arith.constant 0 : i32
        %dma_start3A_237 = tpu.memref_slice %arg7[%dma_start3A_234, %dma_start3A_235, %dma_start3A_236] : memref<2x128x128xf32, #tpu.memory_space<vmem>> -> memref<1x128x128xf32, #tpu.memory_space<vmem>>
        %dma_start3A_238 = tpu.memref_squeeze %dma_start3A_237 : memref<1x128x128xf32, #tpu.memory_space<vmem>> -> memref<128x128xf32, #tpu.memory_space<vmem>>
        %dma_start3A_239 = tpu.memref_slice %arg6[%multiple_of3A_232] : memref<3072xi32, #tpu.memory_space<vmem>> -> memref<128xi32, #tpu.memory_space<vmem>>
        %dma_start3A_240 = arith.constant 0 : i32
        %dma_start3A_241 = arith.constant 0 : i32
        %dma_start3A_242 = tpu.memref_slice %arg3[%dma_start3A_233, %dma_start3A_240, %dma_start3A_241] : memref<2x32000x128xf32, #tpu.memory_space<hbm>> -> memref<1x32000x128xf32, #tpu.memory_space<hbm>>
        %dma_start3A_243 = tpu.memref_squeeze %dma_start3A_242 : memref<1x32000x128xf32, #tpu.memory_space<hbm>> -> memref<32000x128xf32, #tpu.memory_space<hbm>>
        %dma_start3A_244 = arith.constant 0 : i32
        %dma_start3A_245 = arith.constant 0 : i32
        %dma_start3A_246 = tpu.memref_slice %dma_start3A_243[%dma_start3A_244, %dma_start3A_245] : memref<32000x128xf32, #tpu.memory_space<hbm>> -> memref<32000x128xf32, #tpu.memory_space<hbm>>
        tpu.enqueue_indirect_dma source(%dma_start3A_246 : memref<32000x128xf32, #tpu.memory_space<hbm>>) target(%dma_start3A_238 : memref<128x128xf32, #tpu.memory_space<vmem>>) offsets(%dma_start3A_239 : memref<128xi32, #tpu.memory_space<vmem>>) semaphore(%arg10 : memref<!tpu.dma_semaphore, #tpu.memory_space<semaphore_mem>>)
        %dma_start3A_247 = arith.constant 1 : i32
        %dma_start3A_248 = arith.constant 1 : i32
        %dma_start3A_249 = arith.constant 0 : i32
        %dma_start3A_250 = arith.constant 0 : i32
        %dma_start3A_251 = tpu.memref_slice %arg8[%dma_start3A_248, %dma_start3A_249, %dma_start3A_250] : memref<2x128x128xf32, #tpu.memory_space<vmem>> -> memref<1x128x128xf32, #tpu.memory_space<vmem>>
        %dma_start3A_252 = tpu.memref_squeeze %dma_start3A_251 : memref<1x128x128xf32, #tpu.memory_space<vmem>> -> memref<128x128xf32, #tpu.memory_space<vmem>>
        %dma_start3A_253 = tpu.memref_slice %arg6[%multiple_of3A_232] : memref<3072xi32, #tpu.memory_space<vmem>> -> memref<128xi32, #tpu.memory_space<vmem>>
        %dma_start3A_254 = arith.constant 0 : i32
        %dma_start3A_255 = arith.constant 0 : i32
        %dma_start3A_256 = tpu.memref_slice %arg3[%dma_start3A_247, %dma_start3A_254, %dma_start3A_255] : memref<2x32000x128xf32, #tpu.memory_space<hbm>> -> memref<1x32000x128xf32, #tpu.memory_space<hbm>>
        %dma_start3A_257 = tpu.memref_squeeze %dma_start3A_256 : memref<1x32000x128xf32, #tpu.memory_space<hbm>> -> memref<32000x128xf32, #tpu.memory_space<hbm>>
        %dma_start3A_258 = arith.constant 0 : i32
        %dma_start3A_259 = arith.constant 0 : i32
        %dma_start3A_260 = tpu.memref_slice %dma_start3A_257[%dma_start3A_258, %dma_start3A_259] : memref<32000x128xf32, #tpu.memory_space<hbm>> -> memref<32000x128xf32, #tpu.memory_space<hbm>>
        tpu.enqueue_indirect_dma source(%dma_start3A_260 : memref<32000x128xf32, #tpu.memory_space<hbm>>) target(%dma_start3A_252 : memref<128x128xf32, #tpu.memory_space<vmem>>) offsets(%dma_start3A_253 : memref<128xi32, #tpu.memory_space<vmem>>) semaphore(%arg10 : memref<!tpu.dma_semaphore, #tpu.memory_space<semaphore_mem>>)
      } else {
      }
      %mul3A_151 = arith.constant 2 : i32
      %mul3A_152 = arith.muli %scan3A_77, %mul3A_151 : i32
      %add3A_153 = arith.constant 1 : i32
      %add3A_154 = arith.addi %mul3A_152, %add3A_153 : i32
      %mul3A_155 = arith.constant 128 : i32
      %mul3A_156 = arith.muli %add3A_154, %mul3A_155 : i32
      %multiple_of3A_157 = tpu.assume_multiple %mul3A_156, 128 : i32
      %dma_wait3A_158 = arith.constant 0 : i32
      %dma_wait3A_159 = arith.constant 1 : i32
      %dma_wait3A_160 = arith.constant 0 : i32
      %dma_wait3A_161 = arith.constant 0 : i32
      %dma_wait3A_162 = tpu.memref_slice %arg7[%dma_wait3A_159, %dma_wait3A_160, %dma_wait3A_161] : memref<2x128x128xf32, #tpu.memory_space<vmem>> -> memref<1x128x128xf32, #tpu.memory_space<vmem>>
      %dma_wait3A_163 = tpu.memref_squeeze %dma_wait3A_162 : memref<1x128x128xf32, #tpu.memory_space<vmem>> -> memref<128x128xf32, #tpu.memory_space<vmem>>
      %dma_wait3A_164 = tpu.memref_slice %arg6[%multiple_of3A_157] : memref<3072xi32, #tpu.memory_space<vmem>> -> memref<128xi32, #tpu.memory_space<vmem>>
      %dma_wait3A_165 = arith.constant 0 : i32
      %dma_wait3A_166 = arith.constant 0 : i32
      %dma_wait3A_167 = tpu.memref_slice %arg3[%dma_wait3A_158, %dma_wait3A_165, %dma_wait3A_166] : memref<2x32000x128xf32, #tpu.memory_space<hbm>> -> memref<1x32000x128xf32, #tpu.memory_space<hbm>>
      %dma_wait3A_168 = tpu.memref_squeeze %dma_wait3A_167 : memref<1x32000x128xf32, #tpu.memory_space<hbm>> -> memref<32000x128xf32, #tpu.memory_space<hbm>>
      %dma_wait3A_169 = arith.constant 0 : i32
      %dma_wait3A_170 = arith.constant 0 : i32
      %dma_wait3A_171 = tpu.memref_slice %dma_wait3A_168[%dma_wait3A_169, %dma_wait3A_170] : memref<32000x128xf32, #tpu.memory_space<hbm>> -> memref<32000x128xf32, #tpu.memory_space<hbm>>
      tpu.wait_indirect_dma semaphore(%arg10 : memref<!tpu.dma_semaphore, #tpu.memory_space<semaphore_mem>>) src(%dma_wait3A_171 : memref<32000x128xf32, #tpu.memory_space<hbm>>) dst(%dma_wait3A_163 : memref<128x128xf32, #tpu.memory_space<vmem>>)
      %dma_wait3A_172 = arith.constant 1 : i32
      %dma_wait3A_173 = arith.constant 1 : i32
      %dma_wait3A_174 = arith.constant 0 : i32
      %dma_wait3A_175 = arith.constant 0 : i32
      %dma_wait3A_176 = tpu.memref_slice %arg8[%dma_wait3A_173, %dma_wait3A_174, %dma_wait3A_175] : memref<2x128x128xf32, #tpu.memory_space<vmem>> -> memref<1x128x128xf32, #tpu.memory_space<vmem>>
      %dma_wait3A_177 = tpu.memref_squeeze %dma_wait3A_176 : memref<1x128x128xf32, #tpu.memory_space<vmem>> -> memref<128x128xf32, #tpu.memory_space<vmem>>
      %dma_wait3A_178 = tpu.memref_slice %arg6[%multiple_of3A_157] : memref<3072xi32, #tpu.memory_space<vmem>> -> memref<128xi32, #tpu.memory_space<vmem>>
      %dma_wait3A_179 = arith.constant 0 : i32
      %dma_wait3A_180 = arith.constant 0 : i32
      %dma_wait3A_181 = tpu.memref_slice %arg3[%dma_wait3A_172, %dma_wait3A_179, %dma_wait3A_180] : memref<2x32000x128xf32, #tpu.memory_space<hbm>> -> memref<1x32000x128xf32, #tpu.memory_space<hbm>>
      %dma_wait3A_182 = tpu.memref_squeeze %dma_wait3A_181 : memref<1x32000x128xf32, #tpu.memory_space<hbm>> -> memref<32000x128xf32, #tpu.memory_space<hbm>>
      %dma_wait3A_183 = arith.constant 0 : i32
      %dma_wait3A_184 = arith.constant 0 : i32
      %dma_wait3A_185 = tpu.memref_slice %dma_wait3A_182[%dma_wait3A_183, %dma_wait3A_184] : memref<32000x128xf32, #tpu.memory_space<hbm>> -> memref<32000x128xf32, #tpu.memory_space<hbm>>
      tpu.wait_indirect_dma semaphore(%arg10 : memref<!tpu.dma_semaphore, #tpu.memory_space<semaphore_mem>>) src(%dma_wait3A_185 : memref<32000x128xf32, #tpu.memory_space<hbm>>) dst(%dma_wait3A_177 : memref<128x128xf32, #tpu.memory_space<vmem>>)
      %mul3A_186 = arith.constant 128 : i32
      %mul3A_187 = arith.muli %add3A_154, %mul3A_186 : i32
      %multiple_of3A_188 = tpu.assume_multiple %mul3A_187, 128 : i32
      %add3A_189 = arith.addi %multiple_of3A, %multiple_of3A_188 : i32
      %dma_start3A_190 = arith.constant 1 : i32
      %dma_start3A_191 = arith.constant 0 : i32
      %dma_start3A_192 = arith.constant 0 : i32
      %dma_start3A_193 = tpu.memref_slice %arg7[%dma_start3A_190, %dma_start3A_191, %dma_start3A_192] : memref<2x128x128xf32, #tpu.memory_space<vmem>> -> memref<1x128x128xf32, #tpu.memory_space<vmem>>
      %dma_start3A_194 = tpu.memref_squeeze %dma_start3A_193 : memref<1x128x128xf32, #tpu.memory_space<vmem>> -> memref<128x128xf32, #tpu.memory_space<vmem>>
      %dma_start3A_195 = arith.constant 0 : i32
      %dma_start3A_196 = tpu.memref_slice %arg4[%add3A_189, %dma_start3A_195] : memref<98304x128xf32, #tpu.memory_space<hbm>> -> memref<128x128xf32, #tpu.memory_space<hbm>>
      %dma_start3A_197 = arith.constant 0 : i32
      %dma_start3A_198 = tpu.memref_slice %arg4[%add3A_189, %dma_start3A_197] : memref<98304x128xf32, #tpu.memory_space<hbm>> -> memref<128x128xf32, #tpu.memory_space<hbm>>
      %dma_start3A_199 = arith.constant 0 : i32
      %dma_start3A_200 = arith.constant 0 : i32
      %dma_start3A_201 = tpu.memref_slice %arg7[%dma_start3A_190, %dma_start3A_199, %dma_start3A_200] : memref<2x128x128xf32, #tpu.memory_space<vmem>> -> memref<1x128x128xf32, #tpu.memory_space<vmem>>
      %dma_start3A_202 = tpu.memref_squeeze %dma_start3A_201 : memref<1x128x128xf32, #tpu.memory_space<vmem>> -> memref<128x128xf32, #tpu.memory_space<vmem>>
      tpu.enqueue_dma source(%dma_start3A_202 : memref<128x128xf32, #tpu.memory_space<vmem>>) target(%dma_start3A_198 : memref<128x128xf32, #tpu.memory_space<hbm>>) target_semaphore(%arg12 : memref<!tpu.dma_semaphore, #tpu.memory_space<semaphore_mem>>)
      %dma_start3A_203 = arith.constant 1 : i32
      %dma_start3A_204 = arith.constant 0 : i32
      %dma_start3A_205 = arith.constant 0 : i32
      %dma_start3A_206 = tpu.memref_slice %arg8[%dma_start3A_203, %dma_start3A_204, %dma_start3A_205] : memref<2x128x128xf32, #tpu.memory_space<vmem>> -> memref<1x128x128xf32, #tpu.memory_space<vmem>>
      %dma_start3A_207 = tpu.memref_squeeze %dma_start3A_206 : memref<1x128x128xf32, #tpu.memory_space<vmem>> -> memref<128x128xf32, #tpu.memory_space<vmem>>
      %dma_start3A_208 = arith.constant 0 : i32
      %dma_start3A_209 = tpu.memref_slice %arg5[%add3A_189, %dma_start3A_208] : memref<98304x128xf32, #tpu.memory_space<hbm>> -> memref<128x128xf32, #tpu.memory_space<hbm>>
      %dma_start3A_210 = arith.constant 0 : i32
      %dma_start3A_211 = tpu.memref_slice %arg5[%add3A_189, %dma_start3A_210] : memref<98304x128xf32, #tpu.memory_space<hbm>> -> memref<128x128xf32, #tpu.memory_space<hbm>>
      %dma_start3A_212 = arith.constant 0 : i32
      %dma_start3A_213 = arith.constant 0 : i32
      %dma_start3A_214 = tpu.memref_slice %arg8[%dma_start3A_203, %dma_start3A_212, %dma_start3A_213] : memref<2x128x128xf32, #tpu.memory_space<vmem>> -> memref<1x128x128xf32, #tpu.memory_space<vmem>>
      %dma_start3A_215 = tpu.memref_squeeze %dma_start3A_214 : memref<1x128x128xf32, #tpu.memory_space<vmem>> -> memref<128x128xf32, #tpu.memory_space<vmem>>
      tpu.enqueue_dma source(%dma_start3A_215 : memref<128x128xf32, #tpu.memory_space<vmem>>) target(%dma_start3A_211 : memref<128x128xf32, #tpu.memory_space<hbm>>) target_semaphore(%arg12 : memref<!tpu.dma_semaphore, #tpu.memory_space<semaphore_mem>>)
      %ge3A_216 = arith.constant 1 : i32
      %ge3A_217 = arith.cmpi sge, %add3A_154, %ge3A_216 : i32
      %convert_element_type3A_218 = arith.extui %ge3A_217 : i1 to i32
      %cond3A_219 = arith.constant 0 : i32
      %cond3A_220 = arith.cmpi ne, %convert_element_type3A_218, %cond3A_219 : i32
      scf.if %cond3A_220 {
        %sub3A = arith.constant 1 : i32
        %sub3A_228 = arith.subi %add3A_154, %sub3A : i32
        %mul3A_229 = arith.constant 128 : i32
        %mul3A_230 = arith.muli %sub3A_228, %mul3A_229 : i32
        %multiple_of3A_231 = tpu.assume_multiple %mul3A_230, 128 : i32
        %add3A_232 = arith.addi %multiple_of3A, %multiple_of3A_231 : i32
        %dma_wait3A_233 = arith.constant 0 : i32
        %dma_wait3A_234 = arith.constant 0 : i32
        %dma_wait3A_235 = arith.constant 0 : i32
        %dma_wait3A_236 = tpu.memref_slice %arg7[%dma_wait3A_233, %dma_wait3A_234, %dma_wait3A_235] : memref<2x128x128xf32, #tpu.memory_space<vmem>> -> memref<1x128x128xf32, #tpu.memory_space<vmem>>
        %dma_wait3A_237 = tpu.memref_squeeze %dma_wait3A_236 : memref<1x128x128xf32, #tpu.memory_space<vmem>> -> memref<128x128xf32, #tpu.memory_space<vmem>>
        %dma_wait3A_238 = arith.constant 0 : i32
        %dma_wait3A_239 = tpu.memref_slice %arg4[%add3A_232, %dma_wait3A_238] : memref<98304x128xf32, #tpu.memory_space<hbm>> -> memref<128x128xf32, #tpu.memory_space<hbm>>
        %dma_wait3A_240 = arith.constant 0 : i32
        %dma_wait3A_241 = tpu.memref_slice %arg4[%add3A_232, %dma_wait3A_240] : memref<98304x128xf32, #tpu.memory_space<hbm>> -> memref<128x128xf32, #tpu.memory_space<hbm>>
        %dma_wait3A_242 = arith.constant 0 : i32
        %dma_wait3A_243 = arith.constant 0 : i32
        %dma_wait3A_244 = tpu.memref_slice %arg7[%dma_wait3A_233, %dma_wait3A_242, %dma_wait3A_243] : memref<2x128x128xf32, #tpu.memory_space<vmem>> -> memref<1x128x128xf32, #tpu.memory_space<vmem>>
        %dma_wait3A_245 = tpu.memref_squeeze %dma_wait3A_244 : memref<1x128x128xf32, #tpu.memory_space<vmem>> -> memref<128x128xf32, #tpu.memory_space<vmem>>
        tpu.wait_dma2 semaphore(%arg11 : memref<!tpu.dma_semaphore, #tpu.memory_space<semaphore_mem>>) src(%dma_wait3A_245 : memref<128x128xf32, #tpu.memory_space<vmem>>) dst(%dma_wait3A_241 : memref<128x128xf32, #tpu.memory_space<hbm>>)
        %dma_wait3A_246 = arith.constant 0 : i32
        %dma_wait3A_247 = arith.constant 0 : i32
        %dma_wait3A_248 = arith.constant 0 : i32
        %dma_wait3A_249 = tpu.memref_slice %arg8[%dma_wait3A_246, %dma_wait3A_247, %dma_wait3A_248] : memref<2x128x128xf32, #tpu.memory_space<vmem>> -> memref<1x128x128xf32, #tpu.memory_space<vmem>>
        %dma_wait3A_250 = tpu.memref_squeeze %dma_wait3A_249 : memref<1x128x128xf32, #tpu.memory_space<vmem>> -> memref<128x128xf32, #tpu.memory_space<vmem>>
        %dma_wait3A_251 = arith.constant 0 : i32
        %dma_wait3A_252 = tpu.memref_slice %arg5[%add3A_232, %dma_wait3A_251] : memref<98304x128xf32, #tpu.memory_space<hbm>> -> memref<128x128xf32, #tpu.memory_space<hbm>>
        %dma_wait3A_253 = arith.constant 0 : i32
        %dma_wait3A_254 = tpu.memref_slice %arg5[%add3A_232, %dma_wait3A_253] : memref<98304x128xf32, #tpu.memory_space<hbm>> -> memref<128x128xf32, #tpu.memory_space<hbm>>
        %dma_wait3A_255 = arith.constant 0 : i32
        %dma_wait3A_256 = arith.constant 0 : i32
        %dma_wait3A_257 = tpu.memref_slice %arg8[%dma_wait3A_246, %dma_wait3A_255, %dma_wait3A_256] : memref<2x128x128xf32, #tpu.memory_space<vmem>> -> memref<1x128x128xf32, #tpu.memory_space<vmem>>
        %dma_wait3A_258 = tpu.memref_squeeze %dma_wait3A_257 : memref<1x128x128xf32, #tpu.memory_space<vmem>> -> memref<128x128xf32, #tpu.memory_space<vmem>>
        tpu.wait_dma2 semaphore(%arg11 : memref<!tpu.dma_semaphore, #tpu.memory_space<semaphore_mem>>) src(%dma_wait3A_258 : memref<128x128xf32, #tpu.memory_space<vmem>>) dst(%dma_wait3A_254 : memref<128x128xf32, #tpu.memory_space<hbm>>)
      } else {
      }
      %add3A_221 = arith.constant 1 : i32
      %add3A_222 = arith.addi %add3A_154, %add3A_221 : i32
      %lt3A_223 = arith.constant 24 : i32
      %lt3A_224 = arith.cmpi slt, %add3A_222, %lt3A_223 : i32
      %convert_element_type3A_225 = arith.extui %lt3A_224 : i1 to i32
      %cond3A_226 = arith.constant 0 : i32
      %cond3A_227 = arith.cmpi ne, %convert_element_type3A_225, %cond3A_226 : i32
      scf.if %cond3A_227 {
        %add3A_228 = arith.constant 1 : i32
        %add3A_229 = arith.addi %add3A_154, %add3A_228 : i32
        %mul3A_230 = arith.constant 128 : i32
        %mul3A_231 = arith.muli %add3A_229, %mul3A_230 : i32
        %multiple_of3A_232 = tpu.assume_multiple %mul3A_231, 128 : i32
        %dma_start3A_233 = arith.constant 0 : i32
        %dma_start3A_234 = arith.constant 0 : i32
        %dma_start3A_235 = arith.constant 0 : i32
        %dma_start3A_236 = arith.constant 0 : i32
        %dma_start3A_237 = tpu.memref_slice %arg7[%dma_start3A_234, %dma_start3A_235, %dma_start3A_236] : memref<2x128x128xf32, #tpu.memory_space<vmem>> -> memref<1x128x128xf32, #tpu.memory_space<vmem>>
        %dma_start3A_238 = tpu.memref_squeeze %dma_start3A_237 : memref<1x128x128xf32, #tpu.memory_space<vmem>> -> memref<128x128xf32, #tpu.memory_space<vmem>>
        %dma_start3A_239 = tpu.memref_slice %arg6[%multiple_of3A_232] : memref<3072xi32, #tpu.memory_space<vmem>> -> memref<128xi32, #tpu.memory_space<vmem>>
        %dma_start3A_240 = arith.constant 0 : i32
        %dma_start3A_241 = arith.constant 0 : i32
        %dma_start3A_242 = tpu.memref_slice %arg3[%dma_start3A_233, %dma_start3A_240, %dma_start3A_241] : memref<2x32000x128xf32, #tpu.memory_space<hbm>> -> memref<1x32000x128xf32, #tpu.memory_space<hbm>>
        %dma_start3A_243 = tpu.memref_squeeze %dma_start3A_242 : memref<1x32000x128xf32, #tpu.memory_space<hbm>> -> memref<32000x128xf32, #tpu.memory_space<hbm>>
        %dma_start3A_244 = arith.constant 0 : i32
        %dma_start3A_245 = arith.constant 0 : i32
        %dma_start3A_246 = tpu.memref_slice %dma_start3A_243[%dma_start3A_244, %dma_start3A_245] : memref<32000x128xf32, #tpu.memory_space<hbm>> -> memref<32000x128xf32, #tpu.memory_space<hbm>>
        tpu.enqueue_indirect_dma source(%dma_start3A_246 : memref<32000x128xf32, #tpu.memory_space<hbm>>) target(%dma_start3A_238 : memref<128x128xf32, #tpu.memory_space<vmem>>) offsets(%dma_start3A_239 : memref<128xi32, #tpu.memory_space<vmem>>) semaphore(%arg9 : memref<!tpu.dma_semaphore, #tpu.memory_space<semaphore_mem>>)
        %dma_start3A_247 = arith.constant 1 : i32
        %dma_start3A_248 = arith.constant 0 : i32
        %dma_start3A_249 = arith.constant 0 : i32
        %dma_start3A_250 = arith.constant 0 : i32
        %dma_start3A_251 = tpu.memref_slice %arg8[%dma_start3A_248, %dma_start3A_249, %dma_start3A_250] : memref<2x128x128xf32, #tpu.memory_space<vmem>> -> memref<1x128x128xf32, #tpu.memory_space<vmem>>
        %dma_start3A_252 = tpu.memref_squeeze %dma_start3A_251 : memref<1x128x128xf32, #tpu.memory_space<vmem>> -> memref<128x128xf32, #tpu.memory_space<vmem>>
        %dma_start3A_253 = tpu.memref_slice %arg6[%multiple_of3A_232] : memref<3072xi32, #tpu.memory_space<vmem>> -> memref<128xi32, #tpu.memory_space<vmem>>
        %dma_start3A_254 = arith.constant 0 : i32
        %dma_start3A_255 = arith.constant 0 : i32
        %dma_start3A_256 = tpu.memref_slice %arg3[%dma_start3A_247, %dma_start3A_254, %dma_start3A_255] : memref<2x32000x128xf32, #tpu.memory_space<hbm>> -> memref<1x32000x128xf32, #tpu.memory_space<hbm>>
        %dma_start3A_257 = tpu.memref_squeeze %dma_start3A_256 : memref<1x32000x128xf32, #tpu.memory_space<hbm>> -> memref<32000x128xf32, #tpu.memory_space<hbm>>
        %dma_start3A_258 = arith.constant 0 : i32
        %dma_start3A_259 = arith.constant 0 : i32
        %dma_start3A_260 = tpu.memref_slice %dma_start3A_257[%dma_start3A_258, %dma_start3A_259] : memref<32000x128xf32, #tpu.memory_space<hbm>> -> memref<32000x128xf32, #tpu.memory_space<hbm>>
        tpu.enqueue_indirect_dma source(%dma_start3A_260 : memref<32000x128xf32, #tpu.memory_space<hbm>>) target(%dma_start3A_252 : memref<128x128xf32, #tpu.memory_space<vmem>>) offsets(%dma_start3A_253 : memref<128xi32, #tpu.memory_space<vmem>>) semaphore(%arg9 : memref<!tpu.dma_semaphore, #tpu.memory_space<semaphore_mem>>)
      } else {
      }
    }
    %scan3A_48 = arith.constant 12 : i32
    %multiple_of3A_49 = arith.constant 2944 : i32
    %multiple_of3A_50 = tpu.assume_multiple %multiple_of3A_49, 128 : i32
    %add3A_51 = arith.addi %multiple_of3A, %multiple_of3A_50 : i32
    %dma_wait3A = arith.constant 1 : i32
    %dma_wait3A_52 = arith.constant 0 : i32
    %dma_wait3A_53 = arith.constant 0 : i32
    %dma_wait3A_54 = tpu.memref_slice %arg7[%dma_wait3A, %dma_wait3A_52, %dma_wait3A_53] : memref<2x128x128xf32, #tpu.memory_space<vmem>> -> memref<1x128x128xf32, #tpu.memory_space<vmem>>
    %dma_wait3A_55 = tpu.memref_squeeze %dma_wait3A_54 : memref<1x128x128xf32, #tpu.memory_space<vmem>> -> memref<128x128xf32, #tpu.memory_space<vmem>>
    %dma_wait3A_56 = arith.constant 0 : i32
    %dma_wait3A_57 = tpu.memref_slice %arg4[%add3A_51, %dma_wait3A_56] : memref<98304x128xf32, #tpu.memory_space<hbm>> -> memref<128x128xf32, #tpu.memory_space<hbm>>
    %dma_wait3A_58 = arith.constant 0 : i32
    %dma_wait3A_59 = tpu.memref_slice %arg4[%add3A_51, %dma_wait3A_58] : memref<98304x128xf32, #tpu.memory_space<hbm>> -> memref<128x128xf32, #tpu.memory_space<hbm>>
    %dma_wait3A_60 = arith.constant 0 : i32
    %dma_wait3A_61 = arith.constant 0 : i32
    %dma_wait3A_62 = tpu.memref_slice %arg7[%dma_wait3A, %dma_wait3A_60, %dma_wait3A_61] : memref<2x128x128xf32, #tpu.memory_space<vmem>> -> memref<1x128x128xf32, #tpu.memory_space<vmem>>
    %dma_wait3A_63 = tpu.memref_squeeze %dma_wait3A_62 : memref<1x128x128xf32, #tpu.memory_space<vmem>> -> memref<128x128xf32, #tpu.memory_space<vmem>>
    tpu.wait_dma2 semaphore(%arg12 : memref<!tpu.dma_semaphore, #tpu.memory_space<semaphore_mem>>) src(%dma_wait3A_63 : memref<128x128xf32, #tpu.memory_space<vmem>>) dst(%dma_wait3A_59 : memref<128x128xf32, #tpu.memory_space<hbm>>)
    %dma_wait3A_64 = arith.constant 1 : i32
    %dma_wait3A_65 = arith.constant 0 : i32
    %dma_wait3A_66 = arith.constant 0 : i32
    %dma_wait3A_67 = tpu.memref_slice %arg8[%dma_wait3A_64, %dma_wait3A_65, %dma_wait3A_66] : memref<2x128x128xf32, #tpu.memory_space<vmem>> -> memref<1x128x128xf32, #tpu.memory_space<vmem>>
    %dma_wait3A_68 = tpu.memref_squeeze %dma_wait3A_67 : memref<1x128x128xf32, #tpu.memory_space<vmem>> -> memref<128x128xf32, #tpu.memory_space<vmem>>
    %dma_wait3A_69 = arith.constant 0 : i32
    %dma_wait3A_70 = tpu.memref_slice %arg5[%add3A_51, %dma_wait3A_69] : memref<98304x128xf32, #tpu.memory_space<hbm>> -> memref<128x128xf32, #tpu.memory_space<hbm>>
    %dma_wait3A_71 = arith.constant 0 : i32
    %dma_wait3A_72 = tpu.memref_slice %arg5[%add3A_51, %dma_wait3A_71] : memref<98304x128xf32, #tpu.memory_space<hbm>> -> memref<128x128xf32, #tpu.memory_space<hbm>>
    %dma_wait3A_73 = arith.constant 0 : i32
    %dma_wait3A_74 = arith.constant 0 : i32
    %dma_wait3A_75 = tpu.memref_slice %arg8[%dma_wait3A_64, %dma_wait3A_73, %dma_wait3A_74] : memref<2x128x128xf32, #tpu.memory_space<vmem>> -> memref<1x128x128xf32, #tpu.memory_space<vmem>>
    %dma_wait3A_76 = tpu.memref_squeeze %dma_wait3A_75 : memref<1x128x128xf32, #tpu.memory_space<vmem>> -> memref<128x128xf32, #tpu.memory_space<vmem>>
    tpu.wait_dma2 semaphore(%arg12 : memref<!tpu.dma_semaphore, #tpu.memory_space<semaphore_mem>>) src(%dma_wait3A_76 : memref<128x128xf32, #tpu.memory_space<vmem>>) dst(%dma_wait3A_72 : memref<128x128xf32, #tpu.memory_space<hbm>>)
    return
  }
}

#map = affine_map<(d0, d1) -> (0)>
#map1 = affine_map<(d0, d1) -> (0, 0, 0)>
#map2 = affine_map<(d0, d1) -> (0, 0)>
module attributes {stable_mosaic.version = 14 : i64} {
  func.func @gather_k(%arg0: i32, %arg1: i32, %arg2: memref<106496xi32, #tpu.memory_space<hbm>>, %arg3: memref<2x32000x128xf32, #tpu.memory_space<hbm>>, %arg4: memref<106496x128xf32, #tpu.memory_space<hbm>>, %arg5: memref<106496x128xf32, #tpu.memory_space<hbm>>, %arg6: memref<3328xi32, #tpu.memory_space<vmem>>, %arg7: memref<2x128x128xf32, #tpu.memory_space<vmem>>, %arg8: memref<2x128x128xf32, #tpu.memory_space<vmem>>, %arg9: memref<!tpu.dma_semaphore, #tpu.memory_space<semaphore_mem>>, %arg10: memref<!tpu.dma_semaphore, #tpu.memory_space<semaphore_mem>>, %arg11: memref<!tpu.dma_semaphore, #tpu.memory_space<semaphore_mem>>, %arg12: memref<!tpu.dma_semaphore, #tpu.memory_space<semaphore_mem>>) attributes {dimension_semantics = [#tpu.dimension_semantics<core_parallel>, #tpu.dimension_semantics<subcore_parallel>], iteration_bounds = array<i64: 2, 16>, scalar_prefetch = 0 : i64, scratch_operands = 7 : i64, tpu.core_type = #tpu.core_type<sc_vector_subcore>, window_params = [{transform_indices = #map}, {transform_indices = #map1}, {transform_indices = #map2}, {transform_indices = #map2}]} {
    %mul3A = arith.constant 2 : i32
    %mul3A_0 = arith.muli %arg1, %mul3A : i32
    %add3A = arith.addi %mul3A_0, %arg0 : i32
    %mul3A_1 = arith.constant 3328 : i32
    %mul3A_2 = arith.muli %add3A, %mul3A_1 : i32
    %multiple_of3A = tpu.assume_multiple %mul3A_2, 3328 : i32
    "tpu.region"() ({
      %run_scoped3A = tpu.sem_alloc : memref<!tpu.dma_semaphore, #tpu.memory_space<semaphore_mem>>
      %dma_start3A_77 = tpu.memref_slice %arg2[%multiple_of3A] : memref<106496xi32, #tpu.memory_space<hbm>> -> memref<3328xi32, #tpu.memory_space<hbm>>
      %dma_start3A_78 = tpu.memref_slice %arg2[%multiple_of3A] : memref<106496xi32, #tpu.memory_space<hbm>> -> memref<3328xi32, #tpu.memory_space<hbm>>
      tpu.enqueue_dma source(%dma_start3A_78 : memref<3328xi32, #tpu.memory_space<hbm>>) target(%arg6 : memref<3328xi32, #tpu.memory_space<vmem>>) target_semaphore(%run_scoped3A : memref<!tpu.dma_semaphore, #tpu.memory_space<semaphore_mem>>)
      %dma_wait3A_79 = tpu.memref_slice %arg2[%multiple_of3A] : memref<106496xi32, #tpu.memory_space<hbm>> -> memref<3328xi32, #tpu.memory_space<hbm>>
      %dma_wait3A_80 = tpu.memref_slice %arg2[%multiple_of3A] : memref<106496xi32, #tpu.memory_space<hbm>> -> memref<3328xi32, #tpu.memory_space<hbm>>
      tpu.wait_dma2 semaphore(%run_scoped3A : memref<!tpu.dma_semaphore, #tpu.memory_space<semaphore_mem>>) src(%dma_wait3A_80 : memref<3328xi32, #tpu.memory_space<hbm>>) dst(%arg6 : memref<3328xi32, #tpu.memory_space<vmem>>)
      tpu.yield
    }) : () -> ()
    %scan3A = arith.constant 0 : i32
    %scan3A_3 = arith.constant 0 : i32
    %scan3A_4 = arith.constant 8 : i32
    %scan3A_5 = arith.addi %scan3A_3, %scan3A_4 : i32
    %scan3A_6 = arith.constant 1 : i32
    scf.for %scan3A_77 = %scan3A_3 to %scan3A_5 step %scan3A_6  : i32 {
      %mul3A_78 = arith.constant 16 : i32
      %mul3A_79 = arith.muli %scan3A_77, %mul3A_78 : i32
      %multiple_of3A_80 = tpu.assume_multiple %mul3A_79, 16 : i32
      %get3A = arith.index_cast %multiple_of3A_80 : i32 to index
      %get3A_81 = tpu.vector_load %arg6[%get3A] {strides = array<i32>} : memref<3328xi32, #tpu.memory_space<vmem>>, vector<16xi32>,
      %get3A_82 = vector.shape_cast %get3A_81 : vector<16xi32> to vector<16xi32>
      %rem3A = arith.constant 32000 : i32
      %rem3A_83 = vector.broadcast %rem3A : i32 to vector<16xi32>
      %rem3A_84 = arith.remsi %get3A_82, %rem3A_83 : vector<16xi32>
      %swap3A = arith.index_cast %multiple_of3A_80 : i32 to index
      %swap3A_85 = tpu.vector_load %arg6[%swap3A] {strides = array<i32>} : memref<3328xi32, #tpu.memory_space<vmem>>, vector<16xi32>,
      %swap3A_86 = vector.shape_cast %swap3A_85 : vector<16xi32> to vector<16xi32>
      %swap3A_87 = vector.shape_cast %rem3A_84 : vector<16xi32> to vector<16xi32>
      tpu.vector_store %arg6[%swap3A], %swap3A_87 {strides = array<i32>} : memref<3328xi32, #tpu.memory_space<vmem>>, vector<16xi32>,
    }
    %scan3A_7 = arith.constant 8 : i32
    %multiple_of3A_8 = arith.constant 0 : i32
    %multiple_of3A_9 = tpu.assume_multiple %multiple_of3A_8, 128 : i32
    %dma_start3A = arith.constant 0 : i32
    %dma_start3A_10 = arith.constant 0 : i32
    %dma_start3A_11 = arith.constant 0 : i32
    %dma_start3A_12 = arith.constant 0 : i32
    %dma_start3A_13 = tpu.memref_slice %arg7[%dma_start3A_10, %dma_start3A_11, %dma_start3A_12] : memref<2x128x128xf32, #tpu.memory_space<vmem>> -> memref<1x128x128xf32, #tpu.memory_space<vmem>>
    %dma_start3A_14 = tpu.memref_squeeze %dma_start3A_13 : memref<1x128x128xf32, #tpu.memory_space<vmem>> -> memref<128x128xf32, #tpu.memory_space<vmem>>
    %dma_start3A_15 = tpu.memref_slice %arg6[%multiple_of3A_9] : memref<3328xi32, #tpu.memory_space<vmem>> -> memref<128xi32, #tpu.memory_space<vmem>>
    %dma_start3A_16 = arith.constant 0 : i32
    %dma_start3A_17 = arith.constant 0 : i32
    %dma_start3A_18 = tpu.memref_slice %arg3[%dma_start3A, %dma_start3A_16, %dma_start3A_17] : memref<2x32000x128xf32, #tpu.memory_space<hbm>> -> memref<1x32000x128xf32, #tpu.memory_space<hbm>>
    %dma_start3A_19 = tpu.memref_squeeze %dma_start3A_18 : memref<1x32000x128xf32, #tpu.memory_space<hbm>> -> memref<32000x128xf32, #tpu.memory_space<hbm>>
    %dma_start3A_20 = arith.constant 0 : i32
    %dma_start3A_21 = arith.constant 0 : i32
    %dma_start3A_22 = tpu.memref_slice %dma_start3A_19[%dma_start3A_20, %dma_start3A_21] : memref<32000x128xf32, #tpu.memory_space<hbm>> -> memref<32000x128xf32, #tpu.memory_space<hbm>>
    tpu.enqueue_indirect_dma source(%dma_start3A_22 : memref<32000x128xf32, #tpu.memory_space<hbm>>) target(%dma_start3A_14 : memref<128x128xf32, #tpu.memory_space<vmem>>) offsets(%dma_start3A_15 : memref<128xi32, #tpu.memory_space<vmem>>) semaphore(%arg9 : memref<!tpu.dma_semaphore, #tpu.memory_space<semaphore_mem>>)
    %dma_start3A_23 = arith.constant 1 : i32
    %dma_start3A_24 = arith.constant 0 : i32
    %dma_start3A_25 = arith.constant 0 : i32
    %dma_start3A_26 = arith.constant 0 : i32
    %dma_start3A_27 = tpu.memref_slice %arg8[%dma_start3A_24, %dma_start3A_25, %dma_start3A_26] : memref<2x128x128xf32, #tpu.memory_space<vmem>> -> memref<1x128x128xf32, #tpu.memory_space<vmem>>
    %dma_start3A_28 = tpu.memref_squeeze %dma_start3A_27 : memref<1x128x128xf32, #tpu.memory_space<vmem>> -> memref<128x128xf32, #tpu.memory_space<vmem>>
    %dma_start3A_29 = tpu.memref_slice %arg6[%multiple_of3A_9] : memref<3328xi32, #tpu.memory_space<vmem>> -> memref<128xi32, #tpu.memory_space<vmem>>
    %dma_start3A_30 = arith.constant 0 : i32
    %dma_start3A_31 = arith.constant 0 : i32
    %dma_start3A_32 = tpu.memref_slice %arg3[%dma_start3A_23, %dma_start3A_30, %dma_start3A_31] : memref<2x32000x128xf32, #tpu.memory_space<hbm>> -> memref<1x32000x128xf32, #tpu.memory_space<hbm>>
    %dma_start3A_33 = tpu.memref_squeeze %dma_start3A_32 : memref<1x32000x128xf32, #tpu.memory_space<hbm>> -> memref<32000x128xf32, #tpu.memory_space<hbm>>
    %dma_start3A_34 = arith.constant 0 : i32
    %dma_start3A_35 = arith.constant 0 : i32
    %dma_start3A_36 = tpu.memref_slice %dma_start3A_33[%dma_start3A_34, %dma_start3A_35] : memref<32000x128xf32, #tpu.memory_space<hbm>> -> memref<32000x128xf32, #tpu.memory_space<hbm>>
    tpu.enqueue_indirect_dma source(%dma_start3A_36 : memref<32000x128xf32, #tpu.memory_space<hbm>>) target(%dma_start3A_28 : memref<128x128xf32, #tpu.memory_space<vmem>>) offsets(%dma_start3A_29 : memref<128xi32, #tpu.memory_space<vmem>>) semaphore(%arg9 : memref<!tpu.dma_semaphore, #tpu.memory_space<semaphore_mem>>)
    %scan3A_37 = arith.constant 0 : i32
    %scan3A_38 = arith.constant 8 : i32
    %scan3A_39 = arith.constant 200 : i32
    %scan3A_40 = arith.addi %scan3A_38, %scan3A_39 : i32
    %scan3A_41 = arith.constant 1 : i32
    scf.for %scan3A_77 = %scan3A_38 to %scan3A_40 step %scan3A_41  : i32 {
      %mul3A_78 = arith.constant 16 : i32
      %mul3A_79 = arith.muli %scan3A_77, %mul3A_78 : i32
      %multiple_of3A_80 = tpu.assume_multiple %mul3A_79, 16 : i32
      %get3A = arith.index_cast %multiple_of3A_80 : i32 to index
      %get3A_81 = tpu.vector_load %arg6[%get3A] {strides = array<i32>} : memref<3328xi32, #tpu.memory_space<vmem>>, vector<16xi32>,
      %get3A_82 = vector.shape_cast %get3A_81 : vector<16xi32> to vector<16xi32>
      %rem3A = arith.constant 32000 : i32
      %rem3A_83 = vector.broadcast %rem3A : i32 to vector<16xi32>
      %rem3A_84 = arith.remsi %get3A_82, %rem3A_83 : vector<16xi32>
      %swap3A = arith.index_cast %multiple_of3A_80 : i32 to index
      %swap3A_85 = tpu.vector_load %arg6[%swap3A] {strides = array<i32>} : memref<3328xi32, #tpu.memory_space<vmem>>, vector<16xi32>,
      %swap3A_86 = vector.shape_cast %swap3A_85 : vector<16xi32> to vector<16xi32>
      %swap3A_87 = vector.shape_cast %rem3A_84 : vector<16xi32> to vector<16xi32>
      tpu.vector_store %arg6[%swap3A], %swap3A_87 {strides = array<i32>} : memref<3328xi32, #tpu.memory_space<vmem>>, vector<16xi32>,
    }
    %scan3A_42 = arith.constant 200 : i32
    %scan3A_43 = arith.constant 0 : i32
    %scan3A_44 = arith.constant 0 : i32
    %scan3A_45 = arith.constant 13 : i32
    %scan3A_46 = arith.addi %scan3A_44, %scan3A_45 : i32
    %scan3A_47 = arith.constant 1 : i32
    scf.for %scan3A_77 = %scan3A_44 to %scan3A_46 step %scan3A_47  : i32 {
      %mul3A_78 = arith.constant 2 : i32
      %mul3A_79 = arith.muli %scan3A_77, %mul3A_78 : i32
      %add3A_80 = arith.constant 0 : i32
      %add3A_81 = arith.addi %mul3A_79, %add3A_80 : i32
      %mul3A_82 = arith.constant 128 : i32
      %mul3A_83 = arith.muli %add3A_81, %mul3A_82 : i32
      %multiple_of3A_84 = tpu.assume_multiple %mul3A_83, 128 : i32
      %dma_wait3A_85 = arith.constant 0 : i32
      %dma_wait3A_86 = arith.constant 0 : i32
      %dma_wait3A_87 = arith.constant 0 : i32
      %dma_wait3A_88 = arith.constant 0 : i32
      %dma_wait3A_89 = tpu.memref_slice %arg7[%dma_wait3A_86, %dma_wait3A_87, %dma_wait3A_88] : memref<2x128x128xf32, #tpu.memory_space<vmem>> -> memref<1x128x128xf32, #tpu.memory_space<vmem>>
      %dma_wait3A_90 = tpu.memref_squeeze %dma_wait3A_89 : memref<1x128x128xf32, #tpu.memory_space<vmem>> -> memref<128x128xf32, #tpu.memory_space<vmem>>
      %dma_wait3A_91 = tpu.memref_slice %arg6[%multiple_of3A_84] : memref<3328xi32, #tpu.memory_space<vmem>> -> memref<128xi32, #tpu.memory_space<vmem>>
      %dma_wait3A_92 = arith.constant 0 : i32
      %dma_wait3A_93 = arith.constant 0 : i32
      %dma_wait3A_94 = tpu.memref_slice %arg3[%dma_wait3A_85, %dma_wait3A_92, %dma_wait3A_93] : memref<2x32000x128xf32, #tpu.memory_space<hbm>> -> memref<1x32000x128xf32, #tpu.memory_space<hbm>>
      %dma_wait3A_95 = tpu.memref_squeeze %dma_wait3A_94 : memref<1x32000x128xf32, #tpu.memory_space<hbm>> -> memref<32000x128xf32, #tpu.memory_space<hbm>>
      %dma_wait3A_96 = arith.constant 0 : i32
      %dma_wait3A_97 = arith.constant 0 : i32
      %dma_wait3A_98 = tpu.memref_slice %dma_wait3A_95[%dma_wait3A_96, %dma_wait3A_97] : memref<32000x128xf32, #tpu.memory_space<hbm>> -> memref<32000x128xf32, #tpu.memory_space<hbm>>
      tpu.wait_indirect_dma semaphore(%arg9 : memref<!tpu.dma_semaphore, #tpu.memory_space<semaphore_mem>>) src(%dma_wait3A_98 : memref<32000x128xf32, #tpu.memory_space<hbm>>) dst(%dma_wait3A_90 : memref<128x128xf32, #tpu.memory_space<vmem>>)
      %dma_wait3A_99 = arith.constant 1 : i32
      %dma_wait3A_100 = arith.constant 0 : i32
      %dma_wait3A_101 = arith.constant 0 : i32
      %dma_wait3A_102 = arith.constant 0 : i32
      %dma_wait3A_103 = tpu.memref_slice %arg8[%dma_wait3A_100, %dma_wait3A_101, %dma_wait3A_102] : memref<2x128x128xf32, #tpu.memory_space<vmem>> -> memref<1x128x128xf32, #tpu.memory_space<vmem>>
      %dma_wait3A_104 = tpu.memref_squeeze %dma_wait3A_103 : memref<1x128x128xf32, #tpu.memory_space<vmem>> -> memref<128x128xf32, #tpu.memory_space<vmem>>
      %dma_wait3A_105 = tpu.memref_slice %arg6[%multiple_of3A_84] : memref<3328xi32, #tpu.memory_space<vmem>> -> memref<128xi32, #tpu.memory_space<vmem>>
      %dma_wait3A_106 = arith.constant 0 : i32
      %dma_wait3A_107 = arith.constant 0 : i32
      %dma_wait3A_108 = tpu.memref_slice %arg3[%dma_wait3A_99, %dma_wait3A_106, %dma_wait3A_107] : memref<2x32000x128xf32, #tpu.memory_space<hbm>> -> memref<1x32000x128xf32, #tpu.memory_space<hbm>>
      %dma_wait3A_109 = tpu.memref_squeeze %dma_wait3A_108 : memref<1x32000x128xf32, #tpu.memory_space<hbm>> -> memref<32000x128xf32, #tpu.memory_space<hbm>>
      %dma_wait3A_110 = arith.constant 0 : i32
      %dma_wait3A_111 = arith.constant 0 : i32
      %dma_wait3A_112 = tpu.memref_slice %dma_wait3A_109[%dma_wait3A_110, %dma_wait3A_111] : memref<32000x128xf32, #tpu.memory_space<hbm>> -> memref<32000x128xf32, #tpu.memory_space<hbm>>
      tpu.wait_indirect_dma semaphore(%arg9 : memref<!tpu.dma_semaphore, #tpu.memory_space<semaphore_mem>>) src(%dma_wait3A_112 : memref<32000x128xf32, #tpu.memory_space<hbm>>) dst(%dma_wait3A_104 : memref<128x128xf32, #tpu.memory_space<vmem>>)
      %mul3A_113 = arith.constant 128 : i32
      %mul3A_114 = arith.muli %add3A_81, %mul3A_113 : i32
      %multiple_of3A_115 = tpu.assume_multiple %mul3A_114, 128 : i32
      %add3A_116 = arith.addi %multiple_of3A, %multiple_of3A_115 : i32
      %dma_start3A_117 = arith.constant 0 : i32
      %dma_start3A_118 = arith.constant 0 : i32
      %dma_start3A_119 = arith.constant 0 : i32
      %dma_start3A_120 = tpu.memref_slice %arg7[%dma_start3A_117, %dma_start3A_118, %dma_start3A_119] : memref<2x128x128xf32, #tpu.memory_space<vmem>> -> memref<1x128x128xf32, #tpu.memory_space<vmem>>
      %dma_start3A_121 = tpu.memref_squeeze %dma_start3A_120 : memref<1x128x128xf32, #tpu.memory_space<vmem>> -> memref<128x128xf32, #tpu.memory_space<vmem>>
      %dma_start3A_122 = arith.constant 0 : i32
      %dma_start3A_123 = tpu.memref_slice %arg4[%add3A_116, %dma_start3A_122] : memref<106496x128xf32, #tpu.memory_space<hbm>> -> memref<128x128xf32, #tpu.memory_space<hbm>>
      %dma_start3A_124 = arith.constant 0 : i32
      %dma_start3A_125 = tpu.memref_slice %arg4[%add3A_116, %dma_start3A_124] : memref<106496x128xf32, #tpu.memory_space<hbm>> -> memref<128x128xf32, #tpu.memory_space<hbm>>
      %dma_start3A_126 = arith.constant 0 : i32
      %dma_start3A_127 = arith.constant 0 : i32
      %dma_start3A_128 = tpu.memref_slice %arg7[%dma_start3A_117, %dma_start3A_126, %dma_start3A_127] : memref<2x128x128xf32, #tpu.memory_space<vmem>> -> memref<1x128x128xf32, #tpu.memory_space<vmem>>
      %dma_start3A_129 = tpu.memref_squeeze %dma_start3A_128 : memref<1x128x128xf32, #tpu.memory_space<vmem>> -> memref<128x128xf32, #tpu.memory_space<vmem>>
      tpu.enqueue_dma source(%dma_start3A_129 : memref<128x128xf32, #tpu.memory_space<vmem>>) target(%dma_start3A_125 : memref<128x128xf32, #tpu.memory_space<hbm>>) target_semaphore(%arg11 : memref<!tpu.dma_semaphore, #tpu.memory_space<semaphore_mem>>)
      %dma_start3A_130 = arith.constant 0 : i32
      %dma_start3A_131 = arith.constant 0 : i32
      %dma_start3A_132 = arith.constant 0 : i32
      %dma_start3A_133 = tpu.memref_slice %arg8[%dma_start3A_130, %dma_start3A_131, %dma_start3A_132] : memref<2x128x128xf32, #tpu.memory_space<vmem>> -> memref<1x128x128xf32, #tpu.memory_space<vmem>>
      %dma_start3A_134 = tpu.memref_squeeze %dma_start3A_133 : memref<1x128x128xf32, #tpu.memory_space<vmem>> -> memref<128x128xf32, #tpu.memory_space<vmem>>
      %dma_start3A_135 = arith.constant 0 : i32
      %dma_start3A_136 = tpu.memref_slice %arg5[%add3A_116, %dma_start3A_135] : memref<106496x128xf32, #tpu.memory_space<hbm>> -> memref<128x128xf32, #tpu.memory_space<hbm>>
      %dma_start3A_137 = arith.constant 0 : i32
      %dma_start3A_138 = tpu.memref_slice %arg5[%add3A_116, %dma_start3A_137] : memref<106496x128xf32, #tpu.memory_space<hbm>> -> memref<128x128xf32, #tpu.memory_space<hbm>>
      %dma_start3A_139 = arith.constant 0 : i32
      %dma_start3A_140 = arith.constant 0 : i32
      %dma_start3A_141 = tpu.memref_slice %arg8[%dma_start3A_130, %dma_start3A_139, %dma_start3A_140] : memref<2x128x128xf32, #tpu.memory_space<vmem>> -> memref<1x128x128xf32, #tpu.memory_space<vmem>>
      %dma_start3A_142 = tpu.memref_squeeze %dma_start3A_141 : memref<1x128x128xf32, #tpu.memory_space<vmem>> -> memref<128x128xf32, #tpu.memory_space<vmem>>
      tpu.enqueue_dma source(%dma_start3A_142 : memref<128x128xf32, #tpu.memory_space<vmem>>) target(%dma_start3A_138 : memref<128x128xf32, #tpu.memory_space<hbm>>) target_semaphore(%arg11 : memref<!tpu.dma_semaphore, #tpu.memory_space<semaphore_mem>>)
      %ge3A = arith.constant 1 : i32
      %ge3A_143 = arith.cmpi sge, %add3A_81, %ge3A : i32
      %convert_element_type3A = arith.extui %ge3A_143 : i1 to i32
      %cond3A = arith.constant 0 : i32
      %cond3A_144 = arith.cmpi ne, %convert_element_type3A, %cond3A : i32
      scf.if %cond3A_144 {
        %sub3A = arith.constant 1 : i32
        %sub3A_228 = arith.subi %add3A_81, %sub3A : i32
        %mul3A_229 = arith.constant 128 : i32
        %mul3A_230 = arith.muli %sub3A_228, %mul3A_229 : i32
        %multiple_of3A_231 = tpu.assume_multiple %mul3A_230, 128 : i32
        %add3A_232 = arith.addi %multiple_of3A, %multiple_of3A_231 : i32
        %dma_wait3A_233 = arith.constant 1 : i32
        %dma_wait3A_234 = arith.constant 0 : i32
        %dma_wait3A_235 = arith.constant 0 : i32
        %dma_wait3A_236 = tpu.memref_slice %arg7[%dma_wait3A_233, %dma_wait3A_234, %dma_wait3A_235] : memref<2x128x128xf32, #tpu.memory_space<vmem>> -> memref<1x128x128xf32, #tpu.memory_space<vmem>>
        %dma_wait3A_237 = tpu.memref_squeeze %dma_wait3A_236 : memref<1x128x128xf32, #tpu.memory_space<vmem>> -> memref<128x128xf32, #tpu.memory_space<vmem>>
        %dma_wait3A_238 = arith.constant 0 : i32
        %dma_wait3A_239 = tpu.memref_slice %arg4[%add3A_232, %dma_wait3A_238] : memref<106496x128xf32, #tpu.memory_space<hbm>> -> memref<128x128xf32, #tpu.memory_space<hbm>>
        %dma_wait3A_240 = arith.constant 0 : i32
        %dma_wait3A_241 = tpu.memref_slice %arg4[%add3A_232, %dma_wait3A_240] : memref<106496x128xf32, #tpu.memory_space<hbm>> -> memref<128x128xf32, #tpu.memory_space<hbm>>
        %dma_wait3A_242 = arith.constant 0 : i32
        %dma_wait3A_243 = arith.constant 0 : i32
        %dma_wait3A_244 = tpu.memref_slice %arg7[%dma_wait3A_233, %dma_wait3A_242, %dma_wait3A_243] : memref<2x128x128xf32, #tpu.memory_space<vmem>> -> memref<1x128x128xf32, #tpu.memory_space<vmem>>
        %dma_wait3A_245 = tpu.memref_squeeze %dma_wait3A_244 : memref<1x128x128xf32, #tpu.memory_space<vmem>> -> memref<128x128xf32, #tpu.memory_space<vmem>>
        tpu.wait_dma2 semaphore(%arg12 : memref<!tpu.dma_semaphore, #tpu.memory_space<semaphore_mem>>) src(%dma_wait3A_245 : memref<128x128xf32, #tpu.memory_space<vmem>>) dst(%dma_wait3A_241 : memref<128x128xf32, #tpu.memory_space<hbm>>)
        %dma_wait3A_246 = arith.constant 1 : i32
        %dma_wait3A_247 = arith.constant 0 : i32
        %dma_wait3A_248 = arith.constant 0 : i32
        %dma_wait3A_249 = tpu.memref_slice %arg8[%dma_wait3A_246, %dma_wait3A_247, %dma_wait3A_248] : memref<2x128x128xf32, #tpu.memory_space<vmem>> -> memref<1x128x128xf32, #tpu.memory_space<vmem>>
        %dma_wait3A_250 = tpu.memref_squeeze %dma_wait3A_249 : memref<1x128x128xf32, #tpu.memory_space<vmem>> -> memref<128x128xf32, #tpu.memory_space<vmem>>
        %dma_wait3A_251 = arith.constant 0 : i32
        %dma_wait3A_252 = tpu.memref_slice %arg5[%add3A_232, %dma_wait3A_251] : memref<106496x128xf32, #tpu.memory_space<hbm>> -> memref<128x128xf32, #tpu.memory_space<hbm>>
        %dma_wait3A_253 = arith.constant 0 : i32
        %dma_wait3A_254 = tpu.memref_slice %arg5[%add3A_232, %dma_wait3A_253] : memref<106496x128xf32, #tpu.memory_space<hbm>> -> memref<128x128xf32, #tpu.memory_space<hbm>>
        %dma_wait3A_255 = arith.constant 0 : i32
        %dma_wait3A_256 = arith.constant 0 : i32
        %dma_wait3A_257 = tpu.memref_slice %arg8[%dma_wait3A_246, %dma_wait3A_255, %dma_wait3A_256] : memref<2x128x128xf32, #tpu.memory_space<vmem>> -> memref<1x128x128xf32, #tpu.memory_space<vmem>>
        %dma_wait3A_258 = tpu.memref_squeeze %dma_wait3A_257 : memref<1x128x128xf32, #tpu.memory_space<vmem>> -> memref<128x128xf32, #tpu.memory_space<vmem>>
        tpu.wait_dma2 semaphore(%arg12 : memref<!tpu.dma_semaphore, #tpu.memory_space<semaphore_mem>>) src(%dma_wait3A_258 : memref<128x128xf32, #tpu.memory_space<vmem>>) dst(%dma_wait3A_254 : memref<128x128xf32, #tpu.memory_space<hbm>>)
      } else {
      }
      %add3A_145 = arith.constant 1 : i32
      %add3A_146 = arith.addi %add3A_81, %add3A_145 : i32
      %lt3A = arith.constant 26 : i32
      %lt3A_147 = arith.cmpi slt, %add3A_146, %lt3A : i32
      %convert_element_type3A_148 = arith.extui %lt3A_147 : i1 to i32
      %cond3A_149 = arith.constant 0 : i32
      %cond3A_150 = arith.cmpi ne, %convert_element_type3A_148, %cond3A_149 : i32
      scf.if %cond3A_150 {
        %add3A_228 = arith.constant 1 : i32
        %add3A_229 = arith.addi %add3A_81, %add3A_228 : i32
        %mul3A_230 = arith.constant 128 : i32
        %mul3A_231 = arith.muli %add3A_229, %mul3A_230 : i32
        %multiple_of3A_232 = tpu.assume_multiple %mul3A_231, 128 : i32
        %dma_start3A_233 = arith.constant 0 : i32
        %dma_start3A_234 = arith.constant 1 : i32
        %dma_start3A_235 = arith.constant 0 : i32
        %dma_start3A_236 = arith.constant 0 : i32
        %dma_start3A_237 = tpu.memref_slice %arg7[%dma_start3A_234, %dma_start3A_235, %dma_start3A_236] : memref<2x128x128xf32, #tpu.memory_space<vmem>> -> memref<1x128x128xf32, #tpu.memory_space<vmem>>
        %dma_start3A_238 = tpu.memref_squeeze %dma_start3A_237 : memref<1x128x128xf32, #tpu.memory_space<vmem>> -> memref<128x128xf32, #tpu.memory_space<vmem>>
        %dma_start3A_239 = tpu.memref_slice %arg6[%multiple_of3A_232] : memref<3328xi32, #tpu.memory_space<vmem>> -> memref<128xi32, #tpu.memory_space<vmem>>
        %dma_start3A_240 = arith.constant 0 : i32
        %dma_start3A_241 = arith.constant 0 : i32
        %dma_start3A_242 = tpu.memref_slice %arg3[%dma_start3A_233, %dma_start3A_240, %dma_start3A_241] : memref<2x32000x128xf32, #tpu.memory_space<hbm>> -> memref<1x32000x128xf32, #tpu.memory_space<hbm>>
        %dma_start3A_243 = tpu.memref_squeeze %dma_start3A_242 : memref<1x32000x128xf32, #tpu.memory_space<hbm>> -> memref<32000x128xf32, #tpu.memory_space<hbm>>
        %dma_start3A_244 = arith.constant 0 : i32
        %dma_start3A_245 = arith.constant 0 : i32
        %dma_start3A_246 = tpu.memref_slice %dma_start3A_243[%dma_start3A_244, %dma_start3A_245] : memref<32000x128xf32, #tpu.memory_space<hbm>> -> memref<32000x128xf32, #tpu.memory_space<hbm>>
        tpu.enqueue_indirect_dma source(%dma_start3A_246 : memref<32000x128xf32, #tpu.memory_space<hbm>>) target(%dma_start3A_238 : memref<128x128xf32, #tpu.memory_space<vmem>>) offsets(%dma_start3A_239 : memref<128xi32, #tpu.memory_space<vmem>>) semaphore(%arg10 : memref<!tpu.dma_semaphore, #tpu.memory_space<semaphore_mem>>)
        %dma_start3A_247 = arith.constant 1 : i32
        %dma_start3A_248 = arith.constant 1 : i32
        %dma_start3A_249 = arith.constant 0 : i32
        %dma_start3A_250 = arith.constant 0 : i32
        %dma_start3A_251 = tpu.memref_slice %arg8[%dma_start3A_248, %dma_start3A_249, %dma_start3A_250] : memref<2x128x128xf32, #tpu.memory_space<vmem>> -> memref<1x128x128xf32, #tpu.memory_space<vmem>>
        %dma_start3A_252 = tpu.memref_squeeze %dma_start3A_251 : memref<1x128x128xf32, #tpu.memory_space<vmem>> -> memref<128x128xf32, #tpu.memory_space<vmem>>
        %dma_start3A_253 = tpu.memref_slice %arg6[%multiple_of3A_232] : memref<3328xi32, #tpu.memory_space<vmem>> -> memref<128xi32, #tpu.memory_space<vmem>>
        %dma_start3A_254 = arith.constant 0 : i32
        %dma_start3A_255 = arith.constant 0 : i32
        %dma_start3A_256 = tpu.memref_slice %arg3[%dma_start3A_247, %dma_start3A_254, %dma_start3A_255] : memref<2x32000x128xf32, #tpu.memory_space<hbm>> -> memref<1x32000x128xf32, #tpu.memory_space<hbm>>
        %dma_start3A_257 = tpu.memref_squeeze %dma_start3A_256 : memref<1x32000x128xf32, #tpu.memory_space<hbm>> -> memref<32000x128xf32, #tpu.memory_space<hbm>>
        %dma_start3A_258 = arith.constant 0 : i32
        %dma_start3A_259 = arith.constant 0 : i32
        %dma_start3A_260 = tpu.memref_slice %dma_start3A_257[%dma_start3A_258, %dma_start3A_259] : memref<32000x128xf32, #tpu.memory_space<hbm>> -> memref<32000x128xf32, #tpu.memory_space<hbm>>
        tpu.enqueue_indirect_dma source(%dma_start3A_260 : memref<32000x128xf32, #tpu.memory_space<hbm>>) target(%dma_start3A_252 : memref<128x128xf32, #tpu.memory_space<vmem>>) offsets(%dma_start3A_253 : memref<128xi32, #tpu.memory_space<vmem>>) semaphore(%arg10 : memref<!tpu.dma_semaphore, #tpu.memory_space<semaphore_mem>>)
      } else {
      }
      %mul3A_151 = arith.constant 2 : i32
      %mul3A_152 = arith.muli %scan3A_77, %mul3A_151 : i32
      %add3A_153 = arith.constant 1 : i32
      %add3A_154 = arith.addi %mul3A_152, %add3A_153 : i32
      %mul3A_155 = arith.constant 128 : i32
      %mul3A_156 = arith.muli %add3A_154, %mul3A_155 : i32
      %multiple_of3A_157 = tpu.assume_multiple %mul3A_156, 128 : i32
      %dma_wait3A_158 = arith.constant 0 : i32
      %dma_wait3A_159 = arith.constant 1 : i32
      %dma_wait3A_160 = arith.constant 0 : i32
      %dma_wait3A_161 = arith.constant 0 : i32
      %dma_wait3A_162 = tpu.memref_slice %arg7[%dma_wait3A_159, %dma_wait3A_160, %dma_wait3A_161] : memref<2x128x128xf32, #tpu.memory_space<vmem>> -> memref<1x128x128xf32, #tpu.memory_space<vmem>>
      %dma_wait3A_163 = tpu.memref_squeeze %dma_wait3A_162 : memref<1x128x128xf32, #tpu.memory_space<vmem>> -> memref<128x128xf32, #tpu.memory_space<vmem>>
      %dma_wait3A_164 = tpu.memref_slice %arg6[%multiple_of3A_157] : memref<3328xi32, #tpu.memory_space<vmem>> -> memref<128xi32, #tpu.memory_space<vmem>>
      %dma_wait3A_165 = arith.constant 0 : i32
      %dma_wait3A_166 = arith.constant 0 : i32
      %dma_wait3A_167 = tpu.memref_slice %arg3[%dma_wait3A_158, %dma_wait3A_165, %dma_wait3A_166] : memref<2x32000x128xf32, #tpu.memory_space<hbm>> -> memref<1x32000x128xf32, #tpu.memory_space<hbm>>
      %dma_wait3A_168 = tpu.memref_squeeze %dma_wait3A_167 : memref<1x32000x128xf32, #tpu.memory_space<hbm>> -> memref<32000x128xf32, #tpu.memory_space<hbm>>
      %dma_wait3A_169 = arith.constant 0 : i32
      %dma_wait3A_170 = arith.constant 0 : i32
      %dma_wait3A_171 = tpu.memref_slice %dma_wait3A_168[%dma_wait3A_169, %dma_wait3A_170] : memref<32000x128xf32, #tpu.memory_space<hbm>> -> memref<32000x128xf32, #tpu.memory_space<hbm>>
      tpu.wait_indirect_dma semaphore(%arg10 : memref<!tpu.dma_semaphore, #tpu.memory_space<semaphore_mem>>) src(%dma_wait3A_171 : memref<32000x128xf32, #tpu.memory_space<hbm>>) dst(%dma_wait3A_163 : memref<128x128xf32, #tpu.memory_space<vmem>>)
      %dma_wait3A_172 = arith.constant 1 : i32
      %dma_wait3A_173 = arith.constant 1 : i32
      %dma_wait3A_174 = arith.constant 0 : i32
      %dma_wait3A_175 = arith.constant 0 : i32
      %dma_wait3A_176 = tpu.memref_slice %arg8[%dma_wait3A_173, %dma_wait3A_174, %dma_wait3A_175] : memref<2x128x128xf32, #tpu.memory_space<vmem>> -> memref<1x128x128xf32, #tpu.memory_space<vmem>>
      %dma_wait3A_177 = tpu.memref_squeeze %dma_wait3A_176 : memref<1x128x128xf32, #tpu.memory_space<vmem>> -> memref<128x128xf32, #tpu.memory_space<vmem>>
      %dma_wait3A_178 = tpu.memref_slice %arg6[%multiple_of3A_157] : memref<3328xi32, #tpu.memory_space<vmem>> -> memref<128xi32, #tpu.memory_space<vmem>>
      %dma_wait3A_179 = arith.constant 0 : i32
      %dma_wait3A_180 = arith.constant 0 : i32
      %dma_wait3A_181 = tpu.memref_slice %arg3[%dma_wait3A_172, %dma_wait3A_179, %dma_wait3A_180] : memref<2x32000x128xf32, #tpu.memory_space<hbm>> -> memref<1x32000x128xf32, #tpu.memory_space<hbm>>
      %dma_wait3A_182 = tpu.memref_squeeze %dma_wait3A_181 : memref<1x32000x128xf32, #tpu.memory_space<hbm>> -> memref<32000x128xf32, #tpu.memory_space<hbm>>
      %dma_wait3A_183 = arith.constant 0 : i32
      %dma_wait3A_184 = arith.constant 0 : i32
      %dma_wait3A_185 = tpu.memref_slice %dma_wait3A_182[%dma_wait3A_183, %dma_wait3A_184] : memref<32000x128xf32, #tpu.memory_space<hbm>> -> memref<32000x128xf32, #tpu.memory_space<hbm>>
      tpu.wait_indirect_dma semaphore(%arg10 : memref<!tpu.dma_semaphore, #tpu.memory_space<semaphore_mem>>) src(%dma_wait3A_185 : memref<32000x128xf32, #tpu.memory_space<hbm>>) dst(%dma_wait3A_177 : memref<128x128xf32, #tpu.memory_space<vmem>>)
      %mul3A_186 = arith.constant 128 : i32
      %mul3A_187 = arith.muli %add3A_154, %mul3A_186 : i32
      %multiple_of3A_188 = tpu.assume_multiple %mul3A_187, 128 : i32
      %add3A_189 = arith.addi %multiple_of3A, %multiple_of3A_188 : i32
      %dma_start3A_190 = arith.constant 1 : i32
      %dma_start3A_191 = arith.constant 0 : i32
      %dma_start3A_192 = arith.constant 0 : i32
      %dma_start3A_193 = tpu.memref_slice %arg7[%dma_start3A_190, %dma_start3A_191, %dma_start3A_192] : memref<2x128x128xf32, #tpu.memory_space<vmem>> -> memref<1x128x128xf32, #tpu.memory_space<vmem>>
      %dma_start3A_194 = tpu.memref_squeeze %dma_start3A_193 : memref<1x128x128xf32, #tpu.memory_space<vmem>> -> memref<128x128xf32, #tpu.memory_space<vmem>>
      %dma_start3A_195 = arith.constant 0 : i32
      %dma_start3A_196 = tpu.memref_slice %arg4[%add3A_189, %dma_start3A_195] : memref<106496x128xf32, #tpu.memory_space<hbm>> -> memref<128x128xf32, #tpu.memory_space<hbm>>
      %dma_start3A_197 = arith.constant 0 : i32
      %dma_start3A_198 = tpu.memref_slice %arg4[%add3A_189, %dma_start3A_197] : memref<106496x128xf32, #tpu.memory_space<hbm>> -> memref<128x128xf32, #tpu.memory_space<hbm>>
      %dma_start3A_199 = arith.constant 0 : i32
      %dma_start3A_200 = arith.constant 0 : i32
      %dma_start3A_201 = tpu.memref_slice %arg7[%dma_start3A_190, %dma_start3A_199, %dma_start3A_200] : memref<2x128x128xf32, #tpu.memory_space<vmem>> -> memref<1x128x128xf32, #tpu.memory_space<vmem>>
      %dma_start3A_202 = tpu.memref_squeeze %dma_start3A_201 : memref<1x128x128xf32, #tpu.memory_space<vmem>> -> memref<128x128xf32, #tpu.memory_space<vmem>>
      tpu.enqueue_dma source(%dma_start3A_202 : memref<128x128xf32, #tpu.memory_space<vmem>>) target(%dma_start3A_198 : memref<128x128xf32, #tpu.memory_space<hbm>>) target_semaphore(%arg12 : memref<!tpu.dma_semaphore, #tpu.memory_space<semaphore_mem>>)
      %dma_start3A_203 = arith.constant 1 : i32
      %dma_start3A_204 = arith.constant 0 : i32
      %dma_start3A_205 = arith.constant 0 : i32
      %dma_start3A_206 = tpu.memref_slice %arg8[%dma_start3A_203, %dma_start3A_204, %dma_start3A_205] : memref<2x128x128xf32, #tpu.memory_space<vmem>> -> memref<1x128x128xf32, #tpu.memory_space<vmem>>
      %dma_start3A_207 = tpu.memref_squeeze %dma_start3A_206 : memref<1x128x128xf32, #tpu.memory_space<vmem>> -> memref<128x128xf32, #tpu.memory_space<vmem>>
      %dma_start3A_208 = arith.constant 0 : i32
      %dma_start3A_209 = tpu.memref_slice %arg5[%add3A_189, %dma_start3A_208] : memref<106496x128xf32, #tpu.memory_space<hbm>> -> memref<128x128xf32, #tpu.memory_space<hbm>>
      %dma_start3A_210 = arith.constant 0 : i32
      %dma_start3A_211 = tpu.memref_slice %arg5[%add3A_189, %dma_start3A_210] : memref<106496x128xf32, #tpu.memory_space<hbm>> -> memref<128x128xf32, #tpu.memory_space<hbm>>
      %dma_start3A_212 = arith.constant 0 : i32
      %dma_start3A_213 = arith.constant 0 : i32
      %dma_start3A_214 = tpu.memref_slice %arg8[%dma_start3A_203, %dma_start3A_212, %dma_start3A_213] : memref<2x128x128xf32, #tpu.memory_space<vmem>> -> memref<1x128x128xf32, #tpu.memory_space<vmem>>
      %dma_start3A_215 = tpu.memref_squeeze %dma_start3A_214 : memref<1x128x128xf32, #tpu.memory_space<vmem>> -> memref<128x128xf32, #tpu.memory_space<vmem>>
      tpu.enqueue_dma source(%dma_start3A_215 : memref<128x128xf32, #tpu.memory_space<vmem>>) target(%dma_start3A_211 : memref<128x128xf32, #tpu.memory_space<hbm>>) target_semaphore(%arg12 : memref<!tpu.dma_semaphore, #tpu.memory_space<semaphore_mem>>)
      %ge3A_216 = arith.constant 1 : i32
      %ge3A_217 = arith.cmpi sge, %add3A_154, %ge3A_216 : i32
      %convert_element_type3A_218 = arith.extui %ge3A_217 : i1 to i32
      %cond3A_219 = arith.constant 0 : i32
      %cond3A_220 = arith.cmpi ne, %convert_element_type3A_218, %cond3A_219 : i32
      scf.if %cond3A_220 {
        %sub3A = arith.constant 1 : i32
        %sub3A_228 = arith.subi %add3A_154, %sub3A : i32
        %mul3A_229 = arith.constant 128 : i32
        %mul3A_230 = arith.muli %sub3A_228, %mul3A_229 : i32
        %multiple_of3A_231 = tpu.assume_multiple %mul3A_230, 128 : i32
        %add3A_232 = arith.addi %multiple_of3A, %multiple_of3A_231 : i32
        %dma_wait3A_233 = arith.constant 0 : i32
        %dma_wait3A_234 = arith.constant 0 : i32
        %dma_wait3A_235 = arith.constant 0 : i32
        %dma_wait3A_236 = tpu.memref_slice %arg7[%dma_wait3A_233, %dma_wait3A_234, %dma_wait3A_235] : memref<2x128x128xf32, #tpu.memory_space<vmem>> -> memref<1x128x128xf32, #tpu.memory_space<vmem>>
        %dma_wait3A_237 = tpu.memref_squeeze %dma_wait3A_236 : memref<1x128x128xf32, #tpu.memory_space<vmem>> -> memref<128x128xf32, #tpu.memory_space<vmem>>
        %dma_wait3A_238 = arith.constant 0 : i32
        %dma_wait3A_239 = tpu.memref_slice %arg4[%add3A_232, %dma_wait3A_238] : memref<106496x128xf32, #tpu.memory_space<hbm>> -> memref<128x128xf32, #tpu.memory_space<hbm>>
        %dma_wait3A_240 = arith.constant 0 : i32
        %dma_wait3A_241 = tpu.memref_slice %arg4[%add3A_232, %dma_wait3A_240] : memref<106496x128xf32, #tpu.memory_space<hbm>> -> memref<128x128xf32, #tpu.memory_space<hbm>>
        %dma_wait3A_242 = arith.constant 0 : i32
        %dma_wait3A_243 = arith.constant 0 : i32
        %dma_wait3A_244 = tpu.memref_slice %arg7[%dma_wait3A_233, %dma_wait3A_242, %dma_wait3A_243] : memref<2x128x128xf32, #tpu.memory_space<vmem>> -> memref<1x128x128xf32, #tpu.memory_space<vmem>>
        %dma_wait3A_245 = tpu.memref_squeeze %dma_wait3A_244 : memref<1x128x128xf32, #tpu.memory_space<vmem>> -> memref<128x128xf32, #tpu.memory_space<vmem>>
        tpu.wait_dma2 semaphore(%arg11 : memref<!tpu.dma_semaphore, #tpu.memory_space<semaphore_mem>>) src(%dma_wait3A_245 : memref<128x128xf32, #tpu.memory_space<vmem>>) dst(%dma_wait3A_241 : memref<128x128xf32, #tpu.memory_space<hbm>>)
        %dma_wait3A_246 = arith.constant 0 : i32
        %dma_wait3A_247 = arith.constant 0 : i32
        %dma_wait3A_248 = arith.constant 0 : i32
        %dma_wait3A_249 = tpu.memref_slice %arg8[%dma_wait3A_246, %dma_wait3A_247, %dma_wait3A_248] : memref<2x128x128xf32, #tpu.memory_space<vmem>> -> memref<1x128x128xf32, #tpu.memory_space<vmem>>
        %dma_wait3A_250 = tpu.memref_squeeze %dma_wait3A_249 : memref<1x128x128xf32, #tpu.memory_space<vmem>> -> memref<128x128xf32, #tpu.memory_space<vmem>>
        %dma_wait3A_251 = arith.constant 0 : i32
        %dma_wait3A_252 = tpu.memref_slice %arg5[%add3A_232, %dma_wait3A_251] : memref<106496x128xf32, #tpu.memory_space<hbm>> -> memref<128x128xf32, #tpu.memory_space<hbm>>
        %dma_wait3A_253 = arith.constant 0 : i32
        %dma_wait3A_254 = tpu.memref_slice %arg5[%add3A_232, %dma_wait3A_253] : memref<106496x128xf32, #tpu.memory_space<hbm>> -> memref<128x128xf32, #tpu.memory_space<hbm>>
        %dma_wait3A_255 = arith.constant 0 : i32
        %dma_wait3A_256 = arith.constant 0 : i32
        %dma_wait3A_257 = tpu.memref_slice %arg8[%dma_wait3A_246, %dma_wait3A_255, %dma_wait3A_256] : memref<2x128x128xf32, #tpu.memory_space<vmem>> -> memref<1x128x128xf32, #tpu.memory_space<vmem>>
        %dma_wait3A_258 = tpu.memref_squeeze %dma_wait3A_257 : memref<1x128x128xf32, #tpu.memory_space<vmem>> -> memref<128x128xf32, #tpu.memory_space<vmem>>
        tpu.wait_dma2 semaphore(%arg11 : memref<!tpu.dma_semaphore, #tpu.memory_space<semaphore_mem>>) src(%dma_wait3A_258 : memref<128x128xf32, #tpu.memory_space<vmem>>) dst(%dma_wait3A_254 : memref<128x128xf32, #tpu.memory_space<hbm>>)
      } else {
      }
      %add3A_221 = arith.constant 1 : i32
      %add3A_222 = arith.addi %add3A_154, %add3A_221 : i32
      %lt3A_223 = arith.constant 26 : i32
      %lt3A_224 = arith.cmpi slt, %add3A_222, %lt3A_223 : i32
      %convert_element_type3A_225 = arith.extui %lt3A_224 : i1 to i32
      %cond3A_226 = arith.constant 0 : i32
      %cond3A_227 = arith.cmpi ne, %convert_element_type3A_225, %cond3A_226 : i32
      scf.if %cond3A_227 {
        %add3A_228 = arith.constant 1 : i32
        %add3A_229 = arith.addi %add3A_154, %add3A_228 : i32
        %mul3A_230 = arith.constant 128 : i32
        %mul3A_231 = arith.muli %add3A_229, %mul3A_230 : i32
        %multiple_of3A_232 = tpu.assume_multiple %mul3A_231, 128 : i32
        %dma_start3A_233 = arith.constant 0 : i32
        %dma_start3A_234 = arith.constant 0 : i32
        %dma_start3A_235 = arith.constant 0 : i32
        %dma_start3A_236 = arith.constant 0 : i32
        %dma_start3A_237 = tpu.memref_slice %arg7[%dma_start3A_234, %dma_start3A_235, %dma_start3A_236] : memref<2x128x128xf32, #tpu.memory_space<vmem>> -> memref<1x128x128xf32, #tpu.memory_space<vmem>>
        %dma_start3A_238 = tpu.memref_squeeze %dma_start3A_237 : memref<1x128x128xf32, #tpu.memory_space<vmem>> -> memref<128x128xf32, #tpu.memory_space<vmem>>
        %dma_start3A_239 = tpu.memref_slice %arg6[%multiple_of3A_232] : memref<3328xi32, #tpu.memory_space<vmem>> -> memref<128xi32, #tpu.memory_space<vmem>>
        %dma_start3A_240 = arith.constant 0 : i32
        %dma_start3A_241 = arith.constant 0 : i32
        %dma_start3A_242 = tpu.memref_slice %arg3[%dma_start3A_233, %dma_start3A_240, %dma_start3A_241] : memref<2x32000x128xf32, #tpu.memory_space<hbm>> -> memref<1x32000x128xf32, #tpu.memory_space<hbm>>
        %dma_start3A_243 = tpu.memref_squeeze %dma_start3A_242 : memref<1x32000x128xf32, #tpu.memory_space<hbm>> -> memref<32000x128xf32, #tpu.memory_space<hbm>>
        %dma_start3A_244 = arith.constant 0 : i32
        %dma_start3A_245 = arith.constant 0 : i32
        %dma_start3A_246 = tpu.memref_slice %dma_start3A_243[%dma_start3A_244, %dma_start3A_245] : memref<32000x128xf32, #tpu.memory_space<hbm>> -> memref<32000x128xf32, #tpu.memory_space<hbm>>
        tpu.enqueue_indirect_dma source(%dma_start3A_246 : memref<32000x128xf32, #tpu.memory_space<hbm>>) target(%dma_start3A_238 : memref<128x128xf32, #tpu.memory_space<vmem>>) offsets(%dma_start3A_239 : memref<128xi32, #tpu.memory_space<vmem>>) semaphore(%arg9 : memref<!tpu.dma_semaphore, #tpu.memory_space<semaphore_mem>>)
        %dma_start3A_247 = arith.constant 1 : i32
        %dma_start3A_248 = arith.constant 0 : i32
        %dma_start3A_249 = arith.constant 0 : i32
        %dma_start3A_250 = arith.constant 0 : i32
        %dma_start3A_251 = tpu.memref_slice %arg8[%dma_start3A_248, %dma_start3A_249, %dma_start3A_250] : memref<2x128x128xf32, #tpu.memory_space<vmem>> -> memref<1x128x128xf32, #tpu.memory_space<vmem>>
        %dma_start3A_252 = tpu.memref_squeeze %dma_start3A_251 : memref<1x128x128xf32, #tpu.memory_space<vmem>> -> memref<128x128xf32, #tpu.memory_space<vmem>>
        %dma_start3A_253 = tpu.memref_slice %arg6[%multiple_of3A_232] : memref<3328xi32, #tpu.memory_space<vmem>> -> memref<128xi32, #tpu.memory_space<vmem>>
        %dma_start3A_254 = arith.constant 0 : i32
        %dma_start3A_255 = arith.constant 0 : i32
        %dma_start3A_256 = tpu.memref_slice %arg3[%dma_start3A_247, %dma_start3A_254, %dma_start3A_255] : memref<2x32000x128xf32, #tpu.memory_space<hbm>> -> memref<1x32000x128xf32, #tpu.memory_space<hbm>>
        %dma_start3A_257 = tpu.memref_squeeze %dma_start3A_256 : memref<1x32000x128xf32, #tpu.memory_space<hbm>> -> memref<32000x128xf32, #tpu.memory_space<hbm>>
        %dma_start3A_258 = arith.constant 0 : i32
        %dma_start3A_259 = arith.constant 0 : i32
        %dma_start3A_260 = tpu.memref_slice %dma_start3A_257[%dma_start3A_258, %dma_start3A_259] : memref<32000x128xf32, #tpu.memory_space<hbm>> -> memref<32000x128xf32, #tpu.memory_space<hbm>>
        tpu.enqueue_indirect_dma source(%dma_start3A_260 : memref<32000x128xf32, #tpu.memory_space<hbm>>) target(%dma_start3A_252 : memref<128x128xf32, #tpu.memory_space<vmem>>) offsets(%dma_start3A_253 : memref<128xi32, #tpu.memory_space<vmem>>) semaphore(%arg9 : memref<!tpu.dma_semaphore, #tpu.memory_space<semaphore_mem>>)
      } else {
      }
    }
    %scan3A_48 = arith.constant 13 : i32
    %multiple_of3A_49 = arith.constant 3200 : i32
    %multiple_of3A_50 = tpu.assume_multiple %multiple_of3A_49, 128 : i32
    %add3A_51 = arith.addi %multiple_of3A, %multiple_of3A_50 : i32
    %dma_wait3A = arith.constant 1 : i32
    %dma_wait3A_52 = arith.constant 0 : i32
    %dma_wait3A_53 = arith.constant 0 : i32
    %dma_wait3A_54 = tpu.memref_slice %arg7[%dma_wait3A, %dma_wait3A_52, %dma_wait3A_53] : memref<2x128x128xf32, #tpu.memory_space<vmem>> -> memref<1x128x128xf32, #tpu.memory_space<vmem>>
    %dma_wait3A_55 = tpu.memref_squeeze %dma_wait3A_54 : memref<1x128x128xf32, #tpu.memory_space<vmem>> -> memref<128x128xf32, #tpu.memory_space<vmem>>
    %dma_wait3A_56 = arith.constant 0 : i32
    %dma_wait3A_57 = tpu.memref_slice %arg4[%add3A_51, %dma_wait3A_56] : memref<106496x128xf32, #tpu.memory_space<hbm>> -> memref<128x128xf32, #tpu.memory_space<hbm>>
    %dma_wait3A_58 = arith.constant 0 : i32
    %dma_wait3A_59 = tpu.memref_slice %arg4[%add3A_51, %dma_wait3A_58] : memref<106496x128xf32, #tpu.memory_space<hbm>> -> memref<128x128xf32, #tpu.memory_space<hbm>>
    %dma_wait3A_60 = arith.constant 0 : i32
    %dma_wait3A_61 = arith.constant 0 : i32
    %dma_wait3A_62 = tpu.memref_slice %arg7[%dma_wait3A, %dma_wait3A_60, %dma_wait3A_61] : memref<2x128x128xf32, #tpu.memory_space<vmem>> -> memref<1x128x128xf32, #tpu.memory_space<vmem>>
    %dma_wait3A_63 = tpu.memref_squeeze %dma_wait3A_62 : memref<1x128x128xf32, #tpu.memory_space<vmem>> -> memref<128x128xf32, #tpu.memory_space<vmem>>
    tpu.wait_dma2 semaphore(%arg12 : memref<!tpu.dma_semaphore, #tpu.memory_space<semaphore_mem>>) src(%dma_wait3A_63 : memref<128x128xf32, #tpu.memory_space<vmem>>) dst(%dma_wait3A_59 : memref<128x128xf32, #tpu.memory_space<hbm>>)
    %dma_wait3A_64 = arith.constant 1 : i32
    %dma_wait3A_65 = arith.constant 0 : i32
    %dma_wait3A_66 = arith.constant 0 : i32
    %dma_wait3A_67 = tpu.memref_slice %arg8[%dma_wait3A_64, %dma_wait3A_65, %dma_wait3A_66] : memref<2x128x128xf32, #tpu.memory_space<vmem>> -> memref<1x128x128xf32, #tpu.memory_space<vmem>>
    %dma_wait3A_68 = tpu.memref_squeeze %dma_wait3A_67 : memref<1x128x128xf32, #tpu.memory_space<vmem>> -> memref<128x128xf32, #tpu.memory_space<vmem>>
    %dma_wait3A_69 = arith.constant 0 : i32
    %dma_wait3A_70 = tpu.memref_slice %arg5[%add3A_51, %dma_wait3A_69] : memref<106496x128xf32, #tpu.memory_space<hbm>> -> memref<128x128xf32, #tpu.memory_space<hbm>>
    %dma_wait3A_71 = arith.constant 0 : i32
    %dma_wait3A_72 = tpu.memref_slice %arg5[%add3A_51, %dma_wait3A_71] : memref<106496x128xf32, #tpu.memory_space<hbm>> -> memref<128x128xf32, #tpu.memory_space<hbm>>
    %dma_wait3A_73 = arith.constant 0 : i32
    %dma_wait3A_74 = arith.constant 0 : i32
    %dma_wait3A_75 = tpu.memref_slice %arg8[%dma_wait3A_64, %dma_wait3A_73, %dma_wait3A_74] : memref<2x128x128xf32, #tpu.memory_space<vmem>> -> memref<1x128x128xf32, #tpu.memory_space<vmem>>
    %dma_wait3A_76 = tpu.memref_squeeze %dma_wait3A_75 : memref<1x128x128xf32, #tpu.memory_space<vmem>> -> memref<128x128xf32, #tpu.memory_space<vmem>>
    tpu.wait_dma2 semaphore(%arg12 : memref<!tpu.dma_semaphore, #tpu.memory_space<semaphore_mem>>) src(%dma_wait3A_76 : memref<128x128xf32, #tpu.memory_space<vmem>>) dst(%dma_wait3A_72 : memref<128x128xf32, #tpu.memory_space<hbm>>)
    return
  }
}

module attributes {stable_mosaic.version = 14 : i64} {
  func.func @_table_body(%arg0: i32, %arg1: memref<40x32xf32, #tpu.memory_space<vmem>>, %arg2: memref<40x32x128xf32, #tpu.memory_space<vmem>>, %arg3: memref<40x32xf32, #tpu.memory_space<vmem>>, %arg4: memref<40x32x128xf32, #tpu.memory_space<vmem>>, %arg5: memref<1x128x128xf32, #tpu.memory_space<vmem>>, %arg6: memref<1x128x128xf32, #tpu.memory_space<vmem>>, %arg7: memref<2x1600x128xf32, #tpu.memory_space<vmem>>, %arg8: memref<1600x128xf32, #tpu.memory_space<vmem>>, %arg9: memref<1600x128xf32, #tpu.memory_space<vmem>>) attributes {dimension_semantics = [#tpu.dimension_semantics<arbitrary>], iteration_bounds = array<i64: 20>, scalar_prefetch = 0 : i64, scratch_operands = 2 : i64, tpu.core_type = #tpu.core_type<tc>, window_params = [{pipeline_mode = #tpu.pipeline_mode<synchronous>, transform_indices = @transform_0, window_bounds = array<i64: 40, 32>}, {pipeline_mode = #tpu.pipeline_mode<synchronous>, transform_indices = @transform_1, window_bounds = array<i64: 40, 32, 128>}, {pipeline_mode = #tpu.pipeline_mode<synchronous>, transform_indices = @transform_2, window_bounds = array<i64: 40, 32>}, {pipeline_mode = #tpu.pipeline_mode<synchronous>, transform_indices = @transform_3, window_bounds = array<i64: 40, 32, 128>}, {transform_indices = @transform_4, window_bounds = array<i64: 1, 128, 128>}, {transform_indices = @transform_5, window_bounds = array<i64: 1, 128, 128>}, {transform_indices = @transform_6, window_bounds = array<i64: 2, 1600, 128>}]} {
    %eq3A = arith.constant 0 : i32
    %eq3A_0 = arith.cmpi eq, %arg0, %eq3A : i32
    %convert_element_type3A = arith.extui %eq3A_0 : i1 to i32
    %cond3A = arith.constant 0 : i32
    %cond3A_1 = arith.cmpi ne, %convert_element_type3A, %cond3A : i32
    scf.if %cond3A_1 {
      %get3A_31 = arith.constant 0 : index
      %get3A_32 = arith.constant 0 : index
      %get3A_33 = vector.load %arg1[%get3A_31, %get3A_32] : memref<40x32xf32, #tpu.memory_space<vmem>>, vector<40x32xf32>
      %get3A_34 = arith.constant 0 : index
      %get3A_35 = arith.constant 0 : index
      %get3A_36 = arith.constant 0 : index
      %get3A_37 = vector.load %arg2[%get3A_34, %get3A_35, %get3A_36] : memref<40x32x128xf32, #tpu.memory_space<vmem>>, vector<1x32x128xf32>
      %get3A_38 = vector.shape_cast %get3A_37 : vector<1x32x128xf32> to vector<32x128xf32>
      %dot_general3A_39 = arith.constant dense<0.000000e+00> : vector<40x128xf32>
      %dot_general3A_40 = tpu.matmul %get3A_33, %get3A_38, %dot_general3A_39 {dimension_numbers = #tpu.dot_dimension_numbers<[1], [0], [0], [1], [0, 0, 1, 1], [], []>, transpose_lhs_hint = false} : vector<40x32xf32>, vector<32x128xf32>, vector<40x128xf32> -> vector<40x128xf32>
      %swap3A_41 = arith.constant 0 : index
      %swap3A_42 = arith.constant 0 : index
      %swap3A_43 = vector.load %arg8[%swap3A_41, %swap3A_42] : memref<1600x128xf32, #tpu.memory_space<vmem>>, vector<40x128xf32>
      tpu.vector_store %arg8[%swap3A_41, %swap3A_42], %dot_general3A_40 {strides = array<i32>} : memref<1600x128xf32, #tpu.memory_space<vmem>>, vector<40x128xf32>,
      %get3A_44 = arith.constant 0 : index
      %get3A_45 = arith.constant 0 : index
      %get3A_46 = vector.load %arg3[%get3A_44, %get3A_45] : memref<40x32xf32, #tpu.memory_space<vmem>>, vector<40x32xf32>
      %get3A_47 = arith.constant 0 : index
      %get3A_48 = arith.constant 0 : index
      %get3A_49 = arith.constant 0 : index
      %get3A_50 = vector.load %arg4[%get3A_47, %get3A_48, %get3A_49] : memref<40x32x128xf32, #tpu.memory_space<vmem>>, vector<1x32x128xf32>
      %get3A_51 = vector.shape_cast %get3A_50 : vector<1x32x128xf32> to vector<32x128xf32>
      %dot_general3A_52 = arith.constant dense<0.000000e+00> : vector<40x128xf32>
      %dot_general3A_53 = tpu.matmul %get3A_46, %get3A_51, %dot_general3A_52 {dimension_numbers = #tpu.dot_dimension_numbers<[1], [0], [0], [1], [0, 0, 1, 1], [], []>, transpose_lhs_hint = false} : vector<40x32xf32>, vector<32x128xf32>, vector<40x128xf32> -> vector<40x128xf32>
      %swap3A_54 = arith.constant 0 : index
      %swap3A_55 = arith.constant 0 : index
      %swap3A_56 = vector.load %arg9[%swap3A_54, %swap3A_55] : memref<1600x128xf32, #tpu.memory_space<vmem>>, vector<40x128xf32>
      tpu.vector_store %arg9[%swap3A_54, %swap3A_55], %dot_general3A_53 {strides = array<i32>} : memref<1600x128xf32, #tpu.memory_space<vmem>>, vector<40x128xf32>,
      %get3A_57 = arith.constant 0 : index
      %get3A_58 = arith.constant 0 : index
      %get3A_59 = vector.load %arg1[%get3A_57, %get3A_58] : memref<40x32xf32, #tpu.memory_space<vmem>>, vector<40x32xf32>
      %get3A_60 = arith.constant 1 : index
      %get3A_61 = arith.constant 0 : index
      %get3A_62 = arith.constant 0 : index
      %get3A_63 = vector.load %arg2[%get3A_60, %get3A_61, %get3A_62] : memref<40x32x128xf32, #tpu.memory_space<vmem>>, vector<1x32x128xf32>
      %get3A_64 = vector.shape_cast %get3A_63 : vector<1x32x128xf32> to vector<32x128xf32>
      %dot_general3A_65 = arith.constant dense<0.000000e+00> : vector<40x128xf32>
      %dot_general3A_66 = tpu.matmul %get3A_59, %get3A_64, %dot_general3A_65 {dimension_numbers = #tpu.dot_dimension_numbers<[1], [0], [0], [1], [0, 0, 1, 1], [], []>, transpose_lhs_hint = false} : vector<40x32xf32>, vector<32x128xf32>, vector<40x128xf32> -> vector<40x128xf32>
      %swap3A_67 = arith.constant 40 : index
      %swap3A_68 = arith.constant 0 : index
      %swap3A_69 = vector.load %arg8[%swap3A_67, %swap3A_68] : memref<1600x128xf32, #tpu.memory_space<vmem>>, vector<40x128xf32>
      tpu.vector_store %arg8[%swap3A_67, %swap3A_68], %dot_general3A_66 {strides = array<i32>} : memref<1600x128xf32, #tpu.memory_space<vmem>>, vector<40x128xf32>,
      %get3A_70 = arith.constant 0 : index
      %get3A_71 = arith.constant 0 : index
      %get3A_72 = vector.load %arg3[%get3A_70, %get3A_71] : memref<40x32xf32, #tpu.memory_space<vmem>>, vector<40x32xf32>
      %get3A_73 = arith.constant 1 : index
      %get3A_74 = arith.constant 0 : index
      %get3A_75 = arith.constant 0 : index
      %get3A_76 = vector.load %arg4[%get3A_73, %get3A_74, %get3A_75] : memref<40x32x128xf32, #tpu.memory_space<vmem>>, vector<1x32x128xf32>
      %get3A_77 = vector.shape_cast %get3A_76 : vector<1x32x128xf32> to vector<32x128xf32>
      %dot_general3A_78 = arith.constant dense<0.000000e+00> : vector<40x128xf32>
      %dot_general3A_79 = tpu.matmul %get3A_72, %get3A_77, %dot_general3A_78 {dimension_numbers = #tpu.dot_dimension_numbers<[1], [0], [0], [1], [0, 0, 1, 1], [], []>, transpose_lhs_hint = false} : vector<40x32xf32>, vector<32x128xf32>, vector<40x128xf32> -> vector<40x128xf32>
      %swap3A_80 = arith.constant 40 : index
      %swap3A_81 = arith.constant 0 : index
      %swap3A_82 = vector.load %arg9[%swap3A_80, %swap3A_81] : memref<1600x128xf32, #tpu.memory_space<vmem>>, vector<40x128xf32>
      tpu.vector_store %arg9[%swap3A_80, %swap3A_81], %dot_general3A_79 {strides = array<i32>} : memref<1600x128xf32, #tpu.memory_space<vmem>>, vector<40x128xf32>,
      %get3A_83 = arith.constant 0 : index
      %get3A_84 = arith.constant 0 : index
      %get3A_85 = vector.load %arg1[%get3A_83, %get3A_84] : memref<40x32xf32, #tpu.memory_space<vmem>>, vector<40x32xf32>
      %get3A_86 = arith.constant 2 : index
      %get3A_87 = arith.constant 0 : index
      %get3A_88 = arith.constant 0 : index
      %get3A_89 = vector.load %arg2[%get3A_86, %get3A_87, %get3A_88] : memref<40x32x128xf32, #tpu.memory_space<vmem>>, vector<1x32x128xf32>
      %get3A_90 = vector.shape_cast %get3A_89 : vector<1x32x128xf32> to vector<32x128xf32>
      %dot_general3A_91 = arith.constant dense<0.000000e+00> : vector<40x128xf32>
      %dot_general3A_92 = tpu.matmul %get3A_85, %get3A_90, %dot_general3A_91 {dimension_numbers = #tpu.dot_dimension_numbers<[1], [0], [0], [1], [0, 0, 1, 1], [], []>, transpose_lhs_hint = false} : vector<40x32xf32>, vector<32x128xf32>, vector<40x128xf32> -> vector<40x128xf32>
      %swap3A_93 = arith.constant 80 : index
      %swap3A_94 = arith.constant 0 : index
      %swap3A_95 = vector.load %arg8[%swap3A_93, %swap3A_94] : memref<1600x128xf32, #tpu.memory_space<vmem>>, vector<40x128xf32>
      tpu.vector_store %arg8[%swap3A_93, %swap3A_94], %dot_general3A_92 {strides = array<i32>} : memref<1600x128xf32, #tpu.memory_space<vmem>>, vector<40x128xf32>,
      %get3A_96 = arith.constant 0 : index
      %get3A_97 = arith.constant 0 : index
      %get3A_98 = vector.load %arg3[%get3A_96, %get3A_97] : memref<40x32xf32, #tpu.memory_space<vmem>>, vector<40x32xf32>
      %get3A_99 = arith.constant 2 : index
      %get3A_100 = arith.constant 0 : index
      %get3A_101 = arith.constant 0 : index
      %get3A_102 = vector.load %arg4[%get3A_99, %get3A_100, %get3A_101] : memref<40x32x128xf32, #tpu.memory_space<vmem>>, vector<1x32x128xf32>
      %get3A_103 = vector.shape_cast %get3A_102 : vector<1x32x128xf32> to vector<32x128xf32>
      %dot_general3A_104 = arith.constant dense<0.000000e+00> : vector<40x128xf32>
      %dot_general3A_105 = tpu.matmul %get3A_98, %get3A_103, %dot_general3A_104 {dimension_numbers = #tpu.dot_dimension_numbers<[1], [0], [0], [1], [0, 0, 1, 1], [], []>, transpose_lhs_hint = false} : vector<40x32xf32>, vector<32x128xf32>, vector<40x128xf32> -> vector<40x128xf32>
      %swap3A_106 = arith.constant 80 : index
      %swap3A_107 = arith.constant 0 : index
      %swap3A_108 = vector.load %arg9[%swap3A_106, %swap3A_107] : memref<1600x128xf32, #tpu.memory_space<vmem>>, vector<40x128xf32>
      tpu.vector_store %arg9[%swap3A_106, %swap3A_107], %dot_general3A_105 {strides = array<i32>} : memref<1600x128xf32, #tpu.memory_space<vmem>>, vector<40x128xf32>,
      %get3A_109 = arith.constant 0 : index
      %get3A_110 = arith.constant 0 : index
      %get3A_111 = vector.load %arg1[%get3A_109, %get3A_110] : memref<40x32xf32, #tpu.memory_space<vmem>>, vector<40x32xf32>
      %get3A_112 = arith.constant 3 : index
      %get3A_113 = arith.constant 0 : index
      %get3A_114 = arith.constant 0 : index
      %get3A_115 = vector.load %arg2[%get3A_112, %get3A_113, %get3A_114] : memref<40x32x128xf32, #tpu.memory_space<vmem>>, vector<1x32x128xf32>
      %get3A_116 = vector.shape_cast %get3A_115 : vector<1x32x128xf32> to vector<32x128xf32>
      %dot_general3A_117 = arith.constant dense<0.000000e+00> : vector<40x128xf32>
      %dot_general3A_118 = tpu.matmul %get3A_111, %get3A_116, %dot_general3A_117 {dimension_numbers = #tpu.dot_dimension_numbers<[1], [0], [0], [1], [0, 0, 1, 1], [], []>, transpose_lhs_hint = false} : vector<40x32xf32>, vector<32x128xf32>, vector<40x128xf32> -> vector<40x128xf32>
      %swap3A_119 = arith.constant 120 : index
      %swap3A_120 = arith.constant 0 : index
      %swap3A_121 = vector.load %arg8[%swap3A_119, %swap3A_120] : memref<1600x128xf32, #tpu.memory_space<vmem>>, vector<40x128xf32>
      tpu.vector_store %arg8[%swap3A_119, %swap3A_120], %dot_general3A_118 {strides = array<i32>} : memref<1600x128xf32, #tpu.memory_space<vmem>>, vector<40x128xf32>,
      %get3A_122 = arith.constant 0 : index
      %get3A_123 = arith.constant 0 : index
      %get3A_124 = vector.load %arg3[%get3A_122, %get3A_123] : memref<40x32xf32, #tpu.memory_space<vmem>>, vector<40x32xf32>
      %get3A_125 = arith.constant 3 : index
      %get3A_126 = arith.constant 0 : index
      %get3A_127 = arith.constant 0 : index
      %get3A_128 = vector.load %arg4[%get3A_125, %get3A_126, %get3A_127] : memref<40x32x128xf32, #tpu.memory_space<vmem>>, vector<1x32x128xf32>
      %get3A_129 = vector.shape_cast %get3A_128 : vector<1x32x128xf32> to vector<32x128xf32>
      %dot_general3A_130 = arith.constant dense<0.000000e+00> : vector<40x128xf32>
      %dot_general3A_131 = tpu.matmul %get3A_124, %get3A_129, %dot_general3A_130 {dimension_numbers = #tpu.dot_dimension_numbers<[1], [0], [0], [1], [0, 0, 1, 1], [], []>, transpose_lhs_hint = false} : vector<40x32xf32>, vector<32x128xf32>, vector<40x128xf32> -> vector<40x128xf32>
      %swap3A_132 = arith.constant 120 : index
      %swap3A_133 = arith.constant 0 : index
      %swap3A_134 = vector.load %arg9[%swap3A_132, %swap3A_133] : memref<1600x128xf32, #tpu.memory_space<vmem>>, vector<40x128xf32>
      tpu.vector_store %arg9[%swap3A_132, %swap3A_133], %dot_general3A_131 {strides = array<i32>} : memref<1600x128xf32, #tpu.memory_space<vmem>>, vector<40x128xf32>,
      %get3A_135 = arith.constant 0 : index
      %get3A_136 = arith.constant 0 : index
      %get3A_137 = vector.load %arg1[%get3A_135, %get3A_136] : memref<40x32xf32, #tpu.memory_space<vmem>>, vector<40x32xf32>
      %get3A_138 = arith.constant 4 : index
      %get3A_139 = arith.constant 0 : index
      %get3A_140 = arith.constant 0 : index
      %get3A_141 = vector.load %arg2[%get3A_138, %get3A_139, %get3A_140] : memref<40x32x128xf32, #tpu.memory_space<vmem>>, vector<1x32x128xf32>
      %get3A_142 = vector.shape_cast %get3A_141 : vector<1x32x128xf32> to vector<32x128xf32>
      %dot_general3A_143 = arith.constant dense<0.000000e+00> : vector<40x128xf32>
      %dot_general3A_144 = tpu.matmul %get3A_137, %get3A_142, %dot_general3A_143 {dimension_numbers = #tpu.dot_dimension_numbers<[1], [0], [0], [1], [0, 0, 1, 1], [], []>, transpose_lhs_hint = false} : vector<40x32xf32>, vector<32x128xf32>, vector<40x128xf32> -> vector<40x128xf32>
      %swap3A_145 = arith.constant 160 : index
      %swap3A_146 = arith.constant 0 : index
      %swap3A_147 = vector.load %arg8[%swap3A_145, %swap3A_146] : memref<1600x128xf32, #tpu.memory_space<vmem>>, vector<40x128xf32>
      tpu.vector_store %arg8[%swap3A_145, %swap3A_146], %dot_general3A_144 {strides = array<i32>} : memref<1600x128xf32, #tpu.memory_space<vmem>>, vector<40x128xf32>,
      %get3A_148 = arith.constant 0 : index
      %get3A_149 = arith.constant 0 : index
      %get3A_150 = vector.load %arg3[%get3A_148, %get3A_149] : memref<40x32xf32, #tpu.memory_space<vmem>>, vector<40x32xf32>
      %get3A_151 = arith.constant 4 : index
      %get3A_152 = arith.constant 0 : index
      %get3A_153 = arith.constant 0 : index
      %get3A_154 = vector.load %arg4[%get3A_151, %get3A_152, %get3A_153] : memref<40x32x128xf32, #tpu.memory_space<vmem>>, vector<1x32x128xf32>
      %get3A_155 = vector.shape_cast %get3A_154 : vector<1x32x128xf32> to vector<32x128xf32>
      %dot_general3A_156 = arith.constant dense<0.000000e+00> : vector<40x128xf32>
      %dot_general3A_157 = tpu.matmul %get3A_150, %get3A_155, %dot_general3A_156 {dimension_numbers = #tpu.dot_dimension_numbers<[1], [0], [0], [1], [0, 0, 1, 1], [], []>, transpose_lhs_hint = false} : vector<40x32xf32>, vector<32x128xf32>, vector<40x128xf32> -> vector<40x128xf32>
      %swap3A_158 = arith.constant 160 : index
      %swap3A_159 = arith.constant 0 : index
      %swap3A_160 = vector.load %arg9[%swap3A_158, %swap3A_159] : memref<1600x128xf32, #tpu.memory_space<vmem>>, vector<40x128xf32>
      tpu.vector_store %arg9[%swap3A_158, %swap3A_159], %dot_general3A_157 {strides = array<i32>} : memref<1600x128xf32, #tpu.memory_space<vmem>>, vector<40x128xf32>,
      %get3A_161 = arith.constant 0 : index
      %get3A_162 = arith.constant 0 : index
      %get3A_163 = vector.load %arg1[%get3A_161, %get3A_162] : memref<40x32xf32, #tpu.memory_space<vmem>>, vector<40x32xf32>
      %get3A_164 = arith.constant 5 : index
      %get3A_165 = arith.constant 0 : index
      %get3A_166 = arith.constant 0 : index
      %get3A_167 = vector.load %arg2[%get3A_164, %get3A_165, %get3A_166] : memref<40x32x128xf32, #tpu.memory_space<vmem>>, vector<1x32x128xf32>
      %get3A_168 = vector.shape_cast %get3A_167 : vector<1x32x128xf32> to vector<32x128xf32>
      %dot_general3A_169 = arith.constant dense<0.000000e+00> : vector<40x128xf32>
      %dot_general3A_170 = tpu.matmul %get3A_163, %get3A_168, %dot_general3A_169 {dimension_numbers = #tpu.dot_dimension_numbers<[1], [0], [0], [1], [0, 0, 1, 1], [], []>, transpose_lhs_hint = false} : vector<40x32xf32>, vector<32x128xf32>, vector<40x128xf32> -> vector<40x128xf32>
      %swap3A_171 = arith.constant 200 : index
      %swap3A_172 = arith.constant 0 : index
      %swap3A_173 = vector.load %arg8[%swap3A_171, %swap3A_172] : memref<1600x128xf32, #tpu.memory_space<vmem>>, vector<40x128xf32>
      tpu.vector_store %arg8[%swap3A_171, %swap3A_172], %dot_general3A_170 {strides = array<i32>} : memref<1600x128xf32, #tpu.memory_space<vmem>>, vector<40x128xf32>,
      %get3A_174 = arith.constant 0 : index
      %get3A_175 = arith.constant 0 : index
      %get3A_176 = vector.load %arg3[%get3A_174, %get3A_175] : memref<40x32xf32, #tpu.memory_space<vmem>>, vector<40x32xf32>
      %get3A_177 = arith.constant 5 : index
      %get3A_178 = arith.constant 0 : index
      %get3A_179 = arith.constant 0 : index
      %get3A_180 = vector.load %arg4[%get3A_177, %get3A_178, %get3A_179] : memref<40x32x128xf32, #tpu.memory_space<vmem>>, vector<1x32x128xf32>
      %get3A_181 = vector.shape_cast %get3A_180 : vector<1x32x128xf32> to vector<32x128xf32>
      %dot_general3A_182 = arith.constant dense<0.000000e+00> : vector<40x128xf32>
      %dot_general3A_183 = tpu.matmul %get3A_176, %get3A_181, %dot_general3A_182 {dimension_numbers = #tpu.dot_dimension_numbers<[1], [0], [0], [1], [0, 0, 1, 1], [], []>, transpose_lhs_hint = false} : vector<40x32xf32>, vector<32x128xf32>, vector<40x128xf32> -> vector<40x128xf32>
      %swap3A_184 = arith.constant 200 : index
      %swap3A_185 = arith.constant 0 : index
      %swap3A_186 = vector.load %arg9[%swap3A_184, %swap3A_185] : memref<1600x128xf32, #tpu.memory_space<vmem>>, vector<40x128xf32>
      tpu.vector_store %arg9[%swap3A_184, %swap3A_185], %dot_general3A_183 {strides = array<i32>} : memref<1600x128xf32, #tpu.memory_space<vmem>>, vector<40x128xf32>,
      %get3A_187 = arith.constant 0 : index
      %get3A_188 = arith.constant 0 : index
      %get3A_189 = vector.load %arg1[%get3A_187, %get3A_188] : memref<40x32xf32, #tpu.memory_space<vmem>>, vector<40x32xf32>
      %get3A_190 = arith.constant 6 : index
      %get3A_191 = arith.constant 0 : index
      %get3A_192 = arith.constant 0 : index
      %get3A_193 = vector.load %arg2[%get3A_190, %get3A_191, %get3A_192] : memref<40x32x128xf32, #tpu.memory_space<vmem>>, vector<1x32x128xf32>
      %get3A_194 = vector.shape_cast %get3A_193 : vector<1x32x128xf32> to vector<32x128xf32>
      %dot_general3A_195 = arith.constant dense<0.000000e+00> : vector<40x128xf32>
      %dot_general3A_196 = tpu.matmul %get3A_189, %get3A_194, %dot_general3A_195 {dimension_numbers = #tpu.dot_dimension_numbers<[1], [0], [0], [1], [0, 0, 1, 1], [], []>, transpose_lhs_hint = false} : vector<40x32xf32>, vector<32x128xf32>, vector<40x128xf32> -> vector<40x128xf32>
      %swap3A_197 = arith.constant 240 : index
      %swap3A_198 = arith.constant 0 : index
      %swap3A_199 = vector.load %arg8[%swap3A_197, %swap3A_198] : memref<1600x128xf32, #tpu.memory_space<vmem>>, vector<40x128xf32>
      tpu.vector_store %arg8[%swap3A_197, %swap3A_198], %dot_general3A_196 {strides = array<i32>} : memref<1600x128xf32, #tpu.memory_space<vmem>>, vector<40x128xf32>,
      %get3A_200 = arith.constant 0 : index
      %get3A_201 = arith.constant 0 : index
      %get3A_202 = vector.load %arg3[%get3A_200, %get3A_201] : memref<40x32xf32, #tpu.memory_space<vmem>>, vector<40x32xf32>
      %get3A_203 = arith.constant 6 : index
      %get3A_204 = arith.constant 0 : index
      %get3A_205 = arith.constant 0 : index
      %get3A_206 = vector.load %arg4[%get3A_203, %get3A_204, %get3A_205] : memref<40x32x128xf32, #tpu.memory_space<vmem>>, vector<1x32x128xf32>
      %get3A_207 = vector.shape_cast %get3A_206 : vector<1x32x128xf32> to vector<32x128xf32>
      %dot_general3A_208 = arith.constant dense<0.000000e+00> : vector<40x128xf32>
      %dot_general3A_209 = tpu.matmul %get3A_202, %get3A_207, %dot_general3A_208 {dimension_numbers = #tpu.dot_dimension_numbers<[1], [0], [0], [1], [0, 0, 1, 1], [], []>, transpose_lhs_hint = false} : vector<40x32xf32>, vector<32x128xf32>, vector<40x128xf32> -> vector<40x128xf32>
      %swap3A_210 = arith.constant 240 : index
      %swap3A_211 = arith.constant 0 : index
      %swap3A_212 = vector.load %arg9[%swap3A_210, %swap3A_211] : memref<1600x128xf32, #tpu.memory_space<vmem>>, vector<40x128xf32>
      tpu.vector_store %arg9[%swap3A_210, %swap3A_211], %dot_general3A_209 {strides = array<i32>} : memref<1600x128xf32, #tpu.memory_space<vmem>>, vector<40x128xf32>,
      %get3A_213 = arith.constant 0 : index
      %get3A_214 = arith.constant 0 : index
      %get3A_215 = vector.load %arg1[%get3A_213, %get3A_214] : memref<40x32xf32, #tpu.memory_space<vmem>>, vector<40x32xf32>
      %get3A_216 = arith.constant 7 : index
      %get3A_217 = arith.constant 0 : index
      %get3A_218 = arith.constant 0 : index
      %get3A_219 = vector.load %arg2[%get3A_216, %get3A_217, %get3A_218] : memref<40x32x128xf32, #tpu.memory_space<vmem>>, vector<1x32x128xf32>
      %get3A_220 = vector.shape_cast %get3A_219 : vector<1x32x128xf32> to vector<32x128xf32>
      %dot_general3A_221 = arith.constant dense<0.000000e+00> : vector<40x128xf32>
      %dot_general3A_222 = tpu.matmul %get3A_215, %get3A_220, %dot_general3A_221 {dimension_numbers = #tpu.dot_dimension_numbers<[1], [0], [0], [1], [0, 0, 1, 1], [], []>, transpose_lhs_hint = false} : vector<40x32xf32>, vector<32x128xf32>, vector<40x128xf32> -> vector<40x128xf32>
      %swap3A_223 = arith.constant 280 : index
      %swap3A_224 = arith.constant 0 : index
      %swap3A_225 = vector.load %arg8[%swap3A_223, %swap3A_224] : memref<1600x128xf32, #tpu.memory_space<vmem>>, vector<40x128xf32>
      tpu.vector_store %arg8[%swap3A_223, %swap3A_224], %dot_general3A_222 {strides = array<i32>} : memref<1600x128xf32, #tpu.memory_space<vmem>>, vector<40x128xf32>,
      %get3A_226 = arith.constant 0 : index
      %get3A_227 = arith.constant 0 : index
      %get3A_228 = vector.load %arg3[%get3A_226, %get3A_227] : memref<40x32xf32, #tpu.memory_space<vmem>>, vector<40x32xf32>
      %get3A_229 = arith.constant 7 : index
      %get3A_230 = arith.constant 0 : index
      %get3A_231 = arith.constant 0 : index
      %get3A_232 = vector.load %arg4[%get3A_229, %get3A_230, %get3A_231] : memref<40x32x128xf32, #tpu.memory_space<vmem>>, vector<1x32x128xf32>
      %get3A_233 = vector.shape_cast %get3A_232 : vector<1x32x128xf32> to vector<32x128xf32>
      %dot_general3A_234 = arith.constant dense<0.000000e+00> : vector<40x128xf32>
      %dot_general3A_235 = tpu.matmul %get3A_228, %get3A_233, %dot_general3A_234 {dimension_numbers = #tpu.dot_dimension_numbers<[1], [0], [0], [1], [0, 0, 1, 1], [], []>, transpose_lhs_hint = false} : vector<40x32xf32>, vector<32x128xf32>, vector<40x128xf32> -> vector<40x128xf32>
      %swap3A_236 = arith.constant 280 : index
      %swap3A_237 = arith.constant 0 : index
      %swap3A_238 = vector.load %arg9[%swap3A_236, %swap3A_237] : memref<1600x128xf32, #tpu.memory_space<vmem>>, vector<40x128xf32>
      tpu.vector_store %arg9[%swap3A_236, %swap3A_237], %dot_general3A_235 {strides = array<i32>} : memref<1600x128xf32, #tpu.memory_space<vmem>>, vector<40x128xf32>,
      %get3A_239 = arith.constant 0 : index
      %get3A_240 = arith.constant 0 : index
      %get3A_241 = vector.load %arg1[%get3A_239, %get3A_240] : memref<40x32xf32, #tpu.memory_space<vmem>>, vector<40x32xf32>
      %get3A_242 = arith.constant 8 : index
      %get3A_243 = arith.constant 0 : index
      %get3A_244 = arith.constant 0 : index
      %get3A_245 = vector.load %arg2[%get3A_242, %get3A_243, %get3A_244] : memref<40x32x128xf32, #tpu.memory_space<vmem>>, vector<1x32x128xf32>
      %get3A_246 = vector.shape_cast %get3A_245 : vector<1x32x128xf32> to vector<32x128xf32>
      %dot_general3A_247 = arith.constant dense<0.000000e+00> : vector<40x128xf32>
      %dot_general3A_248 = tpu.matmul %get3A_241, %get3A_246, %dot_general3A_247 {dimension_numbers = #tpu.dot_dimension_numbers<[1], [0], [0], [1], [0, 0, 1, 1], [], []>, transpose_lhs_hint = false} : vector<40x32xf32>, vector<32x128xf32>, vector<40x128xf32> -> vector<40x128xf32>
      %swap3A_249 = arith.constant 320 : index
      %swap3A_250 = arith.constant 0 : index
      %swap3A_251 = vector.load %arg8[%swap3A_249, %swap3A_250] : memref<1600x128xf32, #tpu.memory_space<vmem>>, vector<40x128xf32>
      tpu.vector_store %arg8[%swap3A_249, %swap3A_250], %dot_general3A_248 {strides = array<i32>} : memref<1600x128xf32, #tpu.memory_space<vmem>>, vector<40x128xf32>,
      %get3A_252 = arith.constant 0 : index
      %get3A_253 = arith.constant 0 : index
      %get3A_254 = vector.load %arg3[%get3A_252, %get3A_253] : memref<40x32xf32, #tpu.memory_space<vmem>>, vector<40x32xf32>
      %get3A_255 = arith.constant 8 : index
      %get3A_256 = arith.constant 0 : index
      %get3A_257 = arith.constant 0 : index
      %get3A_258 = vector.load %arg4[%get3A_255, %get3A_256, %get3A_257] : memref<40x32x128xf32, #tpu.memory_space<vmem>>, vector<1x32x128xf32>
      %get3A_259 = vector.shape_cast %get3A_258 : vector<1x32x128xf32> to vector<32x128xf32>
      %dot_general3A_260 = arith.constant dense<0.000000e+00> : vector<40x128xf32>
      %dot_general3A_261 = tpu.matmul %get3A_254, %get3A_259, %dot_general3A_260 {dimension_numbers = #tpu.dot_dimension_numbers<[1], [0], [0], [1], [0, 0, 1, 1], [], []>, transpose_lhs_hint = false} : vector<40x32xf32>, vector<32x128xf32>, vector<40x128xf32> -> vector<40x128xf32>
      %swap3A_262 = arith.constant 320 : index
      %swap3A_263 = arith.constant 0 : index
      %swap3A_264 = vector.load %arg9[%swap3A_262, %swap3A_263] : memref<1600x128xf32, #tpu.memory_space<vmem>>, vector<40x128xf32>
      tpu.vector_store %arg9[%swap3A_262, %swap3A_263], %dot_general3A_261 {strides = array<i32>} : memref<1600x128xf32, #tpu.memory_space<vmem>>, vector<40x128xf32>,
      %get3A_265 = arith.constant 0 : index
      %get3A_266 = arith.constant 0 : index
      %get3A_267 = vector.load %arg1[%get3A_265, %get3A_266] : memref<40x32xf32, #tpu.memory_space<vmem>>, vector<40x32xf32>
      %get3A_268 = arith.constant 9 : index
      %get3A_269 = arith.constant 0 : index
      %get3A_270 = arith.constant 0 : index
      %get3A_271 = vector.load %arg2[%get3A_268, %get3A_269, %get3A_270] : memref<40x32x128xf32, #tpu.memory_space<vmem>>, vector<1x32x128xf32>
      %get3A_272 = vector.shape_cast %get3A_271 : vector<1x32x128xf32> to vector<32x128xf32>
      %dot_general3A_273 = arith.constant dense<0.000000e+00> : vector<40x128xf32>
      %dot_general3A_274 = tpu.matmul %get3A_267, %get3A_272, %dot_general3A_273 {dimension_numbers = #tpu.dot_dimension_numbers<[1], [0], [0], [1], [0, 0, 1, 1], [], []>, transpose_lhs_hint = false} : vector<40x32xf32>, vector<32x128xf32>, vector<40x128xf32> -> vector<40x128xf32>
      %swap3A_275 = arith.constant 360 : index
      %swap3A_276 = arith.constant 0 : index
      %swap3A_277 = vector.load %arg8[%swap3A_275, %swap3A_276] : memref<1600x128xf32, #tpu.memory_space<vmem>>, vector<40x128xf32>
      tpu.vector_store %arg8[%swap3A_275, %swap3A_276], %dot_general3A_274 {strides = array<i32>} : memref<1600x128xf32, #tpu.memory_space<vmem>>, vector<40x128xf32>,
      %get3A_278 = arith.constant 0 : index
      %get3A_279 = arith.constant 0 : index
      %get3A_280 = vector.load %arg3[%get3A_278, %get3A_279] : memref<40x32xf32, #tpu.memory_space<vmem>>, vector<40x32xf32>
      %get3A_281 = arith.constant 9 : index
      %get3A_282 = arith.constant 0 : index
      %get3A_283 = arith.constant 0 : index
      %get3A_284 = vector.load %arg4[%get3A_281, %get3A_282, %get3A_283] : memref<40x32x128xf32, #tpu.memory_space<vmem>>, vector<1x32x128xf32>
      %get3A_285 = vector.shape_cast %get3A_284 : vector<1x32x128xf32> to vector<32x128xf32>
      %dot_general3A_286 = arith.constant dense<0.000000e+00> : vector<40x128xf32>
      %dot_general3A_287 = tpu.matmul %get3A_280, %get3A_285, %dot_general3A_286 {dimension_numbers = #tpu.dot_dimension_numbers<[1], [0], [0], [1], [0, 0, 1, 1], [], []>, transpose_lhs_hint = false} : vector<40x32xf32>, vector<32x128xf32>, vector<40x128xf32> -> vector<40x128xf32>
      %swap3A_288 = arith.constant 360 : index
      %swap3A_289 = arith.constant 0 : index
      %swap3A_290 = vector.load %arg9[%swap3A_288, %swap3A_289] : memref<1600x128xf32, #tpu.memory_space<vmem>>, vector<40x128xf32>
      tpu.vector_store %arg9[%swap3A_288, %swap3A_289], %dot_general3A_287 {strides = array<i32>} : memref<1600x128xf32, #tpu.memory_space<vmem>>, vector<40x128xf32>,
      %get3A_291 = arith.constant 0 : index
      %get3A_292 = arith.constant 0 : index
      %get3A_293 = vector.load %arg1[%get3A_291, %get3A_292] : memref<40x32xf32, #tpu.memory_space<vmem>>, vector<40x32xf32>
      %get3A_294 = arith.constant 10 : index
      %get3A_295 = arith.constant 0 : index
      %get3A_296 = arith.constant 0 : index
      %get3A_297 = vector.load %arg2[%get3A_294, %get3A_295, %get3A_296] : memref<40x32x128xf32, #tpu.memory_space<vmem>>, vector<1x32x128xf32>
      %get3A_298 = vector.shape_cast %get3A_297 : vector<1x32x128xf32> to vector<32x128xf32>
      %dot_general3A_299 = arith.constant dense<0.000000e+00> : vector<40x128xf32>
      %dot_general3A_300 = tpu.matmul %get3A_293, %get3A_298, %dot_general3A_299 {dimension_numbers = #tpu.dot_dimension_numbers<[1], [0], [0], [1], [0, 0, 1, 1], [], []>, transpose_lhs_hint = false} : vector<40x32xf32>, vector<32x128xf32>, vector<40x128xf32> -> vector<40x128xf32>
      %swap3A_301 = arith.constant 400 : index
      %swap3A_302 = arith.constant 0 : index
      %swap3A_303 = vector.load %arg8[%swap3A_301, %swap3A_302] : memref<1600x128xf32, #tpu.memory_space<vmem>>, vector<40x128xf32>
      tpu.vector_store %arg8[%swap3A_301, %swap3A_302], %dot_general3A_300 {strides = array<i32>} : memref<1600x128xf32, #tpu.memory_space<vmem>>, vector<40x128xf32>,
      %get3A_304 = arith.constant 0 : index
      %get3A_305 = arith.constant 0 : index
      %get3A_306 = vector.load %arg3[%get3A_304, %get3A_305] : memref<40x32xf32, #tpu.memory_space<vmem>>, vector<40x32xf32>
      %get3A_307 = arith.constant 10 : index
      %get3A_308 = arith.constant 0 : index
      %get3A_309 = arith.constant 0 : index
      %get3A_310 = vector.load %arg4[%get3A_307, %get3A_308, %get3A_309] : memref<40x32x128xf32, #tpu.memory_space<vmem>>, vector<1x32x128xf32>
      %get3A_311 = vector.shape_cast %get3A_310 : vector<1x32x128xf32> to vector<32x128xf32>
      %dot_general3A_312 = arith.constant dense<0.000000e+00> : vector<40x128xf32>
      %dot_general3A_313 = tpu.matmul %get3A_306, %get3A_311, %dot_general3A_312 {dimension_numbers = #tpu.dot_dimension_numbers<[1], [0], [0], [1], [0, 0, 1, 1], [], []>, transpose_lhs_hint = false} : vector<40x32xf32>, vector<32x128xf32>, vector<40x128xf32> -> vector<40x128xf32>
      %swap3A_314 = arith.constant 400 : index
      %swap3A_315 = arith.constant 0 : index
      %swap3A_316 = vector.load %arg9[%swap3A_314, %swap3A_315] : memref<1600x128xf32, #tpu.memory_space<vmem>>, vector<40x128xf32>
      tpu.vector_store %arg9[%swap3A_314, %swap3A_315], %dot_general3A_313 {strides = array<i32>} : memref<1600x128xf32, #tpu.memory_space<vmem>>, vector<40x128xf32>,
      %get3A_317 = arith.constant 0 : index
      %get3A_318 = arith.constant 0 : index
      %get3A_319 = vector.load %arg1[%get3A_317, %get3A_318] : memref<40x32xf32, #tpu.memory_space<vmem>>, vector<40x32xf32>
      %get3A_320 = arith.constant 11 : index
      %get3A_321 = arith.constant 0 : index
      %get3A_322 = arith.constant 0 : index
      %get3A_323 = vector.load %arg2[%get3A_320, %get3A_321, %get3A_322] : memref<40x32x128xf32, #tpu.memory_space<vmem>>, vector<1x32x128xf32>
      %get3A_324 = vector.shape_cast %get3A_323 : vector<1x32x128xf32> to vector<32x128xf32>
      %dot_general3A_325 = arith.constant dense<0.000000e+00> : vector<40x128xf32>
      %dot_general3A_326 = tpu.matmul %get3A_319, %get3A_324, %dot_general3A_325 {dimension_numbers = #tpu.dot_dimension_numbers<[1], [0], [0], [1], [0, 0, 1, 1], [], []>, transpose_lhs_hint = false} : vector<40x32xf32>, vector<32x128xf32>, vector<40x128xf32> -> vector<40x128xf32>
      %swap3A_327 = arith.constant 440 : index
      %swap3A_328 = arith.constant 0 : index
      %swap3A_329 = vector.load %arg8[%swap3A_327, %swap3A_328] : memref<1600x128xf32, #tpu.memory_space<vmem>>, vector<40x128xf32>
      tpu.vector_store %arg8[%swap3A_327, %swap3A_328], %dot_general3A_326 {strides = array<i32>} : memref<1600x128xf32, #tpu.memory_space<vmem>>, vector<40x128xf32>,
      %get3A_330 = arith.constant 0 : index
      %get3A_331 = arith.constant 0 : index
      %get3A_332 = vector.load %arg3[%get3A_330, %get3A_331] : memref<40x32xf32, #tpu.memory_space<vmem>>, vector<40x32xf32>
      %get3A_333 = arith.constant 11 : index
      %get3A_334 = arith.constant 0 : index
      %get3A_335 = arith.constant 0 : index
      %get3A_336 = vector.load %arg4[%get3A_333, %get3A_334, %get3A_335] : memref<40x32x128xf32, #tpu.memory_space<vmem>>, vector<1x32x128xf32>
      %get3A_337 = vector.shape_cast %get3A_336 : vector<1x32x128xf32> to vector<32x128xf32>
      %dot_general3A_338 = arith.constant dense<0.000000e+00> : vector<40x128xf32>
      %dot_general3A_339 = tpu.matmul %get3A_332, %get3A_337, %dot_general3A_338 {dimension_numbers = #tpu.dot_dimension_numbers<[1], [0], [0], [1], [0, 0, 1, 1], [], []>, transpose_lhs_hint = false} : vector<40x32xf32>, vector<32x128xf32>, vector<40x128xf32> -> vector<40x128xf32>
      %swap3A_340 = arith.constant 440 : index
      %swap3A_341 = arith.constant 0 : index
      %swap3A_342 = vector.load %arg9[%swap3A_340, %swap3A_341] : memref<1600x128xf32, #tpu.memory_space<vmem>>, vector<40x128xf32>
      tpu.vector_store %arg9[%swap3A_340, %swap3A_341], %dot_general3A_339 {strides = array<i32>} : memref<1600x128xf32, #tpu.memory_space<vmem>>, vector<40x128xf32>,
      %get3A_343 = arith.constant 0 : index
      %get3A_344 = arith.constant 0 : index
      %get3A_345 = vector.load %arg1[%get3A_343, %get3A_344] : memref<40x32xf32, #tpu.memory_space<vmem>>, vector<40x32xf32>
      %get3A_346 = arith.constant 12 : index
      %get3A_347 = arith.constant 0 : index
      %get3A_348 = arith.constant 0 : index
      %get3A_349 = vector.load %arg2[%get3A_346, %get3A_347, %get3A_348] : memref<40x32x128xf32, #tpu.memory_space<vmem>>, vector<1x32x128xf32>
      %get3A_350 = vector.shape_cast %get3A_349 : vector<1x32x128xf32> to vector<32x128xf32>
      %dot_general3A_351 = arith.constant dense<0.000000e+00> : vector<40x128xf32>
      %dot_general3A_352 = tpu.matmul %get3A_345, %get3A_350, %dot_general3A_351 {dimension_numbers = #tpu.dot_dimension_numbers<[1], [0], [0], [1], [0, 0, 1, 1], [], []>, transpose_lhs_hint = false} : vector<40x32xf32>, vector<32x128xf32>, vector<40x128xf32> -> vector<40x128xf32>
      %swap3A_353 = arith.constant 480 : index
      %swap3A_354 = arith.constant 0 : index
      %swap3A_355 = vector.load %arg8[%swap3A_353, %swap3A_354] : memref<1600x128xf32, #tpu.memory_space<vmem>>, vector<40x128xf32>
      tpu.vector_store %arg8[%swap3A_353, %swap3A_354], %dot_general3A_352 {strides = array<i32>} : memref<1600x128xf32, #tpu.memory_space<vmem>>, vector<40x128xf32>,
      %get3A_356 = arith.constant 0 : index
      %get3A_357 = arith.constant 0 : index
      %get3A_358 = vector.load %arg3[%get3A_356, %get3A_357] : memref<40x32xf32, #tpu.memory_space<vmem>>, vector<40x32xf32>
      %get3A_359 = arith.constant 12 : index
      %get3A_360 = arith.constant 0 : index
      %get3A_361 = arith.constant 0 : index
      %get3A_362 = vector.load %arg4[%get3A_359, %get3A_360, %get3A_361] : memref<40x32x128xf32, #tpu.memory_space<vmem>>, vector<1x32x128xf32>
      %get3A_363 = vector.shape_cast %get3A_362 : vector<1x32x128xf32> to vector<32x128xf32>
      %dot_general3A_364 = arith.constant dense<0.000000e+00> : vector<40x128xf32>
      %dot_general3A_365 = tpu.matmul %get3A_358, %get3A_363, %dot_general3A_364 {dimension_numbers = #tpu.dot_dimension_numbers<[1], [0], [0], [1], [0, 0, 1, 1], [], []>, transpose_lhs_hint = false} : vector<40x32xf32>, vector<32x128xf32>, vector<40x128xf32> -> vector<40x128xf32>
      %swap3A_366 = arith.constant 480 : index
      %swap3A_367 = arith.constant 0 : index
      %swap3A_368 = vector.load %arg9[%swap3A_366, %swap3A_367] : memref<1600x128xf32, #tpu.memory_space<vmem>>, vector<40x128xf32>
      tpu.vector_store %arg9[%swap3A_366, %swap3A_367], %dot_general3A_365 {strides = array<i32>} : memref<1600x128xf32, #tpu.memory_space<vmem>>, vector<40x128xf32>,
      %get3A_369 = arith.constant 0 : index
      %get3A_370 = arith.constant 0 : index
      %get3A_371 = vector.load %arg1[%get3A_369, %get3A_370] : memref<40x32xf32, #tpu.memory_space<vmem>>, vector<40x32xf32>
      %get3A_372 = arith.constant 13 : index
      %get3A_373 = arith.constant 0 : index
      %get3A_374 = arith.constant 0 : index
      %get3A_375 = vector.load %arg2[%get3A_372, %get3A_373, %get3A_374] : memref<40x32x128xf32, #tpu.memory_space<vmem>>, vector<1x32x128xf32>
      %get3A_376 = vector.shape_cast %get3A_375 : vector<1x32x128xf32> to vector<32x128xf32>
      %dot_general3A_377 = arith.constant dense<0.000000e+00> : vector<40x128xf32>
      %dot_general3A_378 = tpu.matmul %get3A_371, %get3A_376, %dot_general3A_377 {dimension_numbers = #tpu.dot_dimension_numbers<[1], [0], [0], [1], [0, 0, 1, 1], [], []>, transpose_lhs_hint = false} : vector<40x32xf32>, vector<32x128xf32>, vector<40x128xf32> -> vector<40x128xf32>
      %swap3A_379 = arith.constant 520 : index
      %swap3A_380 = arith.constant 0 : index
      %swap3A_381 = vector.load %arg8[%swap3A_379, %swap3A_380] : memref<1600x128xf32, #tpu.memory_space<vmem>>, vector<40x128xf32>
      tpu.vector_store %arg8[%swap3A_379, %swap3A_380], %dot_general3A_378 {strides = array<i32>} : memref<1600x128xf32, #tpu.memory_space<vmem>>, vector<40x128xf32>,
      %get3A_382 = arith.constant 0 : index
      %get3A_383 = arith.constant 0 : index
      %get3A_384 = vector.load %arg3[%get3A_382, %get3A_383] : memref<40x32xf32, #tpu.memory_space<vmem>>, vector<40x32xf32>
      %get3A_385 = arith.constant 13 : index
      %get3A_386 = arith.constant 0 : index
      %get3A_387 = arith.constant 0 : index
      %get3A_388 = vector.load %arg4[%get3A_385, %get3A_386, %get3A_387] : memref<40x32x128xf32, #tpu.memory_space<vmem>>, vector<1x32x128xf32>
      %get3A_389 = vector.shape_cast %get3A_388 : vector<1x32x128xf32> to vector<32x128xf32>
      %dot_general3A_390 = arith.constant dense<0.000000e+00> : vector<40x128xf32>
      %dot_general3A_391 = tpu.matmul %get3A_384, %get3A_389, %dot_general3A_390 {dimension_numbers = #tpu.dot_dimension_numbers<[1], [0], [0], [1], [0, 0, 1, 1], [], []>, transpose_lhs_hint = false} : vector<40x32xf32>, vector<32x128xf32>, vector<40x128xf32> -> vector<40x128xf32>
      %swap3A_392 = arith.constant 520 : index
      %swap3A_393 = arith.constant 0 : index
      %swap3A_394 = vector.load %arg9[%swap3A_392, %swap3A_393] : memref<1600x128xf32, #tpu.memory_space<vmem>>, vector<40x128xf32>
      tpu.vector_store %arg9[%swap3A_392, %swap3A_393], %dot_general3A_391 {strides = array<i32>} : memref<1600x128xf32, #tpu.memory_space<vmem>>, vector<40x128xf32>,
      %get3A_395 = arith.constant 0 : index
      %get3A_396 = arith.constant 0 : index
      %get3A_397 = vector.load %arg1[%get3A_395, %get3A_396] : memref<40x32xf32, #tpu.memory_space<vmem>>, vector<40x32xf32>
      %get3A_398 = arith.constant 14 : index
      %get3A_399 = arith.constant 0 : index
      %get3A_400 = arith.constant 0 : index
      %get3A_401 = vector.load %arg2[%get3A_398, %get3A_399, %get3A_400] : memref<40x32x128xf32, #tpu.memory_space<vmem>>, vector<1x32x128xf32>
      %get3A_402 = vector.shape_cast %get3A_401 : vector<1x32x128xf32> to vector<32x128xf32>
      %dot_general3A_403 = arith.constant dense<0.000000e+00> : vector<40x128xf32>
      %dot_general3A_404 = tpu.matmul %get3A_397, %get3A_402, %dot_general3A_403 {dimension_numbers = #tpu.dot_dimension_numbers<[1], [0], [0], [1], [0, 0, 1, 1], [], []>, transpose_lhs_hint = false} : vector<40x32xf32>, vector<32x128xf32>, vector<40x128xf32> -> vector<40x128xf32>
      %swap3A_405 = arith.constant 560 : index
      %swap3A_406 = arith.constant 0 : index
      %swap3A_407 = vector.load %arg8[%swap3A_405, %swap3A_406] : memref<1600x128xf32, #tpu.memory_space<vmem>>, vector<40x128xf32>
      tpu.vector_store %arg8[%swap3A_405, %swap3A_406], %dot_general3A_404 {strides = array<i32>} : memref<1600x128xf32, #tpu.memory_space<vmem>>, vector<40x128xf32>,
      %get3A_408 = arith.constant 0 : index
      %get3A_409 = arith.constant 0 : index
      %get3A_410 = vector.load %arg3[%get3A_408, %get3A_409] : memref<40x32xf32, #tpu.memory_space<vmem>>, vector<40x32xf32>
      %get3A_411 = arith.constant 14 : index
      %get3A_412 = arith.constant 0 : index
      %get3A_413 = arith.constant 0 : index
      %get3A_414 = vector.load %arg4[%get3A_411, %get3A_412, %get3A_413] : memref<40x32x128xf32, #tpu.memory_space<vmem>>, vector<1x32x128xf32>
      %get3A_415 = vector.shape_cast %get3A_414 : vector<1x32x128xf32> to vector<32x128xf32>
      %dot_general3A_416 = arith.constant dense<0.000000e+00> : vector<40x128xf32>
      %dot_general3A_417 = tpu.matmul %get3A_410, %get3A_415, %dot_general3A_416 {dimension_numbers = #tpu.dot_dimension_numbers<[1], [0], [0], [1], [0, 0, 1, 1], [], []>, transpose_lhs_hint = false} : vector<40x32xf32>, vector<32x128xf32>, vector<40x128xf32> -> vector<40x128xf32>
      %swap3A_418 = arith.constant 560 : index
      %swap3A_419 = arith.constant 0 : index
      %swap3A_420 = vector.load %arg9[%swap3A_418, %swap3A_419] : memref<1600x128xf32, #tpu.memory_space<vmem>>, vector<40x128xf32>
      tpu.vector_store %arg9[%swap3A_418, %swap3A_419], %dot_general3A_417 {strides = array<i32>} : memref<1600x128xf32, #tpu.memory_space<vmem>>, vector<40x128xf32>,
      %get3A_421 = arith.constant 0 : index
      %get3A_422 = arith.constant 0 : index
      %get3A_423 = vector.load %arg1[%get3A_421, %get3A_422] : memref<40x32xf32, #tpu.memory_space<vmem>>, vector<40x32xf32>
      %get3A_424 = arith.constant 15 : index
      %get3A_425 = arith.constant 0 : index
      %get3A_426 = arith.constant 0 : index
      %get3A_427 = vector.load %arg2[%get3A_424, %get3A_425, %get3A_426] : memref<40x32x128xf32, #tpu.memory_space<vmem>>, vector<1x32x128xf32>
      %get3A_428 = vector.shape_cast %get3A_427 : vector<1x32x128xf32> to vector<32x128xf32>
      %dot_general3A_429 = arith.constant dense<0.000000e+00> : vector<40x128xf32>
      %dot_general3A_430 = tpu.matmul %get3A_423, %get3A_428, %dot_general3A_429 {dimension_numbers = #tpu.dot_dimension_numbers<[1], [0], [0], [1], [0, 0, 1, 1], [], []>, transpose_lhs_hint = false} : vector<40x32xf32>, vector<32x128xf32>, vector<40x128xf32> -> vector<40x128xf32>
      %swap3A_431 = arith.constant 600 : index
      %swap3A_432 = arith.constant 0 : index
      %swap3A_433 = vector.load %arg8[%swap3A_431, %swap3A_432] : memref<1600x128xf32, #tpu.memory_space<vmem>>, vector<40x128xf32>
      tpu.vector_store %arg8[%swap3A_431, %swap3A_432], %dot_general3A_430 {strides = array<i32>} : memref<1600x128xf32, #tpu.memory_space<vmem>>, vector<40x128xf32>,
      %get3A_434 = arith.constant 0 : index
      %get3A_435 = arith.constant 0 : index
      %get3A_436 = vector.load %arg3[%get3A_434, %get3A_435] : memref<40x32xf32, #tpu.memory_space<vmem>>, vector<40x32xf32>
      %get3A_437 = arith.constant 15 : index
      %get3A_438 = arith.constant 0 : index
      %get3A_439 = arith.constant 0 : index
      %get3A_440 = vector.load %arg4[%get3A_437, %get3A_438, %get3A_439] : memref<40x32x128xf32, #tpu.memory_space<vmem>>, vector<1x32x128xf32>
      %get3A_441 = vector.shape_cast %get3A_440 : vector<1x32x128xf32> to vector<32x128xf32>
      %dot_general3A_442 = arith.constant dense<0.000000e+00> : vector<40x128xf32>
      %dot_general3A_443 = tpu.matmul %get3A_436, %get3A_441, %dot_general3A_442 {dimension_numbers = #tpu.dot_dimension_numbers<[1], [0], [0], [1], [0, 0, 1, 1], [], []>, transpose_lhs_hint = false} : vector<40x32xf32>, vector<32x128xf32>, vector<40x128xf32> -> vector<40x128xf32>
      %swap3A_444 = arith.constant 600 : index
      %swap3A_445 = arith.constant 0 : index
      %swap3A_446 = vector.load %arg9[%swap3A_444, %swap3A_445] : memref<1600x128xf32, #tpu.memory_space<vmem>>, vector<40x128xf32>
      tpu.vector_store %arg9[%swap3A_444, %swap3A_445], %dot_general3A_443 {strides = array<i32>} : memref<1600x128xf32, #tpu.memory_space<vmem>>, vector<40x128xf32>,
      %get3A_447 = arith.constant 0 : index
      %get3A_448 = arith.constant 0 : index
      %get3A_449 = vector.load %arg1[%get3A_447, %get3A_448] : memref<40x32xf32, #tpu.memory_space<vmem>>, vector<40x32xf32>
      %get3A_450 = arith.constant 16 : index
      %get3A_451 = arith.constant 0 : index
      %get3A_452 = arith.constant 0 : index
      %get3A_453 = vector.load %arg2[%get3A_450, %get3A_451, %get3A_452] : memref<40x32x128xf32, #tpu.memory_space<vmem>>, vector<1x32x128xf32>
      %get3A_454 = vector.shape_cast %get3A_453 : vector<1x32x128xf32> to vector<32x128xf32>
      %dot_general3A_455 = arith.constant dense<0.000000e+00> : vector<40x128xf32>
      %dot_general3A_456 = tpu.matmul %get3A_449, %get3A_454, %dot_general3A_455 {dimension_numbers = #tpu.dot_dimension_numbers<[1], [0], [0], [1], [0, 0, 1, 1], [], []>, transpose_lhs_hint = false} : vector<40x32xf32>, vector<32x128xf32>, vector<40x128xf32> -> vector<40x128xf32>
      %swap3A_457 = arith.constant 640 : index
      %swap3A_458 = arith.constant 0 : index
      %swap3A_459 = vector.load %arg8[%swap3A_457, %swap3A_458] : memref<1600x128xf32, #tpu.memory_space<vmem>>, vector<40x128xf32>
      tpu.vector_store %arg8[%swap3A_457, %swap3A_458], %dot_general3A_456 {strides = array<i32>} : memref<1600x128xf32, #tpu.memory_space<vmem>>, vector<40x128xf32>,
      %get3A_460 = arith.constant 0 : index
      %get3A_461 = arith.constant 0 : index
      %get3A_462 = vector.load %arg3[%get3A_460, %get3A_461] : memref<40x32xf32, #tpu.memory_space<vmem>>, vector<40x32xf32>
      %get3A_463 = arith.constant 16 : index
      %get3A_464 = arith.constant 0 : index
      %get3A_465 = arith.constant 0 : index
      %get3A_466 = vector.load %arg4[%get3A_463, %get3A_464, %get3A_465] : memref<40x32x128xf32, #tpu.memory_space<vmem>>, vector<1x32x128xf32>
      %get3A_467 = vector.shape_cast %get3A_466 : vector<1x32x128xf32> to vector<32x128xf32>
      %dot_general3A_468 = arith.constant dense<0.000000e+00> : vector<40x128xf32>
      %dot_general3A_469 = tpu.matmul %get3A_462, %get3A_467, %dot_general3A_468 {dimension_numbers = #tpu.dot_dimension_numbers<[1], [0], [0], [1], [0, 0, 1, 1], [], []>, transpose_lhs_hint = false} : vector<40x32xf32>, vector<32x128xf32>, vector<40x128xf32> -> vector<40x128xf32>
      %swap3A_470 = arith.constant 640 : index
      %swap3A_471 = arith.constant 0 : index
      %swap3A_472 = vector.load %arg9[%swap3A_470, %swap3A_471] : memref<1600x128xf32, #tpu.memory_space<vmem>>, vector<40x128xf32>
      tpu.vector_store %arg9[%swap3A_470, %swap3A_471], %dot_general3A_469 {strides = array<i32>} : memref<1600x128xf32, #tpu.memory_space<vmem>>, vector<40x128xf32>,
      %get3A_473 = arith.constant 0 : index
      %get3A_474 = arith.constant 0 : index
      %get3A_475 = vector.load %arg1[%get3A_473, %get3A_474] : memref<40x32xf32, #tpu.memory_space<vmem>>, vector<40x32xf32>
      %get3A_476 = arith.constant 17 : index
      %get3A_477 = arith.constant 0 : index
      %get3A_478 = arith.constant 0 : index
      %get3A_479 = vector.load %arg2[%get3A_476, %get3A_477, %get3A_478] : memref<40x32x128xf32, #tpu.memory_space<vmem>>, vector<1x32x128xf32>
      %get3A_480 = vector.shape_cast %get3A_479 : vector<1x32x128xf32> to vector<32x128xf32>
      %dot_general3A_481 = arith.constant dense<0.000000e+00> : vector<40x128xf32>
      %dot_general3A_482 = tpu.matmul %get3A_475, %get3A_480, %dot_general3A_481 {dimension_numbers = #tpu.dot_dimension_numbers<[1], [0], [0], [1], [0, 0, 1, 1], [], []>, transpose_lhs_hint = false} : vector<40x32xf32>, vector<32x128xf32>, vector<40x128xf32> -> vector<40x128xf32>
      %swap3A_483 = arith.constant 680 : index
      %swap3A_484 = arith.constant 0 : index
      %swap3A_485 = vector.load %arg8[%swap3A_483, %swap3A_484] : memref<1600x128xf32, #tpu.memory_space<vmem>>, vector<40x128xf32>
      tpu.vector_store %arg8[%swap3A_483, %swap3A_484], %dot_general3A_482 {strides = array<i32>} : memref<1600x128xf32, #tpu.memory_space<vmem>>, vector<40x128xf32>,
      %get3A_486 = arith.constant 0 : index
      %get3A_487 = arith.constant 0 : index
      %get3A_488 = vector.load %arg3[%get3A_486, %get3A_487] : memref<40x32xf32, #tpu.memory_space<vmem>>, vector<40x32xf32>
      %get3A_489 = arith.constant 17 : index
      %get3A_490 = arith.constant 0 : index
      %get3A_491 = arith.constant 0 : index
      %get3A_492 = vector.load %arg4[%get3A_489, %get3A_490, %get3A_491] : memref<40x32x128xf32, #tpu.memory_space<vmem>>, vector<1x32x128xf32>
      %get3A_493 = vector.shape_cast %get3A_492 : vector<1x32x128xf32> to vector<32x128xf32>
      %dot_general3A_494 = arith.constant dense<0.000000e+00> : vector<40x128xf32>
      %dot_general3A_495 = tpu.matmul %get3A_488, %get3A_493, %dot_general3A_494 {dimension_numbers = #tpu.dot_dimension_numbers<[1], [0], [0], [1], [0, 0, 1, 1], [], []>, transpose_lhs_hint = false} : vector<40x32xf32>, vector<32x128xf32>, vector<40x128xf32> -> vector<40x128xf32>
      %swap3A_496 = arith.constant 680 : index
      %swap3A_497 = arith.constant 0 : index
      %swap3A_498 = vector.load %arg9[%swap3A_496, %swap3A_497] : memref<1600x128xf32, #tpu.memory_space<vmem>>, vector<40x128xf32>
      tpu.vector_store %arg9[%swap3A_496, %swap3A_497], %dot_general3A_495 {strides = array<i32>} : memref<1600x128xf32, #tpu.memory_space<vmem>>, vector<40x128xf32>,
      %get3A_499 = arith.constant 0 : index
      %get3A_500 = arith.constant 0 : index
      %get3A_501 = vector.load %arg1[%get3A_499, %get3A_500] : memref<40x32xf32, #tpu.memory_space<vmem>>, vector<40x32xf32>
      %get3A_502 = arith.constant 18 : index
      %get3A_503 = arith.constant 0 : index
      %get3A_504 = arith.constant 0 : index
      %get3A_505 = vector.load %arg2[%get3A_502, %get3A_503, %get3A_504] : memref<40x32x128xf32, #tpu.memory_space<vmem>>, vector<1x32x128xf32>
      %get3A_506 = vector.shape_cast %get3A_505 : vector<1x32x128xf32> to vector<32x128xf32>
      %dot_general3A_507 = arith.constant dense<0.000000e+00> : vector<40x128xf32>
      %dot_general3A_508 = tpu.matmul %get3A_501, %get3A_506, %dot_general3A_507 {dimension_numbers = #tpu.dot_dimension_numbers<[1], [0], [0], [1], [0, 0, 1, 1], [], []>, transpose_lhs_hint = false} : vector<40x32xf32>, vector<32x128xf32>, vector<40x128xf32> -> vector<40x128xf32>
      %swap3A_509 = arith.constant 720 : index
      %swap3A_510 = arith.constant 0 : index
      %swap3A_511 = vector.load %arg8[%swap3A_509, %swap3A_510] : memref<1600x128xf32, #tpu.memory_space<vmem>>, vector<40x128xf32>
      tpu.vector_store %arg8[%swap3A_509, %swap3A_510], %dot_general3A_508 {strides = array<i32>} : memref<1600x128xf32, #tpu.memory_space<vmem>>, vector<40x128xf32>,
      %get3A_512 = arith.constant 0 : index
      %get3A_513 = arith.constant 0 : index
      %get3A_514 = vector.load %arg3[%get3A_512, %get3A_513] : memref<40x32xf32, #tpu.memory_space<vmem>>, vector<40x32xf32>
      %get3A_515 = arith.constant 18 : index
      %get3A_516 = arith.constant 0 : index
      %get3A_517 = arith.constant 0 : index
      %get3A_518 = vector.load %arg4[%get3A_515, %get3A_516, %get3A_517] : memref<40x32x128xf32, #tpu.memory_space<vmem>>, vector<1x32x128xf32>
      %get3A_519 = vector.shape_cast %get3A_518 : vector<1x32x128xf32> to vector<32x128xf32>
      %dot_general3A_520 = arith.constant dense<0.000000e+00> : vector<40x128xf32>
      %dot_general3A_521 = tpu.matmul %get3A_514, %get3A_519, %dot_general3A_520 {dimension_numbers = #tpu.dot_dimension_numbers<[1], [0], [0], [1], [0, 0, 1, 1], [], []>, transpose_lhs_hint = false} : vector<40x32xf32>, vector<32x128xf32>, vector<40x128xf32> -> vector<40x128xf32>
      %swap3A_522 = arith.constant 720 : index
      %swap3A_523 = arith.constant 0 : index
      %swap3A_524 = vector.load %arg9[%swap3A_522, %swap3A_523] : memref<1600x128xf32, #tpu.memory_space<vmem>>, vector<40x128xf32>
      tpu.vector_store %arg9[%swap3A_522, %swap3A_523], %dot_general3A_521 {strides = array<i32>} : memref<1600x128xf32, #tpu.memory_space<vmem>>, vector<40x128xf32>,
      %get3A_525 = arith.constant 0 : index
      %get3A_526 = arith.constant 0 : index
      %get3A_527 = vector.load %arg1[%get3A_525, %get3A_526] : memref<40x32xf32, #tpu.memory_space<vmem>>, vector<40x32xf32>
      %get3A_528 = arith.constant 19 : index
      %get3A_529 = arith.constant 0 : index
      %get3A_530 = arith.constant 0 : index
      %get3A_531 = vector.load %arg2[%get3A_528, %get3A_529, %get3A_530] : memref<40x32x128xf32, #tpu.memory_space<vmem>>, vector<1x32x128xf32>
      %get3A_532 = vector.shape_cast %get3A_531 : vector<1x32x128xf32> to vector<32x128xf32>
      %dot_general3A_533 = arith.constant dense<0.000000e+00> : vector<40x128xf32>
      %dot_general3A_534 = tpu.matmul %get3A_527, %get3A_532, %dot_general3A_533 {dimension_numbers = #tpu.dot_dimension_numbers<[1], [0], [0], [1], [0, 0, 1, 1], [], []>, transpose_lhs_hint = false} : vector<40x32xf32>, vector<32x128xf32>, vector<40x128xf32> -> vector<40x128xf32>
      %swap3A_535 = arith.constant 760 : index
      %swap3A_536 = arith.constant 0 : index
      %swap3A_537 = vector.load %arg8[%swap3A_535, %swap3A_536] : memref<1600x128xf32, #tpu.memory_space<vmem>>, vector<40x128xf32>
      tpu.vector_store %arg8[%swap3A_535, %swap3A_536], %dot_general3A_534 {strides = array<i32>} : memref<1600x128xf32, #tpu.memory_space<vmem>>, vector<40x128xf32>,
      %get3A_538 = arith.constant 0 : index
      %get3A_539 = arith.constant 0 : index
      %get3A_540 = vector.load %arg3[%get3A_538, %get3A_539] : memref<40x32xf32, #tpu.memory_space<vmem>>, vector<40x32xf32>
      %get3A_541 = arith.constant 19 : index
      %get3A_542 = arith.constant 0 : index
      %get3A_543 = arith.constant 0 : index
      %get3A_544 = vector.load %arg4[%get3A_541, %get3A_542, %get3A_543] : memref<40x32x128xf32, #tpu.memory_space<vmem>>, vector<1x32x128xf32>
      %get3A_545 = vector.shape_cast %get3A_544 : vector<1x32x128xf32> to vector<32x128xf32>
      %dot_general3A_546 = arith.constant dense<0.000000e+00> : vector<40x128xf32>
      %dot_general3A_547 = tpu.matmul %get3A_540, %get3A_545, %dot_general3A_546 {dimension_numbers = #tpu.dot_dimension_numbers<[1], [0], [0], [1], [0, 0, 1, 1], [], []>, transpose_lhs_hint = false} : vector<40x32xf32>, vector<32x128xf32>, vector<40x128xf32> -> vector<40x128xf32>
      %swap3A_548 = arith.constant 760 : index
      %swap3A_549 = arith.constant 0 : index
      %swap3A_550 = vector.load %arg9[%swap3A_548, %swap3A_549] : memref<1600x128xf32, #tpu.memory_space<vmem>>, vector<40x128xf32>
      tpu.vector_store %arg9[%swap3A_548, %swap3A_549], %dot_general3A_547 {strides = array<i32>} : memref<1600x128xf32, #tpu.memory_space<vmem>>, vector<40x128xf32>,
      %get3A_551 = arith.constant 0 : index
      %get3A_552 = arith.constant 0 : index
      %get3A_553 = vector.load %arg1[%get3A_551, %get3A_552] : memref<40x32xf32, #tpu.memory_space<vmem>>, vector<40x32xf32>
      %get3A_554 = arith.constant 20 : index
      %get3A_555 = arith.constant 0 : index
      %get3A_556 = arith.constant 0 : index
      %get3A_557 = vector.load %arg2[%get3A_554, %get3A_555, %get3A_556] : memref<40x32x128xf32, #tpu.memory_space<vmem>>, vector<1x32x128xf32>
      %get3A_558 = vector.shape_cast %get3A_557 : vector<1x32x128xf32> to vector<32x128xf32>
      %dot_general3A_559 = arith.constant dense<0.000000e+00> : vector<40x128xf32>
      %dot_general3A_560 = tpu.matmul %get3A_553, %get3A_558, %dot_general3A_559 {dimension_numbers = #tpu.dot_dimension_numbers<[1], [0], [0], [1], [0, 0, 1, 1], [], []>, transpose_lhs_hint = false} : vector<40x32xf32>, vector<32x128xf32>, vector<40x128xf32> -> vector<40x128xf32>
      %swap3A_561 = arith.constant 800 : index
      %swap3A_562 = arith.constant 0 : index
      %swap3A_563 = vector.load %arg8[%swap3A_561, %swap3A_562] : memref<1600x128xf32, #tpu.memory_space<vmem>>, vector<40x128xf32>
      tpu.vector_store %arg8[%swap3A_561, %swap3A_562], %dot_general3A_560 {strides = array<i32>} : memref<1600x128xf32, #tpu.memory_space<vmem>>, vector<40x128xf32>,
      %get3A_564 = arith.constant 0 : index
      %get3A_565 = arith.constant 0 : index
      %get3A_566 = vector.load %arg3[%get3A_564, %get3A_565] : memref<40x32xf32, #tpu.memory_space<vmem>>, vector<40x32xf32>
      %get3A_567 = arith.constant 20 : index
      %get3A_568 = arith.constant 0 : index
      %get3A_569 = arith.constant 0 : index
      %get3A_570 = vector.load %arg4[%get3A_567, %get3A_568, %get3A_569] : memref<40x32x128xf32, #tpu.memory_space<vmem>>, vector<1x32x128xf32>
      %get3A_571 = vector.shape_cast %get3A_570 : vector<1x32x128xf32> to vector<32x128xf32>
      %dot_general3A_572 = arith.constant dense<0.000000e+00> : vector<40x128xf32>
      %dot_general3A_573 = tpu.matmul %get3A_566, %get3A_571, %dot_general3A_572 {dimension_numbers = #tpu.dot_dimension_numbers<[1], [0], [0], [1], [0, 0, 1, 1], [], []>, transpose_lhs_hint = false} : vector<40x32xf32>, vector<32x128xf32>, vector<40x128xf32> -> vector<40x128xf32>
      %swap3A_574 = arith.constant 800 : index
      %swap3A_575 = arith.constant 0 : index
      %swap3A_576 = vector.load %arg9[%swap3A_574, %swap3A_575] : memref<1600x128xf32, #tpu.memory_space<vmem>>, vector<40x128xf32>
      tpu.vector_store %arg9[%swap3A_574, %swap3A_575], %dot_general3A_573 {strides = array<i32>} : memref<1600x128xf32, #tpu.memory_space<vmem>>, vector<40x128xf32>,
      %get3A_577 = arith.constant 0 : index
      %get3A_578 = arith.constant 0 : index
      %get3A_579 = vector.load %arg1[%get3A_577, %get3A_578] : memref<40x32xf32, #tpu.memory_space<vmem>>, vector<40x32xf32>
      %get3A_580 = arith.constant 21 : index
      %get3A_581 = arith.constant 0 : index
      %get3A_582 = arith.constant 0 : index
      %get3A_583 = vector.load %arg2[%get3A_580, %get3A_581, %get3A_582] : memref<40x32x128xf32, #tpu.memory_space<vmem>>, vector<1x32x128xf32>
      %get3A_584 = vector.shape_cast %get3A_583 : vector<1x32x128xf32> to vector<32x128xf32>
      %dot_general3A_585 = arith.constant dense<0.000000e+00> : vector<40x128xf32>
      %dot_general3A_586 = tpu.matmul %get3A_579, %get3A_584, %dot_general3A_585 {dimension_numbers = #tpu.dot_dimension_numbers<[1], [0], [0], [1], [0, 0, 1, 1], [], []>, transpose_lhs_hint = false} : vector<40x32xf32>, vector<32x128xf32>, vector<40x128xf32> -> vector<40x128xf32>
      %swap3A_587 = arith.constant 840 : index
      %swap3A_588 = arith.constant 0 : index
      %swap3A_589 = vector.load %arg8[%swap3A_587, %swap3A_588] : memref<1600x128xf32, #tpu.memory_space<vmem>>, vector<40x128xf32>
      tpu.vector_store %arg8[%swap3A_587, %swap3A_588], %dot_general3A_586 {strides = array<i32>} : memref<1600x128xf32, #tpu.memory_space<vmem>>, vector<40x128xf32>,
      %get3A_590 = arith.constant 0 : index
      %get3A_591 = arith.constant 0 : index
      %get3A_592 = vector.load %arg3[%get3A_590, %get3A_591] : memref<40x32xf32, #tpu.memory_space<vmem>>, vector<40x32xf32>
      %get3A_593 = arith.constant 21 : index
      %get3A_594 = arith.constant 0 : index
      %get3A_595 = arith.constant 0 : index
      %get3A_596 = vector.load %arg4[%get3A_593, %get3A_594, %get3A_595] : memref<40x32x128xf32, #tpu.memory_space<vmem>>, vector<1x32x128xf32>
      %get3A_597 = vector.shape_cast %get3A_596 : vector<1x32x128xf32> to vector<32x128xf32>
      %dot_general3A_598 = arith.constant dense<0.000000e+00> : vector<40x128xf32>
      %dot_general3A_599 = tpu.matmul %get3A_592, %get3A_597, %dot_general3A_598 {dimension_numbers = #tpu.dot_dimension_numbers<[1], [0], [0], [1], [0, 0, 1, 1], [], []>, transpose_lhs_hint = false} : vector<40x32xf32>, vector<32x128xf32>, vector<40x128xf32> -> vector<40x128xf32>
      %swap3A_600 = arith.constant 840 : index
      %swap3A_601 = arith.constant 0 : index
      %swap3A_602 = vector.load %arg9[%swap3A_600, %swap3A_601] : memref<1600x128xf32, #tpu.memory_space<vmem>>, vector<40x128xf32>
      tpu.vector_store %arg9[%swap3A_600, %swap3A_601], %dot_general3A_599 {strides = array<i32>} : memref<1600x128xf32, #tpu.memory_space<vmem>>, vector<40x128xf32>,
      %get3A_603 = arith.constant 0 : index
      %get3A_604 = arith.constant 0 : index
      %get3A_605 = vector.load %arg1[%get3A_603, %get3A_604] : memref<40x32xf32, #tpu.memory_space<vmem>>, vector<40x32xf32>
      %get3A_606 = arith.constant 22 : index
      %get3A_607 = arith.constant 0 : index
      %get3A_608 = arith.constant 0 : index
      %get3A_609 = vector.load %arg2[%get3A_606, %get3A_607, %get3A_608] : memref<40x32x128xf32, #tpu.memory_space<vmem>>, vector<1x32x128xf32>
      %get3A_610 = vector.shape_cast %get3A_609 : vector<1x32x128xf32> to vector<32x128xf32>
      %dot_general3A_611 = arith.constant dense<0.000000e+00> : vector<40x128xf32>
      %dot_general3A_612 = tpu.matmul %get3A_605, %get3A_610, %dot_general3A_611 {dimension_numbers = #tpu.dot_dimension_numbers<[1], [0], [0], [1], [0, 0, 1, 1], [], []>, transpose_lhs_hint = false} : vector<40x32xf32>, vector<32x128xf32>, vector<40x128xf32> -> vector<40x128xf32>
      %swap3A_613 = arith.constant 880 : index
      %swap3A_614 = arith.constant 0 : index
      %swap3A_615 = vector.load %arg8[%swap3A_613, %swap3A_614] : memref<1600x128xf32, #tpu.memory_space<vmem>>, vector<40x128xf32>
      tpu.vector_store %arg8[%swap3A_613, %swap3A_614], %dot_general3A_612 {strides = array<i32>} : memref<1600x128xf32, #tpu.memory_space<vmem>>, vector<40x128xf32>,
      %get3A_616 = arith.constant 0 : index
      %get3A_617 = arith.constant 0 : index
      %get3A_618 = vector.load %arg3[%get3A_616, %get3A_617] : memref<40x32xf32, #tpu.memory_space<vmem>>, vector<40x32xf32>
      %get3A_619 = arith.constant 22 : index
      %get3A_620 = arith.constant 0 : index
      %get3A_621 = arith.constant 0 : index
      %get3A_622 = vector.load %arg4[%get3A_619, %get3A_620, %get3A_621] : memref<40x32x128xf32, #tpu.memory_space<vmem>>, vector<1x32x128xf32>
      %get3A_623 = vector.shape_cast %get3A_622 : vector<1x32x128xf32> to vector<32x128xf32>
      %dot_general3A_624 = arith.constant dense<0.000000e+00> : vector<40x128xf32>
      %dot_general3A_625 = tpu.matmul %get3A_618, %get3A_623, %dot_general3A_624 {dimension_numbers = #tpu.dot_dimension_numbers<[1], [0], [0], [1], [0, 0, 1, 1], [], []>, transpose_lhs_hint = false} : vector<40x32xf32>, vector<32x128xf32>, vector<40x128xf32> -> vector<40x128xf32>
      %swap3A_626 = arith.constant 880 : index
      %swap3A_627 = arith.constant 0 : index
      %swap3A_628 = vector.load %arg9[%swap3A_626, %swap3A_627] : memref<1600x128xf32, #tpu.memory_space<vmem>>, vector<40x128xf32>
      tpu.vector_store %arg9[%swap3A_626, %swap3A_627], %dot_general3A_625 {strides = array<i32>} : memref<1600x128xf32, #tpu.memory_space<vmem>>, vector<40x128xf32>,
      %get3A_629 = arith.constant 0 : index
      %get3A_630 = arith.constant 0 : index
      %get3A_631 = vector.load %arg1[%get3A_629, %get3A_630] : memref<40x32xf32, #tpu.memory_space<vmem>>, vector<40x32xf32>
      %get3A_632 = arith.constant 23 : index
      %get3A_633 = arith.constant 0 : index
      %get3A_634 = arith.constant 0 : index
      %get3A_635 = vector.load %arg2[%get3A_632, %get3A_633, %get3A_634] : memref<40x32x128xf32, #tpu.memory_space<vmem>>, vector<1x32x128xf32>
      %get3A_636 = vector.shape_cast %get3A_635 : vector<1x32x128xf32> to vector<32x128xf32>
      %dot_general3A_637 = arith.constant dense<0.000000e+00> : vector<40x128xf32>
      %dot_general3A_638 = tpu.matmul %get3A_631, %get3A_636, %dot_general3A_637 {dimension_numbers = #tpu.dot_dimension_numbers<[1], [0], [0], [1], [0, 0, 1, 1], [], []>, transpose_lhs_hint = false} : vector<40x32xf32>, vector<32x128xf32>, vector<40x128xf32> -> vector<40x128xf32>
      %swap3A_639 = arith.constant 920 : index
      %swap3A_640 = arith.constant 0 : index
      %swap3A_641 = vector.load %arg8[%swap3A_639, %swap3A_640] : memref<1600x128xf32, #tpu.memory_space<vmem>>, vector<40x128xf32>
      tpu.vector_store %arg8[%swap3A_639, %swap3A_640], %dot_general3A_638 {strides = array<i32>} : memref<1600x128xf32, #tpu.memory_space<vmem>>, vector<40x128xf32>,
      %get3A_642 = arith.constant 0 : index
      %get3A_643 = arith.constant 0 : index
      %get3A_644 = vector.load %arg3[%get3A_642, %get3A_643] : memref<40x32xf32, #tpu.memory_space<vmem>>, vector<40x32xf32>
      %get3A_645 = arith.constant 23 : index
      %get3A_646 = arith.constant 0 : index
      %get3A_647 = arith.constant 0 : index
      %get3A_648 = vector.load %arg4[%get3A_645, %get3A_646, %get3A_647] : memref<40x32x128xf32, #tpu.memory_space<vmem>>, vector<1x32x128xf32>
      %get3A_649 = vector.shape_cast %get3A_648 : vector<1x32x128xf32> to vector<32x128xf32>
      %dot_general3A_650 = arith.constant dense<0.000000e+00> : vector<40x128xf32>
      %dot_general3A_651 = tpu.matmul %get3A_644, %get3A_649, %dot_general3A_650 {dimension_numbers = #tpu.dot_dimension_numbers<[1], [0], [0], [1], [0, 0, 1, 1], [], []>, transpose_lhs_hint = false} : vector<40x32xf32>, vector<32x128xf32>, vector<40x128xf32> -> vector<40x128xf32>
      %swap3A_652 = arith.constant 920 : index
      %swap3A_653 = arith.constant 0 : index
      %swap3A_654 = vector.load %arg9[%swap3A_652, %swap3A_653] : memref<1600x128xf32, #tpu.memory_space<vmem>>, vector<40x128xf32>
      tpu.vector_store %arg9[%swap3A_652, %swap3A_653], %dot_general3A_651 {strides = array<i32>} : memref<1600x128xf32, #tpu.memory_space<vmem>>, vector<40x128xf32>,
      %get3A_655 = arith.constant 0 : index
      %get3A_656 = arith.constant 0 : index
      %get3A_657 = vector.load %arg1[%get3A_655, %get3A_656] : memref<40x32xf32, #tpu.memory_space<vmem>>, vector<40x32xf32>
      %get3A_658 = arith.constant 24 : index
      %get3A_659 = arith.constant 0 : index
      %get3A_660 = arith.constant 0 : index
      %get3A_661 = vector.load %arg2[%get3A_658, %get3A_659, %get3A_660] : memref<40x32x128xf32, #tpu.memory_space<vmem>>, vector<1x32x128xf32>
      %get3A_662 = vector.shape_cast %get3A_661 : vector<1x32x128xf32> to vector<32x128xf32>
      %dot_general3A_663 = arith.constant dense<0.000000e+00> : vector<40x128xf32>
      %dot_general3A_664 = tpu.matmul %get3A_657, %get3A_662, %dot_general3A_663 {dimension_numbers = #tpu.dot_dimension_numbers<[1], [0], [0], [1], [0, 0, 1, 1], [], []>, transpose_lhs_hint = false} : vector<40x32xf32>, vector<32x128xf32>, vector<40x128xf32> -> vector<40x128xf32>
      %swap3A_665 = arith.constant 960 : index
      %swap3A_666 = arith.constant 0 : index
      %swap3A_667 = vector.load %arg8[%swap3A_665, %swap3A_666] : memref<1600x128xf32, #tpu.memory_space<vmem>>, vector<40x128xf32>
      tpu.vector_store %arg8[%swap3A_665, %swap3A_666], %dot_general3A_664 {strides = array<i32>} : memref<1600x128xf32, #tpu.memory_space<vmem>>, vector<40x128xf32>,
      %get3A_668 = arith.constant 0 : index
      %get3A_669 = arith.constant 0 : index
      %get3A_670 = vector.load %arg3[%get3A_668, %get3A_669] : memref<40x32xf32, #tpu.memory_space<vmem>>, vector<40x32xf32>
      %get3A_671 = arith.constant 24 : index
      %get3A_672 = arith.constant 0 : index
      %get3A_673 = arith.constant 0 : index
      %get3A_674 = vector.load %arg4[%get3A_671, %get3A_672, %get3A_673] : memref<40x32x128xf32, #tpu.memory_space<vmem>>, vector<1x32x128xf32>
      %get3A_675 = vector.shape_cast %get3A_674 : vector<1x32x128xf32> to vector<32x128xf32>
      %dot_general3A_676 = arith.constant dense<0.000000e+00> : vector<40x128xf32>
      %dot_general3A_677 = tpu.matmul %get3A_670, %get3A_675, %dot_general3A_676 {dimension_numbers = #tpu.dot_dimension_numbers<[1], [0], [0], [1], [0, 0, 1, 1], [], []>, transpose_lhs_hint = false} : vector<40x32xf32>, vector<32x128xf32>, vector<40x128xf32> -> vector<40x128xf32>
      %swap3A_678 = arith.constant 960 : index
      %swap3A_679 = arith.constant 0 : index
      %swap3A_680 = vector.load %arg9[%swap3A_678, %swap3A_679] : memref<1600x128xf32, #tpu.memory_space<vmem>>, vector<40x128xf32>
      tpu.vector_store %arg9[%swap3A_678, %swap3A_679], %dot_general3A_677 {strides = array<i32>} : memref<1600x128xf32, #tpu.memory_space<vmem>>, vector<40x128xf32>,
      %get3A_681 = arith.constant 0 : index
      %get3A_682 = arith.constant 0 : index
      %get3A_683 = vector.load %arg1[%get3A_681, %get3A_682] : memref<40x32xf32, #tpu.memory_space<vmem>>, vector<40x32xf32>
      %get3A_684 = arith.constant 25 : index
      %get3A_685 = arith.constant 0 : index
      %get3A_686 = arith.constant 0 : index
      %get3A_687 = vector.load %arg2[%get3A_684, %get3A_685, %get3A_686] : memref<40x32x128xf32, #tpu.memory_space<vmem>>, vector<1x32x128xf32>
      %get3A_688 = vector.shape_cast %get3A_687 : vector<1x32x128xf32> to vector<32x128xf32>
      %dot_general3A_689 = arith.constant dense<0.000000e+00> : vector<40x128xf32>
      %dot_general3A_690 = tpu.matmul %get3A_683, %get3A_688, %dot_general3A_689 {dimension_numbers = #tpu.dot_dimension_numbers<[1], [0], [0], [1], [0, 0, 1, 1], [], []>, transpose_lhs_hint = false} : vector<40x32xf32>, vector<32x128xf32>, vector<40x128xf32> -> vector<40x128xf32>
      %swap3A_691 = arith.constant 1000 : index
      %swap3A_692 = arith.constant 0 : index
      %swap3A_693 = vector.load %arg8[%swap3A_691, %swap3A_692] : memref<1600x128xf32, #tpu.memory_space<vmem>>, vector<40x128xf32>
      tpu.vector_store %arg8[%swap3A_691, %swap3A_692], %dot_general3A_690 {strides = array<i32>} : memref<1600x128xf32, #tpu.memory_space<vmem>>, vector<40x128xf32>,
      %get3A_694 = arith.constant 0 : index
      %get3A_695 = arith.constant 0 : index
      %get3A_696 = vector.load %arg3[%get3A_694, %get3A_695] : memref<40x32xf32, #tpu.memory_space<vmem>>, vector<40x32xf32>
      %get3A_697 = arith.constant 25 : index
      %get3A_698 = arith.constant 0 : index
      %get3A_699 = arith.constant 0 : index
      %get3A_700 = vector.load %arg4[%get3A_697, %get3A_698, %get3A_699] : memref<40x32x128xf32, #tpu.memory_space<vmem>>, vector<1x32x128xf32>
      %get3A_701 = vector.shape_cast %get3A_700 : vector<1x32x128xf32> to vector<32x128xf32>
      %dot_general3A_702 = arith.constant dense<0.000000e+00> : vector<40x128xf32>
      %dot_general3A_703 = tpu.matmul %get3A_696, %get3A_701, %dot_general3A_702 {dimension_numbers = #tpu.dot_dimension_numbers<[1], [0], [0], [1], [0, 0, 1, 1], [], []>, transpose_lhs_hint = false} : vector<40x32xf32>, vector<32x128xf32>, vector<40x128xf32> -> vector<40x128xf32>
      %swap3A_704 = arith.constant 1000 : index
      %swap3A_705 = arith.constant 0 : index
      %swap3A_706 = vector.load %arg9[%swap3A_704, %swap3A_705] : memref<1600x128xf32, #tpu.memory_space<vmem>>, vector<40x128xf32>
      tpu.vector_store %arg9[%swap3A_704, %swap3A_705], %dot_general3A_703 {strides = array<i32>} : memref<1600x128xf32, #tpu.memory_space<vmem>>, vector<40x128xf32>,
      %get3A_707 = arith.constant 0 : index
      %get3A_708 = arith.constant 0 : index
      %get3A_709 = vector.load %arg1[%get3A_707, %get3A_708] : memref<40x32xf32, #tpu.memory_space<vmem>>, vector<40x32xf32>
      %get3A_710 = arith.constant 26 : index
      %get3A_711 = arith.constant 0 : index
      %get3A_712 = arith.constant 0 : index
      %get3A_713 = vector.load %arg2[%get3A_710, %get3A_711, %get3A_712] : memref<40x32x128xf32, #tpu.memory_space<vmem>>, vector<1x32x128xf32>
      %get3A_714 = vector.shape_cast %get3A_713 : vector<1x32x128xf32> to vector<32x128xf32>
      %dot_general3A_715 = arith.constant dense<0.000000e+00> : vector<40x128xf32>
      %dot_general3A_716 = tpu.matmul %get3A_709, %get3A_714, %dot_general3A_715 {dimension_numbers = #tpu.dot_dimension_numbers<[1], [0], [0], [1], [0, 0, 1, 1], [], []>, transpose_lhs_hint = false} : vector<40x32xf32>, vector<32x128xf32>, vector<40x128xf32> -> vector<40x128xf32>
      %swap3A_717 = arith.constant 1040 : index
      %swap3A_718 = arith.constant 0 : index
      %swap3A_719 = vector.load %arg8[%swap3A_717, %swap3A_718] : memref<1600x128xf32, #tpu.memory_space<vmem>>, vector<40x128xf32>
      tpu.vector_store %arg8[%swap3A_717, %swap3A_718], %dot_general3A_716 {strides = array<i32>} : memref<1600x128xf32, #tpu.memory_space<vmem>>, vector<40x128xf32>,
      %get3A_720 = arith.constant 0 : index
      %get3A_721 = arith.constant 0 : index
      %get3A_722 = vector.load %arg3[%get3A_720, %get3A_721] : memref<40x32xf32, #tpu.memory_space<vmem>>, vector<40x32xf32>
      %get3A_723 = arith.constant 26 : index
      %get3A_724 = arith.constant 0 : index
      %get3A_725 = arith.constant 0 : index
      %get3A_726 = vector.load %arg4[%get3A_723, %get3A_724, %get3A_725] : memref<40x32x128xf32, #tpu.memory_space<vmem>>, vector<1x32x128xf32>
      %get3A_727 = vector.shape_cast %get3A_726 : vector<1x32x128xf32> to vector<32x128xf32>
      %dot_general3A_728 = arith.constant dense<0.000000e+00> : vector<40x128xf32>
      %dot_general3A_729 = tpu.matmul %get3A_722, %get3A_727, %dot_general3A_728 {dimension_numbers = #tpu.dot_dimension_numbers<[1], [0], [0], [1], [0, 0, 1, 1], [], []>, transpose_lhs_hint = false} : vector<40x32xf32>, vector<32x128xf32>, vector<40x128xf32> -> vector<40x128xf32>
      %swap3A_730 = arith.constant 1040 : index
      %swap3A_731 = arith.constant 0 : index
      %swap3A_732 = vector.load %arg9[%swap3A_730, %swap3A_731] : memref<1600x128xf32, #tpu.memory_space<vmem>>, vector<40x128xf32>
      tpu.vector_store %arg9[%swap3A_730, %swap3A_731], %dot_general3A_729 {strides = array<i32>} : memref<1600x128xf32, #tpu.memory_space<vmem>>, vector<40x128xf32>,
      %get3A_733 = arith.constant 0 : index
      %get3A_734 = arith.constant 0 : index
      %get3A_735 = vector.load %arg1[%get3A_733, %get3A_734] : memref<40x32xf32, #tpu.memory_space<vmem>>, vector<40x32xf32>
      %get3A_736 = arith.constant 27 : index
      %get3A_737 = arith.constant 0 : index
      %get3A_738 = arith.constant 0 : index
      %get3A_739 = vector.load %arg2[%get3A_736, %get3A_737, %get3A_738] : memref<40x32x128xf32, #tpu.memory_space<vmem>>, vector<1x32x128xf32>
      %get3A_740 = vector.shape_cast %get3A_739 : vector<1x32x128xf32> to vector<32x128xf32>
      %dot_general3A_741 = arith.constant dense<0.000000e+00> : vector<40x128xf32>
      %dot_general3A_742 = tpu.matmul %get3A_735, %get3A_740, %dot_general3A_741 {dimension_numbers = #tpu.dot_dimension_numbers<[1], [0], [0], [1], [0, 0, 1, 1], [], []>, transpose_lhs_hint = false} : vector<40x32xf32>, vector<32x128xf32>, vector<40x128xf32> -> vector<40x128xf32>
      %swap3A_743 = arith.constant 1080 : index
      %swap3A_744 = arith.constant 0 : index
      %swap3A_745 = vector.load %arg8[%swap3A_743, %swap3A_744] : memref<1600x128xf32, #tpu.memory_space<vmem>>, vector<40x128xf32>
      tpu.vector_store %arg8[%swap3A_743, %swap3A_744], %dot_general3A_742 {strides = array<i32>} : memref<1600x128xf32, #tpu.memory_space<vmem>>, vector<40x128xf32>,
      %get3A_746 = arith.constant 0 : index
      %get3A_747 = arith.constant 0 : index
      %get3A_748 = vector.load %arg3[%get3A_746, %get3A_747] : memref<40x32xf32, #tpu.memory_space<vmem>>, vector<40x32xf32>
      %get3A_749 = arith.constant 27 : index
      %get3A_750 = arith.constant 0 : index
      %get3A_751 = arith.constant 0 : index
      %get3A_752 = vector.load %arg4[%get3A_749, %get3A_750, %get3A_751] : memref<40x32x128xf32, #tpu.memory_space<vmem>>, vector<1x32x128xf32>
      %get3A_753 = vector.shape_cast %get3A_752 : vector<1x32x128xf32> to vector<32x128xf32>
      %dot_general3A_754 = arith.constant dense<0.000000e+00> : vector<40x128xf32>
      %dot_general3A_755 = tpu.matmul %get3A_748, %get3A_753, %dot_general3A_754 {dimension_numbers = #tpu.dot_dimension_numbers<[1], [0], [0], [1], [0, 0, 1, 1], [], []>, transpose_lhs_hint = false} : vector<40x32xf32>, vector<32x128xf32>, vector<40x128xf32> -> vector<40x128xf32>
      %swap3A_756 = arith.constant 1080 : index
      %swap3A_757 = arith.constant 0 : index
      %swap3A_758 = vector.load %arg9[%swap3A_756, %swap3A_757] : memref<1600x128xf32, #tpu.memory_space<vmem>>, vector<40x128xf32>
      tpu.vector_store %arg9[%swap3A_756, %swap3A_757], %dot_general3A_755 {strides = array<i32>} : memref<1600x128xf32, #tpu.memory_space<vmem>>, vector<40x128xf32>,
      %get3A_759 = arith.constant 0 : index
      %get3A_760 = arith.constant 0 : index
      %get3A_761 = vector.load %arg1[%get3A_759, %get3A_760] : memref<40x32xf32, #tpu.memory_space<vmem>>, vector<40x32xf32>
      %get3A_762 = arith.constant 28 : index
      %get3A_763 = arith.constant 0 : index
      %get3A_764 = arith.constant 0 : index
      %get3A_765 = vector.load %arg2[%get3A_762, %get3A_763, %get3A_764] : memref<40x32x128xf32, #tpu.memory_space<vmem>>, vector<1x32x128xf32>
      %get3A_766 = vector.shape_cast %get3A_765 : vector<1x32x128xf32> to vector<32x128xf32>
      %dot_general3A_767 = arith.constant dense<0.000000e+00> : vector<40x128xf32>
      %dot_general3A_768 = tpu.matmul %get3A_761, %get3A_766, %dot_general3A_767 {dimension_numbers = #tpu.dot_dimension_numbers<[1], [0], [0], [1], [0, 0, 1, 1], [], []>, transpose_lhs_hint = false} : vector<40x32xf32>, vector<32x128xf32>, vector<40x128xf32> -> vector<40x128xf32>
      %swap3A_769 = arith.constant 1120 : index
      %swap3A_770 = arith.constant 0 : index
      %swap3A_771 = vector.load %arg8[%swap3A_769, %swap3A_770] : memref<1600x128xf32, #tpu.memory_space<vmem>>, vector<40x128xf32>
      tpu.vector_store %arg8[%swap3A_769, %swap3A_770], %dot_general3A_768 {strides = array<i32>} : memref<1600x128xf32, #tpu.memory_space<vmem>>, vector<40x128xf32>,
      %get3A_772 = arith.constant 0 : index
      %get3A_773 = arith.constant 0 : index
      %get3A_774 = vector.load %arg3[%get3A_772, %get3A_773] : memref<40x32xf32, #tpu.memory_space<vmem>>, vector<40x32xf32>
      %get3A_775 = arith.constant 28 : index
      %get3A_776 = arith.constant 0 : index
      %get3A_777 = arith.constant 0 : index
      %get3A_778 = vector.load %arg4[%get3A_775, %get3A_776, %get3A_777] : memref<40x32x128xf32, #tpu.memory_space<vmem>>, vector<1x32x128xf32>
      %get3A_779 = vector.shape_cast %get3A_778 : vector<1x32x128xf32> to vector<32x128xf32>
      %dot_general3A_780 = arith.constant dense<0.000000e+00> : vector<40x128xf32>
      %dot_general3A_781 = tpu.matmul %get3A_774, %get3A_779, %dot_general3A_780 {dimension_numbers = #tpu.dot_dimension_numbers<[1], [0], [0], [1], [0, 0, 1, 1], [], []>, transpose_lhs_hint = false} : vector<40x32xf32>, vector<32x128xf32>, vector<40x128xf32> -> vector<40x128xf32>
      %swap3A_782 = arith.constant 1120 : index
      %swap3A_783 = arith.constant 0 : index
      %swap3A_784 = vector.load %arg9[%swap3A_782, %swap3A_783] : memref<1600x128xf32, #tpu.memory_space<vmem>>, vector<40x128xf32>
      tpu.vector_store %arg9[%swap3A_782, %swap3A_783], %dot_general3A_781 {strides = array<i32>} : memref<1600x128xf32, #tpu.memory_space<vmem>>, vector<40x128xf32>,
      %get3A_785 = arith.constant 0 : index
      %get3A_786 = arith.constant 0 : index
      %get3A_787 = vector.load %arg1[%get3A_785, %get3A_786] : memref<40x32xf32, #tpu.memory_space<vmem>>, vector<40x32xf32>
      %get3A_788 = arith.constant 29 : index
      %get3A_789 = arith.constant 0 : index
      %get3A_790 = arith.constant 0 : index
      %get3A_791 = vector.load %arg2[%get3A_788, %get3A_789, %get3A_790] : memref<40x32x128xf32, #tpu.memory_space<vmem>>, vector<1x32x128xf32>
      %get3A_792 = vector.shape_cast %get3A_791 : vector<1x32x128xf32> to vector<32x128xf32>
      %dot_general3A_793 = arith.constant dense<0.000000e+00> : vector<40x128xf32>
      %dot_general3A_794 = tpu.matmul %get3A_787, %get3A_792, %dot_general3A_793 {dimension_numbers = #tpu.dot_dimension_numbers<[1], [0], [0], [1], [0, 0, 1, 1], [], []>, transpose_lhs_hint = false} : vector<40x32xf32>, vector<32x128xf32>, vector<40x128xf32> -> vector<40x128xf32>
      %swap3A_795 = arith.constant 1160 : index
      %swap3A_796 = arith.constant 0 : index
      %swap3A_797 = vector.load %arg8[%swap3A_795, %swap3A_796] : memref<1600x128xf32, #tpu.memory_space<vmem>>, vector<40x128xf32>
      tpu.vector_store %arg8[%swap3A_795, %swap3A_796], %dot_general3A_794 {strides = array<i32>} : memref<1600x128xf32, #tpu.memory_space<vmem>>, vector<40x128xf32>,
      %get3A_798 = arith.constant 0 : index
      %get3A_799 = arith.constant 0 : index
      %get3A_800 = vector.load %arg3[%get3A_798, %get3A_799] : memref<40x32xf32, #tpu.memory_space<vmem>>, vector<40x32xf32>
      %get3A_801 = arith.constant 29 : index
      %get3A_802 = arith.constant 0 : index
      %get3A_803 = arith.constant 0 : index
      %get3A_804 = vector.load %arg4[%get3A_801, %get3A_802, %get3A_803] : memref<40x32x128xf32, #tpu.memory_space<vmem>>, vector<1x32x128xf32>
      %get3A_805 = vector.shape_cast %get3A_804 : vector<1x32x128xf32> to vector<32x128xf32>
      %dot_general3A_806 = arith.constant dense<0.000000e+00> : vector<40x128xf32>
      %dot_general3A_807 = tpu.matmul %get3A_800, %get3A_805, %dot_general3A_806 {dimension_numbers = #tpu.dot_dimension_numbers<[1], [0], [0], [1], [0, 0, 1, 1], [], []>, transpose_lhs_hint = false} : vector<40x32xf32>, vector<32x128xf32>, vector<40x128xf32> -> vector<40x128xf32>
      %swap3A_808 = arith.constant 1160 : index
      %swap3A_809 = arith.constant 0 : index
      %swap3A_810 = vector.load %arg9[%swap3A_808, %swap3A_809] : memref<1600x128xf32, #tpu.memory_space<vmem>>, vector<40x128xf32>
      tpu.vector_store %arg9[%swap3A_808, %swap3A_809], %dot_general3A_807 {strides = array<i32>} : memref<1600x128xf32, #tpu.memory_space<vmem>>, vector<40x128xf32>,
      %get3A_811 = arith.constant 0 : index
      %get3A_812 = arith.constant 0 : index
      %get3A_813 = vector.load %arg1[%get3A_811, %get3A_812] : memref<40x32xf32, #tpu.memory_space<vmem>>, vector<40x32xf32>
      %get3A_814 = arith.constant 30 : index
      %get3A_815 = arith.constant 0 : index
      %get3A_816 = arith.constant 0 : index
      %get3A_817 = vector.load %arg2[%get3A_814, %get3A_815, %get3A_816] : memref<40x32x128xf32, #tpu.memory_space<vmem>>, vector<1x32x128xf32>
      %get3A_818 = vector.shape_cast %get3A_817 : vector<1x32x128xf32> to vector<32x128xf32>
      %dot_general3A_819 = arith.constant dense<0.000000e+00> : vector<40x128xf32>
      %dot_general3A_820 = tpu.matmul %get3A_813, %get3A_818, %dot_general3A_819 {dimension_numbers = #tpu.dot_dimension_numbers<[1], [0], [0], [1], [0, 0, 1, 1], [], []>, transpose_lhs_hint = false} : vector<40x32xf32>, vector<32x128xf32>, vector<40x128xf32> -> vector<40x128xf32>
      %swap3A_821 = arith.constant 1200 : index
      %swap3A_822 = arith.constant 0 : index
      %swap3A_823 = vector.load %arg8[%swap3A_821, %swap3A_822] : memref<1600x128xf32, #tpu.memory_space<vmem>>, vector<40x128xf32>
      tpu.vector_store %arg8[%swap3A_821, %swap3A_822], %dot_general3A_820 {strides = array<i32>} : memref<1600x128xf32, #tpu.memory_space<vmem>>, vector<40x128xf32>,
      %get3A_824 = arith.constant 0 : index
      %get3A_825 = arith.constant 0 : index
      %get3A_826 = vector.load %arg3[%get3A_824, %get3A_825] : memref<40x32xf32, #tpu.memory_space<vmem>>, vector<40x32xf32>
      %get3A_827 = arith.constant 30 : index
      %get3A_828 = arith.constant 0 : index
      %get3A_829 = arith.constant 0 : index
      %get3A_830 = vector.load %arg4[%get3A_827, %get3A_828, %get3A_829] : memref<40x32x128xf32, #tpu.memory_space<vmem>>, vector<1x32x128xf32>
      %get3A_831 = vector.shape_cast %get3A_830 : vector<1x32x128xf32> to vector<32x128xf32>
      %dot_general3A_832 = arith.constant dense<0.000000e+00> : vector<40x128xf32>
      %dot_general3A_833 = tpu.matmul %get3A_826, %get3A_831, %dot_general3A_832 {dimension_numbers = #tpu.dot_dimension_numbers<[1], [0], [0], [1], [0, 0, 1, 1], [], []>, transpose_lhs_hint = false} : vector<40x32xf32>, vector<32x128xf32>, vector<40x128xf32> -> vector<40x128xf32>
      %swap3A_834 = arith.constant 1200 : index
      %swap3A_835 = arith.constant 0 : index
      %swap3A_836 = vector.load %arg9[%swap3A_834, %swap3A_835] : memref<1600x128xf32, #tpu.memory_space<vmem>>, vector<40x128xf32>
      tpu.vector_store %arg9[%swap3A_834, %swap3A_835], %dot_general3A_833 {strides = array<i32>} : memref<1600x128xf32, #tpu.memory_space<vmem>>, vector<40x128xf32>,
      %get3A_837 = arith.constant 0 : index
      %get3A_838 = arith.constant 0 : index
      %get3A_839 = vector.load %arg1[%get3A_837, %get3A_838] : memref<40x32xf32, #tpu.memory_space<vmem>>, vector<40x32xf32>
      %get3A_840 = arith.constant 31 : index
      %get3A_841 = arith.constant 0 : index
      %get3A_842 = arith.constant 0 : index
      %get3A_843 = vector.load %arg2[%get3A_840, %get3A_841, %get3A_842] : memref<40x32x128xf32, #tpu.memory_space<vmem>>, vector<1x32x128xf32>
      %get3A_844 = vector.shape_cast %get3A_843 : vector<1x32x128xf32> to vector<32x128xf32>
      %dot_general3A_845 = arith.constant dense<0.000000e+00> : vector<40x128xf32>
      %dot_general3A_846 = tpu.matmul %get3A_839, %get3A_844, %dot_general3A_845 {dimension_numbers = #tpu.dot_dimension_numbers<[1], [0], [0], [1], [0, 0, 1, 1], [], []>, transpose_lhs_hint = false} : vector<40x32xf32>, vector<32x128xf32>, vector<40x128xf32> -> vector<40x128xf32>
      %swap3A_847 = arith.constant 1240 : index
      %swap3A_848 = arith.constant 0 : index
      %swap3A_849 = vector.load %arg8[%swap3A_847, %swap3A_848] : memref<1600x128xf32, #tpu.memory_space<vmem>>, vector<40x128xf32>
      tpu.vector_store %arg8[%swap3A_847, %swap3A_848], %dot_general3A_846 {strides = array<i32>} : memref<1600x128xf32, #tpu.memory_space<vmem>>, vector<40x128xf32>,
      %get3A_850 = arith.constant 0 : index
      %get3A_851 = arith.constant 0 : index
      %get3A_852 = vector.load %arg3[%get3A_850, %get3A_851] : memref<40x32xf32, #tpu.memory_space<vmem>>, vector<40x32xf32>
      %get3A_853 = arith.constant 31 : index
      %get3A_854 = arith.constant 0 : index
      %get3A_855 = arith.constant 0 : index
      %get3A_856 = vector.load %arg4[%get3A_853, %get3A_854, %get3A_855] : memref<40x32x128xf32, #tpu.memory_space<vmem>>, vector<1x32x128xf32>
      %get3A_857 = vector.shape_cast %get3A_856 : vector<1x32x128xf32> to vector<32x128xf32>
      %dot_general3A_858 = arith.constant dense<0.000000e+00> : vector<40x128xf32>
      %dot_general3A_859 = tpu.matmul %get3A_852, %get3A_857, %dot_general3A_858 {dimension_numbers = #tpu.dot_dimension_numbers<[1], [0], [0], [1], [0, 0, 1, 1], [], []>, transpose_lhs_hint = false} : vector<40x32xf32>, vector<32x128xf32>, vector<40x128xf32> -> vector<40x128xf32>
      %swap3A_860 = arith.constant 1240 : index
      %swap3A_861 = arith.constant 0 : index
      %swap3A_862 = vector.load %arg9[%swap3A_860, %swap3A_861] : memref<1600x128xf32, #tpu.memory_space<vmem>>, vector<40x128xf32>
      tpu.vector_store %arg9[%swap3A_860, %swap3A_861], %dot_general3A_859 {strides = array<i32>} : memref<1600x128xf32, #tpu.memory_space<vmem>>, vector<40x128xf32>,
      %get3A_863 = arith.constant 0 : index
      %get3A_864 = arith.constant 0 : index
      %get3A_865 = vector.load %arg1[%get3A_863, %get3A_864] : memref<40x32xf32, #tpu.memory_space<vmem>>, vector<40x32xf32>
      %get3A_866 = arith.constant 32 : index
      %get3A_867 = arith.constant 0 : index
      %get3A_868 = arith.constant 0 : index
      %get3A_869 = vector.load %arg2[%get3A_866, %get3A_867, %get3A_868] : memref<40x32x128xf32, #tpu.memory_space<vmem>>, vector<1x32x128xf32>
      %get3A_870 = vector.shape_cast %get3A_869 : vector<1x32x128xf32> to vector<32x128xf32>
      %dot_general3A_871 = arith.constant dense<0.000000e+00> : vector<40x128xf32>
      %dot_general3A_872 = tpu.matmul %get3A_865, %get3A_870, %dot_general3A_871 {dimension_numbers = #tpu.dot_dimension_numbers<[1], [0], [0], [1], [0, 0, 1, 1], [], []>, transpose_lhs_hint = false} : vector<40x32xf32>, vector<32x128xf32>, vector<40x128xf32> -> vector<40x128xf32>
      %swap3A_873 = arith.constant 1280 : index
      %swap3A_874 = arith.constant 0 : index
      %swap3A_875 = vector.load %arg8[%swap3A_873, %swap3A_874] : memref<1600x128xf32, #tpu.memory_space<vmem>>, vector<40x128xf32>
      tpu.vector_store %arg8[%swap3A_873, %swap3A_874], %dot_general3A_872 {strides = array<i32>} : memref<1600x128xf32, #tpu.memory_space<vmem>>, vector<40x128xf32>,
      %get3A_876 = arith.constant 0 : index
      %get3A_877 = arith.constant 0 : index
      %get3A_878 = vector.load %arg3[%get3A_876, %get3A_877] : memref<40x32xf32, #tpu.memory_space<vmem>>, vector<40x32xf32>
      %get3A_879 = arith.constant 32 : index
      %get3A_880 = arith.constant 0 : index
      %get3A_881 = arith.constant 0 : index
      %get3A_882 = vector.load %arg4[%get3A_879, %get3A_880, %get3A_881] : memref<40x32x128xf32, #tpu.memory_space<vmem>>, vector<1x32x128xf32>
      %get3A_883 = vector.shape_cast %get3A_882 : vector<1x32x128xf32> to vector<32x128xf32>
      %dot_general3A_884 = arith.constant dense<0.000000e+00> : vector<40x128xf32>
      %dot_general3A_885 = tpu.matmul %get3A_878, %get3A_883, %dot_general3A_884 {dimension_numbers = #tpu.dot_dimension_numbers<[1], [0], [0], [1], [0, 0, 1, 1], [], []>, transpose_lhs_hint = false} : vector<40x32xf32>, vector<32x128xf32>, vector<40x128xf32> -> vector<40x128xf32>
      %swap3A_886 = arith.constant 1280 : index
      %swap3A_887 = arith.constant 0 : index
      %swap3A_888 = vector.load %arg9[%swap3A_886, %swap3A_887] : memref<1600x128xf32, #tpu.memory_space<vmem>>, vector<40x128xf32>
      tpu.vector_store %arg9[%swap3A_886, %swap3A_887], %dot_general3A_885 {strides = array<i32>} : memref<1600x128xf32, #tpu.memory_space<vmem>>, vector<40x128xf32>,
      %get3A_889 = arith.constant 0 : index
      %get3A_890 = arith.constant 0 : index
      %get3A_891 = vector.load %arg1[%get3A_889, %get3A_890] : memref<40x32xf32, #tpu.memory_space<vmem>>, vector<40x32xf32>
      %get3A_892 = arith.constant 33 : index
      %get3A_893 = arith.constant 0 : index
      %get3A_894 = arith.constant 0 : index
      %get3A_895 = vector.load %arg2[%get3A_892, %get3A_893, %get3A_894] : memref<40x32x128xf32, #tpu.memory_space<vmem>>, vector<1x32x128xf32>
      %get3A_896 = vector.shape_cast %get3A_895 : vector<1x32x128xf32> to vector<32x128xf32>
      %dot_general3A_897 = arith.constant dense<0.000000e+00> : vector<40x128xf32>
      %dot_general3A_898 = tpu.matmul %get3A_891, %get3A_896, %dot_general3A_897 {dimension_numbers = #tpu.dot_dimension_numbers<[1], [0], [0], [1], [0, 0, 1, 1], [], []>, transpose_lhs_hint = false} : vector<40x32xf32>, vector<32x128xf32>, vector<40x128xf32> -> vector<40x128xf32>
      %swap3A_899 = arith.constant 1320 : index
      %swap3A_900 = arith.constant 0 : index
      %swap3A_901 = vector.load %arg8[%swap3A_899, %swap3A_900] : memref<1600x128xf32, #tpu.memory_space<vmem>>, vector<40x128xf32>
      tpu.vector_store %arg8[%swap3A_899, %swap3A_900], %dot_general3A_898 {strides = array<i32>} : memref<1600x128xf32, #tpu.memory_space<vmem>>, vector<40x128xf32>,
      %get3A_902 = arith.constant 0 : index
      %get3A_903 = arith.constant 0 : index
      %get3A_904 = vector.load %arg3[%get3A_902, %get3A_903] : memref<40x32xf32, #tpu.memory_space<vmem>>, vector<40x32xf32>
      %get3A_905 = arith.constant 33 : index
      %get3A_906 = arith.constant 0 : index
      %get3A_907 = arith.constant 0 : index
      %get3A_908 = vector.load %arg4[%get3A_905, %get3A_906, %get3A_907] : memref<40x32x128xf32, #tpu.memory_space<vmem>>, vector<1x32x128xf32>
      %get3A_909 = vector.shape_cast %get3A_908 : vector<1x32x128xf32> to vector<32x128xf32>
      %dot_general3A_910 = arith.constant dense<0.000000e+00> : vector<40x128xf32>
      %dot_general3A_911 = tpu.matmul %get3A_904, %get3A_909, %dot_general3A_910 {dimension_numbers = #tpu.dot_dimension_numbers<[1], [0], [0], [1], [0, 0, 1, 1], [], []>, transpose_lhs_hint = false} : vector<40x32xf32>, vector<32x128xf32>, vector<40x128xf32> -> vector<40x128xf32>
      %swap3A_912 = arith.constant 1320 : index
      %swap3A_913 = arith.constant 0 : index
      %swap3A_914 = vector.load %arg9[%swap3A_912, %swap3A_913] : memref<1600x128xf32, #tpu.memory_space<vmem>>, vector<40x128xf32>
      tpu.vector_store %arg9[%swap3A_912, %swap3A_913], %dot_general3A_911 {strides = array<i32>} : memref<1600x128xf32, #tpu.memory_space<vmem>>, vector<40x128xf32>,
      %get3A_915 = arith.constant 0 : index
      %get3A_916 = arith.constant 0 : index
      %get3A_917 = vector.load %arg1[%get3A_915, %get3A_916] : memref<40x32xf32, #tpu.memory_space<vmem>>, vector<40x32xf32>
      %get3A_918 = arith.constant 34 : index
      %get3A_919 = arith.constant 0 : index
      %get3A_920 = arith.constant 0 : index
      %get3A_921 = vector.load %arg2[%get3A_918, %get3A_919, %get3A_920] : memref<40x32x128xf32, #tpu.memory_space<vmem>>, vector<1x32x128xf32>
      %get3A_922 = vector.shape_cast %get3A_921 : vector<1x32x128xf32> to vector<32x128xf32>
      %dot_general3A_923 = arith.constant dense<0.000000e+00> : vector<40x128xf32>
      %dot_general3A_924 = tpu.matmul %get3A_917, %get3A_922, %dot_general3A_923 {dimension_numbers = #tpu.dot_dimension_numbers<[1], [0], [0], [1], [0, 0, 1, 1], [], []>, transpose_lhs_hint = false} : vector<40x32xf32>, vector<32x128xf32>, vector<40x128xf32> -> vector<40x128xf32>
      %swap3A_925 = arith.constant 1360 : index
      %swap3A_926 = arith.constant 0 : index
      %swap3A_927 = vector.load %arg8[%swap3A_925, %swap3A_926] : memref<1600x128xf32, #tpu.memory_space<vmem>>, vector<40x128xf32>
      tpu.vector_store %arg8[%swap3A_925, %swap3A_926], %dot_general3A_924 {strides = array<i32>} : memref<1600x128xf32, #tpu.memory_space<vmem>>, vector<40x128xf32>,
      %get3A_928 = arith.constant 0 : index
      %get3A_929 = arith.constant 0 : index
      %get3A_930 = vector.load %arg3[%get3A_928, %get3A_929] : memref<40x32xf32, #tpu.memory_space<vmem>>, vector<40x32xf32>
      %get3A_931 = arith.constant 34 : index
      %get3A_932 = arith.constant 0 : index
      %get3A_933 = arith.constant 0 : index
      %get3A_934 = vector.load %arg4[%get3A_931, %get3A_932, %get3A_933] : memref<40x32x128xf32, #tpu.memory_space<vmem>>, vector<1x32x128xf32>
      %get3A_935 = vector.shape_cast %get3A_934 : vector<1x32x128xf32> to vector<32x128xf32>
      %dot_general3A_936 = arith.constant dense<0.000000e+00> : vector<40x128xf32>
      %dot_general3A_937 = tpu.matmul %get3A_930, %get3A_935, %dot_general3A_936 {dimension_numbers = #tpu.dot_dimension_numbers<[1], [0], [0], [1], [0, 0, 1, 1], [], []>, transpose_lhs_hint = false} : vector<40x32xf32>, vector<32x128xf32>, vector<40x128xf32> -> vector<40x128xf32>
      %swap3A_938 = arith.constant 1360 : index
      %swap3A_939 = arith.constant 0 : index
      %swap3A_940 = vector.load %arg9[%swap3A_938, %swap3A_939] : memref<1600x128xf32, #tpu.memory_space<vmem>>, vector<40x128xf32>
      tpu.vector_store %arg9[%swap3A_938, %swap3A_939], %dot_general3A_937 {strides = array<i32>} : memref<1600x128xf32, #tpu.memory_space<vmem>>, vector<40x128xf32>,
      %get3A_941 = arith.constant 0 : index
      %get3A_942 = arith.constant 0 : index
      %get3A_943 = vector.load %arg1[%get3A_941, %get3A_942] : memref<40x32xf32, #tpu.memory_space<vmem>>, vector<40x32xf32>
      %get3A_944 = arith.constant 35 : index
      %get3A_945 = arith.constant 0 : index
      %get3A_946 = arith.constant 0 : index
      %get3A_947 = vector.load %arg2[%get3A_944, %get3A_945, %get3A_946] : memref<40x32x128xf32, #tpu.memory_space<vmem>>, vector<1x32x128xf32>
      %get3A_948 = vector.shape_cast %get3A_947 : vector<1x32x128xf32> to vector<32x128xf32>
      %dot_general3A_949 = arith.constant dense<0.000000e+00> : vector<40x128xf32>
      %dot_general3A_950 = tpu.matmul %get3A_943, %get3A_948, %dot_general3A_949 {dimension_numbers = #tpu.dot_dimension_numbers<[1], [0], [0], [1], [0, 0, 1, 1], [], []>, transpose_lhs_hint = false} : vector<40x32xf32>, vector<32x128xf32>, vector<40x128xf32> -> vector<40x128xf32>
      %swap3A_951 = arith.constant 1400 : index
      %swap3A_952 = arith.constant 0 : index
      %swap3A_953 = vector.load %arg8[%swap3A_951, %swap3A_952] : memref<1600x128xf32, #tpu.memory_space<vmem>>, vector<40x128xf32>
      tpu.vector_store %arg8[%swap3A_951, %swap3A_952], %dot_general3A_950 {strides = array<i32>} : memref<1600x128xf32, #tpu.memory_space<vmem>>, vector<40x128xf32>,
      %get3A_954 = arith.constant 0 : index
      %get3A_955 = arith.constant 0 : index
      %get3A_956 = vector.load %arg3[%get3A_954, %get3A_955] : memref<40x32xf32, #tpu.memory_space<vmem>>, vector<40x32xf32>
      %get3A_957 = arith.constant 35 : index
      %get3A_958 = arith.constant 0 : index
      %get3A_959 = arith.constant 0 : index
      %get3A_960 = vector.load %arg4[%get3A_957, %get3A_958, %get3A_959] : memref<40x32x128xf32, #tpu.memory_space<vmem>>, vector<1x32x128xf32>
      %get3A_961 = vector.shape_cast %get3A_960 : vector<1x32x128xf32> to vector<32x128xf32>
      %dot_general3A_962 = arith.constant dense<0.000000e+00> : vector<40x128xf32>
      %dot_general3A_963 = tpu.matmul %get3A_956, %get3A_961, %dot_general3A_962 {dimension_numbers = #tpu.dot_dimension_numbers<[1], [0], [0], [1], [0, 0, 1, 1], [], []>, transpose_lhs_hint = false} : vector<40x32xf32>, vector<32x128xf32>, vector<40x128xf32> -> vector<40x128xf32>
      %swap3A_964 = arith.constant 1400 : index
      %swap3A_965 = arith.constant 0 : index
      %swap3A_966 = vector.load %arg9[%swap3A_964, %swap3A_965] : memref<1600x128xf32, #tpu.memory_space<vmem>>, vector<40x128xf32>
      tpu.vector_store %arg9[%swap3A_964, %swap3A_965], %dot_general3A_963 {strides = array<i32>} : memref<1600x128xf32, #tpu.memory_space<vmem>>, vector<40x128xf32>,
      %get3A_967 = arith.constant 0 : index
      %get3A_968 = arith.constant 0 : index
      %get3A_969 = vector.load %arg1[%get3A_967, %get3A_968] : memref<40x32xf32, #tpu.memory_space<vmem>>, vector<40x32xf32>
      %get3A_970 = arith.constant 36 : index
      %get3A_971 = arith.constant 0 : index
      %get3A_972 = arith.constant 0 : index
      %get3A_973 = vector.load %arg2[%get3A_970, %get3A_971, %get3A_972] : memref<40x32x128xf32, #tpu.memory_space<vmem>>, vector<1x32x128xf32>
      %get3A_974 = vector.shape_cast %get3A_973 : vector<1x32x128xf32> to vector<32x128xf32>
      %dot_general3A_975 = arith.constant dense<0.000000e+00> : vector<40x128xf32>
      %dot_general3A_976 = tpu.matmul %get3A_969, %get3A_974, %dot_general3A_975 {dimension_numbers = #tpu.dot_dimension_numbers<[1], [0], [0], [1], [0, 0, 1, 1], [], []>, transpose_lhs_hint = false} : vector<40x32xf32>, vector<32x128xf32>, vector<40x128xf32> -> vector<40x128xf32>
      %swap3A_977 = arith.constant 1440 : index
      %swap3A_978 = arith.constant 0 : index
      %swap3A_979 = vector.load %arg8[%swap3A_977, %swap3A_978] : memref<1600x128xf32, #tpu.memory_space<vmem>>, vector<40x128xf32>
      tpu.vector_store %arg8[%swap3A_977, %swap3A_978], %dot_general3A_976 {strides = array<i32>} : memref<1600x128xf32, #tpu.memory_space<vmem>>, vector<40x128xf32>,
      %get3A_980 = arith.constant 0 : index
      %get3A_981 = arith.constant 0 : index
      %get3A_982 = vector.load %arg3[%get3A_980, %get3A_981] : memref<40x32xf32, #tpu.memory_space<vmem>>, vector<40x32xf32>
      %get3A_983 = arith.constant 36 : index
      %get3A_984 = arith.constant 0 : index
      %get3A_985 = arith.constant 0 : index
      %get3A_986 = vector.load %arg4[%get3A_983, %get3A_984, %get3A_985] : memref<40x32x128xf32, #tpu.memory_space<vmem>>, vector<1x32x128xf32>
      %get3A_987 = vector.shape_cast %get3A_986 : vector<1x32x128xf32> to vector<32x128xf32>
      %dot_general3A_988 = arith.constant dense<0.000000e+00> : vector<40x128xf32>
      %dot_general3A_989 = tpu.matmul %get3A_982, %get3A_987, %dot_general3A_988 {dimension_numbers = #tpu.dot_dimension_numbers<[1], [0], [0], [1], [0, 0, 1, 1], [], []>, transpose_lhs_hint = false} : vector<40x32xf32>, vector<32x128xf32>, vector<40x128xf32> -> vector<40x128xf32>
      %swap3A_990 = arith.constant 1440 : index
      %swap3A_991 = arith.constant 0 : index
      %swap3A_992 = vector.load %arg9[%swap3A_990, %swap3A_991] : memref<1600x128xf32, #tpu.memory_space<vmem>>, vector<40x128xf32>
      tpu.vector_store %arg9[%swap3A_990, %swap3A_991], %dot_general3A_989 {strides = array<i32>} : memref<1600x128xf32, #tpu.memory_space<vmem>>, vector<40x128xf32>,
      %get3A_993 = arith.constant 0 : index
      %get3A_994 = arith.constant 0 : index
      %get3A_995 = vector.load %arg1[%get3A_993, %get3A_994] : memref<40x32xf32, #tpu.memory_space<vmem>>, vector<40x32xf32>
      %get3A_996 = arith.constant 37 : index
      %get3A_997 = arith.constant 0 : index
      %get3A_998 = arith.constant 0 : index
      %get3A_999 = vector.load %arg2[%get3A_996, %get3A_997, %get3A_998] : memref<40x32x128xf32, #tpu.memory_space<vmem>>, vector<1x32x128xf32>
      %get3A_1000 = vector.shape_cast %get3A_999 : vector<1x32x128xf32> to vector<32x128xf32>
      %dot_general3A_1001 = arith.constant dense<0.000000e+00> : vector<40x128xf32>
      %dot_general3A_1002 = tpu.matmul %get3A_995, %get3A_1000, %dot_general3A_1001 {dimension_numbers = #tpu.dot_dimension_numbers<[1], [0], [0], [1], [0, 0, 1, 1], [], []>, transpose_lhs_hint = false} : vector<40x32xf32>, vector<32x128xf32>, vector<40x128xf32> -> vector<40x128xf32>
      %swap3A_1003 = arith.constant 1480 : index
      %swap3A_1004 = arith.constant 0 : index
      %swap3A_1005 = vector.load %arg8[%swap3A_1003, %swap3A_1004] : memref<1600x128xf32, #tpu.memory_space<vmem>>, vector<40x128xf32>
      tpu.vector_store %arg8[%swap3A_1003, %swap3A_1004], %dot_general3A_1002 {strides = array<i32>} : memref<1600x128xf32, #tpu.memory_space<vmem>>, vector<40x128xf32>,
      %get3A_1006 = arith.constant 0 : index
      %get3A_1007 = arith.constant 0 : index
      %get3A_1008 = vector.load %arg3[%get3A_1006, %get3A_1007] : memref<40x32xf32, #tpu.memory_space<vmem>>, vector<40x32xf32>
      %get3A_1009 = arith.constant 37 : index
      %get3A_1010 = arith.constant 0 : index
      %get3A_1011 = arith.constant 0 : index
      %get3A_1012 = vector.load %arg4[%get3A_1009, %get3A_1010, %get3A_1011] : memref<40x32x128xf32, #tpu.memory_space<vmem>>, vector<1x32x128xf32>
      %get3A_1013 = vector.shape_cast %get3A_1012 : vector<1x32x128xf32> to vector<32x128xf32>
      %dot_general3A_1014 = arith.constant dense<0.000000e+00> : vector<40x128xf32>
      %dot_general3A_1015 = tpu.matmul %get3A_1008, %get3A_1013, %dot_general3A_1014 {dimension_numbers = #tpu.dot_dimension_numbers<[1], [0], [0], [1], [0, 0, 1, 1], [], []>, transpose_lhs_hint = false} : vector<40x32xf32>, vector<32x128xf32>, vector<40x128xf32> -> vector<40x128xf32>
      %swap3A_1016 = arith.constant 1480 : index
      %swap3A_1017 = arith.constant 0 : index
      %swap3A_1018 = vector.load %arg9[%swap3A_1016, %swap3A_1017] : memref<1600x128xf32, #tpu.memory_space<vmem>>, vector<40x128xf32>
      tpu.vector_store %arg9[%swap3A_1016, %swap3A_1017], %dot_general3A_1015 {strides = array<i32>} : memref<1600x128xf32, #tpu.memory_space<vmem>>, vector<40x128xf32>,
      %get3A_1019 = arith.constant 0 : index
      %get3A_1020 = arith.constant 0 : index
      %get3A_1021 = vector.load %arg1[%get3A_1019, %get3A_1020] : memref<40x32xf32, #tpu.memory_space<vmem>>, vector<40x32xf32>
      %get3A_1022 = arith.constant 38 : index
      %get3A_1023 = arith.constant 0 : index
      %get3A_1024 = arith.constant 0 : index
      %get3A_1025 = vector.load %arg2[%get3A_1022, %get3A_1023, %get3A_1024] : memref<40x32x128xf32, #tpu.memory_space<vmem>>, vector<1x32x128xf32>
      %get3A_1026 = vector.shape_cast %get3A_1025 : vector<1x32x128xf32> to vector<32x128xf32>
      %dot_general3A_1027 = arith.constant dense<0.000000e+00> : vector<40x128xf32>
      %dot_general3A_1028 = tpu.matmul %get3A_1021, %get3A_1026, %dot_general3A_1027 {dimension_numbers = #tpu.dot_dimension_numbers<[1], [0], [0], [1], [0, 0, 1, 1], [], []>, transpose_lhs_hint = false} : vector<40x32xf32>, vector<32x128xf32>, vector<40x128xf32> -> vector<40x128xf32>
      %swap3A_1029 = arith.constant 1520 : index
      %swap3A_1030 = arith.constant 0 : index
      %swap3A_1031 = vector.load %arg8[%swap3A_1029, %swap3A_1030] : memref<1600x128xf32, #tpu.memory_space<vmem>>, vector<40x128xf32>
      tpu.vector_store %arg8[%swap3A_1029, %swap3A_1030], %dot_general3A_1028 {strides = array<i32>} : memref<1600x128xf32, #tpu.memory_space<vmem>>, vector<40x128xf32>,
      %get3A_1032 = arith.constant 0 : index
      %get3A_1033 = arith.constant 0 : index
      %get3A_1034 = vector.load %arg3[%get3A_1032, %get3A_1033] : memref<40x32xf32, #tpu.memory_space<vmem>>, vector<40x32xf32>
      %get3A_1035 = arith.constant 38 : index
      %get3A_1036 = arith.constant 0 : index
      %get3A_1037 = arith.constant 0 : index
      %get3A_1038 = vector.load %arg4[%get3A_1035, %get3A_1036, %get3A_1037] : memref<40x32x128xf32, #tpu.memory_space<vmem>>, vector<1x32x128xf32>
      %get3A_1039 = vector.shape_cast %get3A_1038 : vector<1x32x128xf32> to vector<32x128xf32>
      %dot_general3A_1040 = arith.constant dense<0.000000e+00> : vector<40x128xf32>
      %dot_general3A_1041 = tpu.matmul %get3A_1034, %get3A_1039, %dot_general3A_1040 {dimension_numbers = #tpu.dot_dimension_numbers<[1], [0], [0], [1], [0, 0, 1, 1], [], []>, transpose_lhs_hint = false} : vector<40x32xf32>, vector<32x128xf32>, vector<40x128xf32> -> vector<40x128xf32>
      %swap3A_1042 = arith.constant 1520 : index
      %swap3A_1043 = arith.constant 0 : index
      %swap3A_1044 = vector.load %arg9[%swap3A_1042, %swap3A_1043] : memref<1600x128xf32, #tpu.memory_space<vmem>>, vector<40x128xf32>
      tpu.vector_store %arg9[%swap3A_1042, %swap3A_1043], %dot_general3A_1041 {strides = array<i32>} : memref<1600x128xf32, #tpu.memory_space<vmem>>, vector<40x128xf32>,
      %get3A_1045 = arith.constant 0 : index
      %get3A_1046 = arith.constant 0 : index
      %get3A_1047 = vector.load %arg1[%get3A_1045, %get3A_1046] : memref<40x32xf32, #tpu.memory_space<vmem>>, vector<40x32xf32>
      %get3A_1048 = arith.constant 39 : index
      %get3A_1049 = arith.constant 0 : index
      %get3A_1050 = arith.constant 0 : index
      %get3A_1051 = vector.load %arg2[%get3A_1048, %get3A_1049, %get3A_1050] : memref<40x32x128xf32, #tpu.memory_space<vmem>>, vector<1x32x128xf32>
      %get3A_1052 = vector.shape_cast %get3A_1051 : vector<1x32x128xf32> to vector<32x128xf32>
      %dot_general3A_1053 = arith.constant dense<0.000000e+00> : vector<40x128xf32>
      %dot_general3A_1054 = tpu.matmul %get3A_1047, %get3A_1052, %dot_general3A_1053 {dimension_numbers = #tpu.dot_dimension_numbers<[1], [0], [0], [1], [0, 0, 1, 1], [], []>, transpose_lhs_hint = false} : vector<40x32xf32>, vector<32x128xf32>, vector<40x128xf32> -> vector<40x128xf32>
      %swap3A_1055 = arith.constant 1560 : index
      %swap3A_1056 = arith.constant 0 : index
      %swap3A_1057 = vector.load %arg8[%swap3A_1055, %swap3A_1056] : memref<1600x128xf32, #tpu.memory_space<vmem>>, vector<40x128xf32>
      tpu.vector_store %arg8[%swap3A_1055, %swap3A_1056], %dot_general3A_1054 {strides = array<i32>} : memref<1600x128xf32, #tpu.memory_space<vmem>>, vector<40x128xf32>,
      %get3A_1058 = arith.constant 0 : index
      %get3A_1059 = arith.constant 0 : index
      %get3A_1060 = vector.load %arg3[%get3A_1058, %get3A_1059] : memref<40x32xf32, #tpu.memory_space<vmem>>, vector<40x32xf32>
      %get3A_1061 = arith.constant 39 : index
      %get3A_1062 = arith.constant 0 : index
      %get3A_1063 = arith.constant 0 : index
      %get3A_1064 = vector.load %arg4[%get3A_1061, %get3A_1062, %get3A_1063] : memref<40x32x128xf32, #tpu.memory_space<vmem>>, vector<1x32x128xf32>
      %get3A_1065 = vector.shape_cast %get3A_1064 : vector<1x32x128xf32> to vector<32x128xf32>
      %dot_general3A_1066 = arith.constant dense<0.000000e+00> : vector<40x128xf32>
      %dot_general3A_1067 = tpu.matmul %get3A_1060, %get3A_1065, %dot_general3A_1066 {dimension_numbers = #tpu.dot_dimension_numbers<[1], [0], [0], [1], [0, 0, 1, 1], [], []>, transpose_lhs_hint = false} : vector<40x32xf32>, vector<32x128xf32>, vector<40x128xf32> -> vector<40x128xf32>
      %swap3A_1068 = arith.constant 1560 : index
      %swap3A_1069 = arith.constant 0 : index
      %swap3A_1070 = vector.load %arg9[%swap3A_1068, %swap3A_1069] : memref<1600x128xf32, #tpu.memory_space<vmem>>, vector<40x128xf32>
      tpu.vector_store %arg9[%swap3A_1068, %swap3A_1069], %dot_general3A_1067 {strides = array<i32>} : memref<1600x128xf32, #tpu.memory_space<vmem>>, vector<40x128xf32>,
    } else {
    }
    %get3A = arith.constant 0 : index
    %get3A_2 = arith.constant 0 : index
    %get3A_3 = vector.load %arg8[%get3A, %get3A_2] : memref<1600x128xf32, #tpu.memory_space<vmem>>, vector<1600x128xf32>
    %get3A_4 = arith.constant 0 : index
    %get3A_5 = arith.constant 0 : index
    %get3A_6 = arith.constant 0 : index
    %get3A_7 = vector.load %arg5[%get3A_4, %get3A_5, %get3A_6] : memref<1x128x128xf32, #tpu.memory_space<vmem>>, vector<1x128x128xf32>
    %get3A_8 = vector.shape_cast %get3A_7 : vector<1x128x128xf32> to vector<128x128xf32>
    %dot_general3A = arith.constant dense<0.000000e+00> : vector<1600x128xf32>
    %dot_general3A_9 = tpu.matmul %get3A_3, %get3A_8, %dot_general3A {dimension_numbers = #tpu.dot_dimension_numbers<[1], [0], [0], [1], [0, 0, 1, 1], [], []>, transpose_lhs_hint = false} : vector<1600x128xf32>, vector<128x128xf32>, vector<1600x128xf32> -> vector<1600x128xf32>
    %swap3A = arith.constant 0 : index
    %swap3A_10 = arith.constant 0 : index
    %swap3A_11 = arith.constant 0 : index
    %swap3A_12 = vector.load %arg7[%swap3A, %swap3A_10, %swap3A_11] : memref<2x1600x128xf32, #tpu.memory_space<vmem>>, vector<1x1600x128xf32>
    %swap3A_13 = vector.shape_cast %swap3A_12 : vector<1x1600x128xf32> to vector<1600x128xf32>
    %swap3A_14 = vector.shape_cast %dot_general3A_9 : vector<1600x128xf32> to vector<1x1600x128xf32>
    tpu.vector_store %arg7[%swap3A, %swap3A_10, %swap3A_11], %swap3A_14 {strides = array<i32>} : memref<2x1600x128xf32, #tpu.memory_space<vmem>>, vector<1x1600x128xf32>,
    %get3A_15 = arith.constant 0 : index
    %get3A_16 = arith.constant 0 : index
    %get3A_17 = vector.load %arg9[%get3A_15, %get3A_16] : memref<1600x128xf32, #tpu.memory_space<vmem>>, vector<1600x128xf32>
    %get3A_18 = arith.constant 0 : index
    %get3A_19 = arith.constant 0 : index
    %get3A_20 = arith.constant 0 : index
    %get3A_21 = vector.load %arg6[%get3A_18, %get3A_19, %get3A_20] : memref<1x128x128xf32, #tpu.memory_space<vmem>>, vector<1x128x128xf32>
    %get3A_22 = vector.shape_cast %get3A_21 : vector<1x128x128xf32> to vector<128x128xf32>
    %dot_general3A_23 = arith.constant dense<0.000000e+00> : vector<1600x128xf32>
    %dot_general3A_24 = tpu.matmul %get3A_17, %get3A_22, %dot_general3A_23 {dimension_numbers = #tpu.dot_dimension_numbers<[1], [0], [0], [1], [0, 0, 1, 1], [], []>, transpose_lhs_hint = false} : vector<1600x128xf32>, vector<128x128xf32>, vector<1600x128xf32> -> vector<1600x128xf32>
    %swap3A_25 = arith.constant 1 : index
    %swap3A_26 = arith.constant 0 : index
    %swap3A_27 = arith.constant 0 : index
    %swap3A_28 = vector.load %arg7[%swap3A_25, %swap3A_26, %swap3A_27] : memref<2x1600x128xf32, #tpu.memory_space<vmem>>, vector<1x1600x128xf32>
    %swap3A_29 = vector.shape_cast %swap3A_28 : vector<1x1600x128xf32> to vector<1600x128xf32>
    %swap3A_30 = vector.shape_cast %dot_general3A_24 : vector<1600x128xf32> to vector<1x1600x128xf32>
    tpu.vector_store %arg7[%swap3A_25, %swap3A_26, %swap3A_27], %swap3A_30 {strides = array<i32>} : memref<2x1600x128xf32, #tpu.memory_space<vmem>>, vector<1x1600x128xf32>,
    return
  }
  func.func @transform_0(%arg0: i32) -> (i32, i32) {
    %c0_i32 = arith.constant 0 : i32
    %c0_i32_0 = arith.constant 0 : i32
    %c0_i32_1 = arith.constant 0 : i32
    return %c0_i32, %c0_i32_0 : i32, i32
  }
  func.func @transform_1(%arg0: i32) -> (i32, i32, i32) {
    %c0_i32 = arith.constant 0 : i32
    %c0_i32_0 = arith.constant 0 : i32
    %c0_i32_1 = arith.constant 0 : i32
    %c0_i32_2 = arith.constant 0 : i32
    return %c0_i32, %c0_i32_0, %c0_i32_1 : i32, i32, i32
  }
  func.func @transform_2(%arg0: i32) -> (i32, i32) {
    %c0_i32 = arith.constant 0 : i32
    %c0_i32_0 = arith.constant 0 : i32
    %c0_i32_1 = arith.constant 0 : i32
    return %c0_i32, %c0_i32_0 : i32, i32
  }
  func.func @transform_3(%arg0: i32) -> (i32, i32, i32) {
    %c0_i32 = arith.constant 0 : i32
    %c0_i32_0 = arith.constant 0 : i32
    %c0_i32_1 = arith.constant 0 : i32
    %c0_i32_2 = arith.constant 0 : i32
    return %c0_i32, %c0_i32_0, %c0_i32_1 : i32, i32, i32
  }
  func.func @transform_4(%arg0: i32) -> (i32, i32, i32) {
    %c0_i32 = arith.constant 0 : i32
    %c0_i32_0 = arith.constant 0 : i32
    %c0_i32_1 = arith.constant 0 : i32
    return %arg0, %c0_i32, %c0_i32_0 : i32, i32, i32
  }
  func.func @transform_5(%arg0: i32) -> (i32, i32, i32) {
    %c0_i32 = arith.constant 0 : i32
    %c0_i32_0 = arith.constant 0 : i32
    %c0_i32_1 = arith.constant 0 : i32
    return %arg0, %c0_i32, %c0_i32_0 : i32, i32, i32
  }
  func.func @transform_6(%arg0: i32) -> (i32, i32, i32) {
    %c0_i32 = arith.constant 0 : i32
    %c0_i32_0 = arith.constant 0 : i32
    %c0_i32_1 = arith.constant 0 : i32
    return %c0_i32, %arg0, %c0_i32_0 : i32, i32, i32
  }
}

module attributes {stable_mosaic.version = 14 : i64} {
  func.func @_merge_body(%arg0: i32, %arg1: memref<1x4096x128xf32, #tpu.memory_space<vmem>>, %arg2: memref<1x4096x128xf32, #tpu.memory_space<vmem>>, %arg3: memref<1x4096x256xf32, #tpu.memory_space<vmem>>) attributes {dimension_semantics = [#tpu.dimension_semantics<arbitrary>], iteration_bounds = array<i64: 24>, scalar_prefetch = 0 : i64, scratch_operands = 0 : i64, tpu.core_type = #tpu.core_type<tc>, window_params = [{transform_indices = @transform_0, window_bounds = array<i64: 1, 4096, 128>}, {transform_indices = @transform_1, window_bounds = array<i64: 1, 4096, 128>}, {transform_indices = @transform_2, window_bounds = array<i64: 1, 4096, 256>}]} {
    %get3A = arith.constant 0 : index
    %get3A_0 = arith.constant 0 : index
    %get3A_1 = arith.constant 0 : index
    %get3A_2 = vector.load %arg1[%get3A, %get3A_0, %get3A_1] : memref<1x4096x128xf32, #tpu.memory_space<vmem>>, vector<1x4096x128xf32>
    %get3A_3 = vector.shape_cast %get3A_2 : vector<1x4096x128xf32> to vector<4096x128xf32>
    %swap3A = arith.constant 0 : index
    %swap3A_4 = arith.constant 0 : index
    %swap3A_5 = arith.constant 0 : index
    %swap3A_6 = vector.load %arg3[%swap3A, %swap3A_4, %swap3A_5] : memref<1x4096x256xf32, #tpu.memory_space<vmem>>, vector<1x4096x128xf32>
    %swap3A_7 = vector.shape_cast %swap3A_6 : vector<1x4096x128xf32> to vector<4096x128xf32>
    %swap3A_8 = vector.shape_cast %get3A_3 : vector<4096x128xf32> to vector<1x4096x128xf32>
    tpu.vector_store %arg3[%swap3A, %swap3A_4, %swap3A_5], %swap3A_8 {strides = array<i32>} : memref<1x4096x256xf32, #tpu.memory_space<vmem>>, vector<1x4096x128xf32>,
    %get3A_9 = arith.constant 0 : index
    %get3A_10 = arith.constant 0 : index
    %get3A_11 = arith.constant 0 : index
    %get3A_12 = vector.load %arg2[%get3A_9, %get3A_10, %get3A_11] : memref<1x4096x128xf32, #tpu.memory_space<vmem>>, vector<1x4096x128xf32>
    %get3A_13 = vector.shape_cast %get3A_12 : vector<1x4096x128xf32> to vector<4096x128xf32>
    %swap3A_14 = arith.constant 0 : index
    %swap3A_15 = arith.constant 0 : index
    %swap3A_16 = arith.constant 128 : index
    %swap3A_17 = vector.load %arg3[%swap3A_14, %swap3A_15, %swap3A_16] : memref<1x4096x256xf32, #tpu.memory_space<vmem>>, vector<1x4096x128xf32>
    %swap3A_18 = vector.shape_cast %swap3A_17 : vector<1x4096x128xf32> to vector<4096x128xf32>
    %swap3A_19 = vector.shape_cast %get3A_13 : vector<4096x128xf32> to vector<1x4096x128xf32>
    tpu.vector_store %arg3[%swap3A_14, %swap3A_15, %swap3A_16], %swap3A_19 {strides = array<i32>} : memref<1x4096x256xf32, #tpu.memory_space<vmem>>, vector<1x4096x128xf32>,
    return
  }
  func.func @transform_0(%arg0: i32) -> (i32, i32, i32) {
    %c0_i32 = arith.constant 0 : i32
    %c0_i32_0 = arith.constant 0 : i32
    %c0_i32_1 = arith.constant 0 : i32
    return %arg0, %c0_i32, %c0_i32_0 : i32, i32, i32
  }
  func.func @transform_1(%arg0: i32) -> (i32, i32, i32) {
    %c0_i32 = arith.constant 0 : i32
    %c0_i32_0 = arith.constant 0 : i32
    %c0_i32_1 = arith.constant 0 : i32
    return %arg0, %c0_i32, %c0_i32_0 : i32, i32, i32
  }
  func.func @transform_2(%arg0: i32) -> (i32, i32, i32) {
    %c0_i32 = arith.constant 0 : i32
    %c0_i32_0 = arith.constant 0 : i32
    %c0_i32_1 = arith.constant 0 : i32
    return %arg0, %c0_i32, %c0_i32_0 : i32, i32, i32
  }
}

module attributes {stable_mosaic.version = 14 : i64} {
  func.func @_merge_body_acc(%arg0: i32, %arg1: memref<1x4096x128xf32, #tpu.memory_space<vmem>>, %arg2: memref<1x4096x128xf32, #tpu.memory_space<vmem>>, %arg3: memref<50x4096x256xf32, #tpu.memory_space<any>>, %arg4: memref<1x4096x256xf32, #tpu.memory_space<vmem>>) attributes {dimension_semantics = [#tpu.dimension_semantics<arbitrary>], iteration_bounds = array<i64: 26>, scalar_prefetch = 0 : i64, scratch_operands = 0 : i64, tpu.core_type = #tpu.core_type<tc>, window_params = [{transform_indices = @transform_0, window_bounds = array<i64: 1, 4096, 128>}, {transform_indices = @transform_1, window_bounds = array<i64: 1, 4096, 128>}, {}, {transform_indices = @transform_3, window_bounds = array<i64: 1, 4096, 256>}]} {
    %get3A = arith.constant 0 : index
    %get3A_0 = arith.constant 0 : index
    %get3A_1 = arith.constant 0 : index
    %get3A_2 = vector.load %arg1[%get3A, %get3A_0, %get3A_1] : memref<1x4096x128xf32, #tpu.memory_space<vmem>>, vector<1x4096x128xf32>
    %get3A_3 = vector.shape_cast %get3A_2 : vector<1x4096x128xf32> to vector<4096x128xf32>
    %swap3A = arith.constant 0 : index
    %swap3A_4 = arith.constant 0 : index
    %swap3A_5 = arith.constant 0 : index
    %swap3A_6 = vector.load %arg4[%swap3A, %swap3A_4, %swap3A_5] : memref<1x4096x256xf32, #tpu.memory_space<vmem>>, vector<1x4096x128xf32>
    %swap3A_7 = vector.shape_cast %swap3A_6 : vector<1x4096x128xf32> to vector<4096x128xf32>
    %swap3A_8 = vector.shape_cast %get3A_3 : vector<4096x128xf32> to vector<1x4096x128xf32>
    tpu.vector_store %arg4[%swap3A, %swap3A_4, %swap3A_5], %swap3A_8 {strides = array<i32>} : memref<1x4096x256xf32, #tpu.memory_space<vmem>>, vector<1x4096x128xf32>,
    %get3A_9 = arith.constant 0 : index
    %get3A_10 = arith.constant 0 : index
    %get3A_11 = arith.constant 0 : index
    %get3A_12 = vector.load %arg2[%get3A_9, %get3A_10, %get3A_11] : memref<1x4096x128xf32, #tpu.memory_space<vmem>>, vector<1x4096x128xf32>
    %get3A_13 = vector.shape_cast %get3A_12 : vector<1x4096x128xf32> to vector<4096x128xf32>
    %swap3A_14 = arith.constant 0 : index
    %swap3A_15 = arith.constant 0 : index
    %swap3A_16 = arith.constant 128 : index
    %swap3A_17 = vector.load %arg4[%swap3A_14, %swap3A_15, %swap3A_16] : memref<1x4096x256xf32, #tpu.memory_space<vmem>>, vector<1x4096x128xf32>
    %swap3A_18 = vector.shape_cast %swap3A_17 : vector<1x4096x128xf32> to vector<4096x128xf32>
    %swap3A_19 = vector.shape_cast %get3A_13 : vector<4096x128xf32> to vector<1x4096x128xf32>
    tpu.vector_store %arg4[%swap3A_14, %swap3A_15, %swap3A_16], %swap3A_19 {strides = array<i32>} : memref<1x4096x256xf32, #tpu.memory_space<vmem>>, vector<1x4096x128xf32>,
    return
  }
  func.func @transform_0(%arg0: i32) -> (i32, i32, i32) {
    %c0_i32 = arith.constant 0 : i32
    %c0_i32_0 = arith.constant 0 : i32
    %c0_i32_1 = arith.constant 0 : i32
    return %arg0, %c0_i32, %c0_i32_0 : i32, i32, i32
  }
  func.func @transform_1(%arg0: i32) -> (i32, i32, i32) {
    %c0_i32 = arith.constant 0 : i32
    %c0_i32_0 = arith.constant 0 : i32
    %c0_i32_1 = arith.constant 0 : i32
    return %arg0, %c0_i32, %c0_i32_0 : i32, i32, i32
  }
  func.func @transform_3(%arg0: i32) -> (i32, i32, i32) {
    %add3A = arith.constant 24 : i32
    %add3A_0 = arith.addi %add3A, %arg0 : i32
    %c0_i32 = arith.constant 0 : i32
    %c0_i32_1 = arith.constant 0 : i32
    %c0_i32_2 = arith.constant 0 : i32
    return %add3A_0, %c0_i32, %c0_i32_1 : i32, i32, i32
  }
}

</mosaic_0001>

<sc_bundles>
// kernel: kernel.10.cloned.1.call-start
scs
__scs_entry_jumppad:
0x0: {  	(pc) =	sbr.rel $0x88, $3  }
0x1: {  	(tag) =	ssettag $0x0;
	lr =	simm.s32 $0x1  }
0x2: {  	[smem:$0x3F9A] =	sst lr;
	_ =	strace $0xD0000000  }
0x3: {  	_ = 	snop  }
0x4: {  	_ = 	snop  }
0x5: {  	_ = 	snop  }
0x6: {  	_ = 	snop  }
0x7: {  	_ = 	snop  }
__scs_overlays_trampoline_lowered:
0x8: {  	[smem:$0x3FA9] =	sst s0  }
0x9: {  	[smem:$0x3FAA] =	sst s1  }
0xa: {  	[smem:$0x3FAB] =	sst s2  }
0xb: {  	[smem:$0x3FAC] =	sst s3  }
0xc: {  	[smem:$0x3FAD] =	sst s4  }
0xd: {  	[smem:$0x3FAE] =	sst s5  }
0xe: {  	[smem:$0x3FAF] =	sst s6  }
0xf: {  	[smem:$0x3FB0] =	sst s7  }
0x10: {  	[smem:$0x3FB1] =	sst s8  }
0x11: {  	[smem:$0x3FB2] =	sst s9;
	s0 =	simm.s32 @!p0 $0x0  }
0x12: {  	s1 =	sld [smem:$0x3F98];
	s0 =	simm.s32 @p0 $0x1  }
0x13: {  	[smem:$0x3FB3] =	sst s0;
	s0 =	simm.s32 @!p1 $0x0  }
0x14: {  	s2 =	sld [smem:$0x3F97];
	s0 =	simm.s32 @p1 $0x1  }
0x15: {  	[smem:$0x3FB4] =	sst s0;
	s0 =	simm.s32 @!p2 $0x0  }
0x16: {  	s3 =	sld [smem:$0x3FDB];
	s0 =	simm.s32 @p2 $0x1  }
0x17: {  	s4 =	simm.s32 $0x1BF5;
	[smem:$0x3FB6] =	sst s0  }
0x18: {  	s0 =	sld [smem:$0x3F99];
	_ =	swait.ge [sflag:s4], $0x0  }
0x19: {  	s7 =	sld [smem:$0x3F9A]  }
0x1a: {  	s8 =	sadd.s32 $0xFFFFE003, lr  }
0x1b: {  	s9 =	sadd.s32 $0xFFFFFEF7, lr;
	s5 =	simm.s32 $0xFFFFFFFF;
	p2 =	slt.u32 s8, $0xFFFFF086  }
0x1c: {  	p1 =	slt.u32 s9, $0xF7A;
	s5 =	simm.s32 @!p2 $0x0  }
0x1d: {  	s5 =	simm.s32 @p1 $0x1;
	p0 =	seq.s32 s7, s2  }
0x1e: {  	s7 =	smul.u32 @!p0 $0xF7A, s2;
	p2 =	seq.s32 @!p0 s5, $0x0  }
0x1f: {  	s9 =	smul.u32 $0xF7A, s1;
	s8 =	simm.s32 @!p0 $0x1BF5;
	p2 =	por !p2, p0  }
0x20: {  	[sflag:s8] =	ssyncset.s32 @!p0 $0xFFFFF086;
	s6 =	sadd.s32 @!p0 s3, s7;
	s7 =	simm.s32 @!p0 $0x108  }
0x21: {  	s3 =	sadd.s32 s3, s9;
	s6 =	sadd.s32 @!p0 $0x88, s6;
	s7 =	simm.s32 @p2 $0x1082  }
0x22: {  	[simem:s7], [sflag:s8] =	dma.local @!p0 [hbm:s6], $0xF7A  }
0x23: {  	s9 =	sor.u32 $0xD0000000, s2;
	s6 =	simm.s32 $0x108;
	_ =	swait.ge @!p0 [sflag:s8], $0x0  }
0x24: {  	s3 =	sadd.s32 $0x88, s3;
	s6 =	simm.s32 @!p1 $0x1082;
	[sflag:s4] =	ssyncset.s32 $0xFFFFF086  }
0x25: {  	[simem:s6], [sflag:s4] =	dma.local [hbm:s3], $0xF7A  }
0x26: {  	[smem:$0x3F9A] =	sst s1;
	(tag) =	ssettag s2;
	_ =	strace s9  }
0x27: {  	s1 =	sld [smem:$0x3FAA]  }
0x28: {  	s2 =	sld [smem:$0x3FAB]  }
0x29: {  	s4 =	sld [smem:$0x3FAD]  }
0x2a: {  	p0 =	seq.s32 s5, $0x0;
	s5 =	sld [smem:$0x3FAE]  }
0x2b: {  	s6 =	sld [smem:$0x3FAF]  }
0x2c: {  	s7 =	sld [smem:$0x3FB0]  }
0x2d: {  	s3 =	simm.s32 $0x108;
	s8 =	sld [smem:$0x3FB1]  }
0x2e: {  	s3 =	simm.s32 @!p0 $0x1082;
	s9 =	sld [smem:$0x3FB2]  }
0x2f: {  	lr =	sadd.s32 s0, s3;
	s0 =	sld [smem:$0x3FA9]  }
0x30: {  	s3 =	sld [smem:$0x3FAC]  }
0x31: {  	[smem:$0x3FB5] =	sst s10  }
0x32: {  	s10 =	sld [smem:$0x3FB3];
	_ =	sdelay $0x3  }
0x33: {  	p0 =	seq.s32 s10, $0x1;
	s10 =	sld [smem:$0x3FB5];
	_ =	sdelay $0x3  }
0x34: {  	[smem:$0x3FB5] =	sst s10  }
0x35: {  	s10 =	sld [smem:$0x3FB4];
	_ =	sdelay $0x3  }
0x36: {  	p1 =	seq.s32 s10, $0x1;
	s10 =	sld [smem:$0x3FB5];
	_ =	sdelay $0x3  }
0x37: {  	[smem:$0x3FB5] =	sst s10  }
0x38: {  	s10 =	sld [smem:$0x3FB6]  }
0x39: {  	_ = 	snop;
	(pc) =	sbr.ind lr, $3  }
0x3a: {  	_ = 	snop  }
0x3b: {  	_ = 	snop  }
0x3c: {  	p2 =	seq.s32 s10, $0x1;
	s10 =	sld [smem:$0x3FB5]  }
0x3d: {  	_ =	shalt  }
0x3e: {  	_ =	shalt  }
0x3f: {  	_ =	shalt  }
0x40: {  	_ =	shalt  }
0x41: {  	_ =	shalt  }
0x42: {  	_ =	shalt  }
0x43: {  	_ =	shalt  }
0x44: {  	_ =	shalt  }
0x45: {  	_ =	shalt  }
0x46: {  	_ =	shalt  }
0x47: {  	_ =	shalt  }
0x48: {  	_ =	shalt  }
0x49: {  	_ =	shalt  }
0x4a: {  	_ =	shalt  }
0x4b: {  	_ =	shalt  }
0x4c: {  	_ =	shalt  }
0x4d: {  	_ =	shalt  }
0x4e: {  	_ =	shalt  }
0x4f: {  	_ =	shalt  }
0x50: {  	_ =	shalt  }
0x51: {  	_ =	shalt  }
0x52: {  	_ =	shalt  }
0x53: {  	_ =	shalt  }
0x54: {  	_ =	shalt  }
0x55: {  	_ =	shalt  }
0x56: {  	_ =	shalt  }
0x57: {  	_ =	shalt  }
0x58: {  	_ =	shalt  }
0x59: {  	_ =	shalt  }
0x5a: {  	_ =	shalt  }
0x5b: {  	_ =	shalt  }
0x5c: {  	_ =	shalt  }
0x5d: {  	_ =	shalt  }
0x5e: {  	_ =	shalt  }
0x5f: {  	_ =	shalt  }
0x60: {  	_ =	shalt  }
0x61: {  	_ =	shalt  }
0x62: {  	_ =	shalt  }
0x63: {  	_ =	shalt  }
0x64: {  	_ =	shalt  }
0x65: {  	_ =	shalt  }
0x66: {  	_ =	shalt  }
0x67: {  	_ =	shalt  }
0x68: {  	_ =	shalt  }
0x69: {  	_ =	shalt  }
0x6a: {  	_ =	shalt  }
0x6b: {  	_ =	shalt  }
0x6c: {  	_ =	shalt  }
0x6d: {  	_ =	shalt  }
0x6e: {  	_ =	shalt  }
0x6f: {  	_ =	shalt  }
0x70: {  	_ =	shalt  }
0x71: {  	_ =	shalt  }
0x72: {  	_ =	shalt  }
0x73: {  	_ =	shalt  }
0x74: {  	_ =	shalt  }
0x75: {  	_ =	shalt  }
0x76: {  	_ =	shalt  }
0x77: {  	_ =	shalt  }
0x78: {  	_ =	shalt  }
0x79: {  	_ =	shalt  }
0x7a: {  	_ =	shalt  }
0x7b: {  	_ =	shalt  }
0x7c: {  	_ =	shalt  }
0x7d: {  	_ =	shalt  }
0x7e: {  	_ =	shalt  }
0x7f: {  	_ =	shalt  }
0x80: {  	_ =	shalt  }
0x81: {  	_ =	shalt  }
0x82: {  	_ =	shalt  }
0x83: {  	_ =	shalt  }
0x84: {  	_ =	shalt  }
0x85: {  	_ =	shalt  }
0x86: {  	_ =	shalt  }
0x87: {  	_ =	shalt  }
.Lfunc_end0:
.L_simem_size_0:
called_computation.1_lowered:
.L_overlay_start_0:
0x88: {  	s2 =	sld [smem:$0x3FD9]  }
0x89: {  	s3 =	sld [smem:$0x3FFE];
	_ =	sdelay $0x1  }
0x8a: {  	s1 =	srdreg.scid  }
0x8b: {  	s0 =	sand.u32 $0x1, s1  }
0x8c: {  	s17 =	sshll.u32 s0, $0xA;
	s2 =	sadd.s32 s3, s2  }
0x8d: {  	s2 =	sadd.s32 s2, s17  }
0x8e: {  	[smem:$0x3FC1] =	sst s2  }
0x8f: {  	_ = 	snop  }
0x90: {  	(tm) =	ssettm $0x1  }
0x91: {  	s18 =	sld [smem:$0x3FFB];
	_ =	sdelay $0x3  }
0x92: {  	_ =	strace s18  }
0x93: {  	s2 =	sld [smem:$0x3FFC];
	_ =	sdelay $0x3  }
0x94: {  	_ =	strace s2  }
0x95: {  	s2 =	sld [smem:$0x3FFD];
	_ =	sdelay $0x3  }
0x96: {  	_ =	strace s2  }
0x97: {  	_ =	strace $0x8FFFFFFF  }
0x98: {  	s19 =	sld [smem:$0x3FDB];
	_ =	sdelay $0x1  }
0x99: {  	s20 =	simm.s32 $_scs_section_size  }
0x9a: {  	s4 =	simm.s32 $_size__tile_overlayer_lowered;
	s5 =	simm.s32 $_tile_overlayer_lowered  }
0x9b: {  	s6 =	simm.s32 $0x1BFF;
	s21 =	sshll.u32 s5, $0x1;
	s3 =	sadd.s32 s20, s19  }
0x9c: {  	s22 =	simm.s32 $0x0;
	s4 =	sshll.u32 s4, $0x1;
	s5 =	sadd.s32 s21, s3  }
0x9d: {  	[timem:s22], [sflag:s6] =	dma.local [hbm:s5], s4  }
0x9e: {  	_ =	swait.ge [sflag:s6], s4  }
0x9f: {  	s4 =	ssub.s32 $0x0, s4;
	[sflag:s6] =	ssyncset.done $0x0  }
0xa0: {  	[sflag:s6] =	ssyncadd.s32 s4;
	_ =	sdelay $0x1  }
0xa1: {  	s23 =	simm.s32 $0x1B8B  }
0xa2: {  	_ =	swait.ge [sflag:s23], $0x1  }
0xa3: {  	[sflag:s23] =	ssyncset.done $0x0  }
0xa4: {  	[sflag:s23] =	ssyncadd.s32 $0xFFFFFFFF  }
0xa5: {  	s4 =	sld [smem:$0x0]  }
0xa6: {  	s5 =	sand.u32 $0xFFFFFFFE, s1  }
0xa7: {  	p0 =	sne.s32 s1, s5  }
0xa8: {  	s5 =	sshll.u32 @p0 s5, $0xE  }
0xa9: {  	s5 =	sadd.s32 @p0 $0x11B8D, s5;
	s6 =	sshll.u32 @p0 s4, $0x11  }
0xaa: {  	s5 =	sor.u32 @p0 s6, s5  }
0xab: {  	[sflag:s5] =	ssyncadd.remote.s32 @p0 $0x1;
	_ =	sdelay $0x1  }
0xac: {  	s5 =	simm.s32 @p0 $0x1B8D  }
0xad: {  	_ =	swait.eq @p0 [sflag:s5], $0x1  }
0xae: {  	[sflag:s5] =	ssyncadd.s32 @p0 $0xFFFFFFFF  }
0xaf: {  	s6 =	sshll.u32 @!p0 s1, $0xE  }
0xb0: {  	s6 =	sor.u32 @!p0 $0x4000, s6;
	s5 =	simm.s32 @!p0 $0x1B8D  }
0xb1: {  	s4 =	sshll.u32 @!p0 s4, $0x11;
	s6 =	sadd.s32 @!p0 $0x11B8D, s6;
	_ =	swait.eq @!p0 [sflag:s5], $0x1  }
0xb2: {  	s4 =	sor.u32 @!p0 s4, s6;
	[sflag:s5] =	ssyncadd.s32 @!p0 $0xFFFFFFFF  }
0xb3: {  	s25 =	simm.s32 $0x1B8E;
	s24 =	sld [smem:$0x3FFE];
	[sflag:s4] =	ssyncadd.remote.s32 @!p0 $0x1  }
0xb4: {  	s26 =	simm.s32 $execute0_lowered;
	[smem:$0x3FD2] =	sst s25  }
0xb5: {  	s5 =	sshll.u32 s26, $0x1;
	_ =	strace $0x80000049;
	[dreg:$0x1] =	wrdreg $0xFFFFFFFF  }
0xb6: {  	s28 =	simm.s32 $_size_execute0_lowered;
	s3 =	sadd.s32 s3, s5;
	[dreg:$0x0] =	wrdreg $0x0  }
0xb7: {  	s5 =	sshll.u32 s28, $0x1;
	[dreg:$0x2] =	wrdreg s3  }
0xb8: {  	[dreg:$0x3] =	wrdreg s5  }
0xb9: {  	[dreg:$0x4] =	wrdreg $0xC0  }
0xba: {  	_ =	task [dreg:s22], $0x5FFFF  }
0xbb: {  	[dreg:$0x1] =	wrdreg $0xFFFFFFFF  }
0xbc: {  	[dreg:$0x0] =	wrdreg $0x60  }
0xbd: {  	[dreg:$0x2] =	wrdreg s24  }
0xbe: {  	[dreg:$0x3] =	wrdreg $0xA  }
0xbf: {  	_ =	task.clear_ibuf [dreg:s22], $0x4FFFF;
	_ =	strace $0x90000049  }
0xc0: {  	s29 =	simm.s32 $0xA;
	_ =	strace $0x8000004B  }
0xc1: {  	_ =	swait.ge [sflag:s29], $0x1  }
0xc2: {  	[sflag:s29] =	ssyncadd.s32 $0xFFFFFFFF  }
0xc3: {  	_ =	strace $0x9000004B  }
0xc4: {  	_ =	sfence  }
0xc5: {  	s30 =	sld [smem:$0x0];
	_ =	sdelay $0x2  }
0xc6: {  	s31 =	sshll.u32 s1, $0xD;
	s1 =	sshrl.u32 s1, $0x2  }
0xc7: {  	s4 =	sand.u32 $0x4000, s31;
	s1 =	sadd.s32 s1, s30  }
0xc8: {  	s0 =	sor.u32 s4, s0;
	s1 =	sshll.u32 s1, $0x11  }
0xc9: {  	s0 =	sor.u32 s1, s0  }
0xca: {  	s0 =	sadd.s32 $0x8F2B, s0  }
0xcb: {  	[sflag:s0] =	ssyncadd.remote.s32 $0x1  }
0xcc: {  	_ =	sfence.sel $0xFFFF  }
0xcd: {  	[dreg:$0x0] =	wrdreg $0xFFFFFFFF;
	(pc) =	sbr.abs _section_cstart, $3  }
0xce: {  	[dreg:$0x1] =	wrdreg $0xFFFFFFFF  }
0xcf: {  	_ =	task.clear_ibuf [dreg:s22], $0x2FFFF;
	_ =	strace $0x9FFFFFFF  }
0xd0: {  	(tm) =	ssettm $0x7FFFFFFF  }
0xd1: {  	_ =	shalt  }
tec
execute0_lowered:
.L_overlay_start_1:
0x0: {  	(tag) =	ssettag $0x1  }
0x1: {  	s0 =	srdreg.scid  }
0x2: {  	s6 =	stileid.u32;
	s2 =	rddreg [dreg:$0x0]  }
0x3: {  	s7 =	simm.s32 $0x0;
	s0 =	sand.u32 $0x1, s0;
	s1 =	sshll.u32 s6, $0x1  }
0x4: {  	[smem:$0x7FF] =	sst s7;
	s8 =	sadd.s32 $0x1600, s2;
	s9 =	sadd.s32 $0x3FEA00, s2  }
0x5: {  	s6 =	smul.u32 $0xD0000, s6;
	s10 =	sadd.s32 $0x59EA00, s2;
	s23 =	sadd.s32 $0x7E600, s2  }
0x6: {  	s1 =	sor.u32 s0, s1;
	_ =	strace $0x8000004A;
	[dreg:$0x4] =	wrdreg s8  }
0x7: {  	s4 =	ssub.s32 $0x2, s0;
	s0 =	smul.u32 $0x68000, s0;
	[dreg:$0x5] =	wrdreg s9  }
0x8: {  	[dreg:$0x6] =	wrdreg s10;
	s3 =	smul.u32 $0x1A0, s1;
	s5 =	sshrl.u32 s4, $0x1  }
0x9: {  	[dreg:$0x8] =	wrdreg s23;
	s1 =	smul.u32 $0x68000, s1;
	s4 =	ssub.s32 s4, s5  }
0xa: {  	s0 =	sadd.s32 s0, s6;
	s3 =	sadd.s32 s3, s2;
	s24 =	smax.u32 s4, $0x1  }
0xb: {  	s28 =	sadd.s32 $0xC000, s0;
	s0 =	sadd.s32 $0x8000, s0;
	[dreg:$0x9] =	wrdreg s24  }
0xc: {  	s1 =	sshrl.u32 s1, $0x3;
	s3 =	sadd.s32 $0x3FB600, s3;
	[dreg:$0xe] =	wrdreg s0  }
0xd: {  	v0 =	vimm.s32 $0xECA86420;
	vm0 =	vcmask $0xB08;
	vm1 =	vcmask $0x1310;
	s25 =	sadd.s32 s9, s1;
	[dreg:$0x7] =	wrdreg s3  }
0xe: {  	vm2 =	vcmask $0x1B18;
	vm3 =	vcmask $0x300;
	vm4 =	vcmask $0x2320;
	s26 =	sadd.s32 s10, s1;
	s1 =	sor.u32 $0x800, s1;
	[dreg:$0xa] =	wrdreg s25  }
.Ltmp0:
0xf: {  	vm5 =	vcmask $0x2B28;
	vm6 =	vcmask $0x3330;
	vm7 =	vcmask $0x3B38;
	[dreg:$0xb] =	wrdreg s26;
	s29 =	sadd.s32 s9, s1;
	(pc) =	sbr.rel .LBB2_1-.Ltmp0, $4  }
0x10: {  	v1 =	vlaneseq.u32;
	vm8 =	vmmov $0xff;
	vm9 =	vcmask $0x704;
	s30 =	sshrl.u32 s28, $0x3;
	s1 =	sadd.s32 s10, s1;
	[dreg:$0xc] =	wrdreg s29  }
0x11: {  	vm10 =	vcmask $0xF0C;
	vm11 =	vcmask $0x1714;
	v0 =	vunpack.c.l.s4.s8 v0;
	s31 =	sadd.s32 s30, s10;
	[dreg:$0xd] =	wrdreg s1  }
0x12: {  	vm12 =	vcmask $0x1F1C;
	vm13 =	vcmask $0x2724;
	vm14 =	vcmask $0x2F2C;
	s11 =	sadd.s32 s30, s9;
	[dreg:$0xf] =	wrdreg s31  }
0x13: {  	vm15 =	vcmask $0x3734;
	v1 =	vmul.u32 $0x2, v1;
	v0 =	vunpack.c.0.s8.s32 v0;
	s1 =	simm.s32 $0x0;
	[dreg:$0x10] =	wrdreg s11  }
.LBB2_8:
0x14: {  	_ =	swait.ge [sflag:s20], $0x4000  }
0x15: {  	[sflag:s20] =	ssyncset.done $0x0  }
0x16: {  	[sflag:s20] =	ssyncadd.s32 $0xFFFFC000  }
0x17: {  	_ =	swait.ge [sflag:s20], $0x4000  }
0x18: {  	s1 =	rddreg [dreg:$0x11]  }
0x19: {  	s0 =	rddreg [dreg:$0x9];
	s1 =	sadd.s32 $0x1, s1  }
0x1a: {  	p0 =	sne.s32 s1, s0  }
.Ltmp1:
0x1b: {  	_ = 	snop;
	(pc) =	sbr.rel @!p0 .LBB2_9-.Ltmp1, $3  }
0x1c: {  	_ =	sdelay $0x1  }
0x1d: {  	[sflag:s20] =	ssyncset.done $0x0  }
0x1e: {  	[sflag:s20] =	ssyncadd.s32 $0xFFFFC000  }
.LBB2_1:
0x1f: {  	[dreg:$0x11] =	wrdreg s1  }
0x20: {  	s0 =	rddreg [dreg:$0x7];
	s18 =	simm.s32 $0x5  }
0x21: {  	[tilespmem:s7], [sflag:$0x5] =	stream.linear.gather [hbm4b:s0+s7], $0xD00, $0x38;
	[tilespmem:$0x10D00] =	vst v63  }
0x22: {  	_ =	swait.ge [sflag:s18], $0xD00  }
0x23: {  	[sflag:s18] =	ssyncset.done $0x0  }
0x24: {  	s29 =	simm.s32 $0x0;
	[sflag:s18] =	ssyncadd.s32 $0xFFFFF300  }
0x25: {  	v2 =	vld [tilespmem:s29+$0x0];
	_ =	sdelay $0x4  }
0x26: {  	(v2sf) =	vpush v2, $0x0  }
0x27: {  	(v2sf) =	vpush v2, $0x1  }
0x28: {  	(v2sf) =	vpush v2, $0x2;
	_ =	sdelay $0x1  }
0x29: {  	(v2sf) =	vpush v2, $0x7;
	_ =	sdelay $0x2  }
0x2a: {  	(v2sf) =	vpush v2, $0x3  }
0x2b: {  	(v2sf) =	vpush v2, $0x4  }
0x2c: {  	(v2sf) =	vpush v2, $0xC  }
0x2d: {  	(v2sf) =	vpush v2, $0xD;
	_ =	sdelay $0x3  }
0x2e: {  	(v2sf) =	vpush v2, $0xE  }
0x2f: {  	s19 =	spop (v2sf)  }
0x30: {  	(v2sf) =	vpush v2, $0x8;
	s4 =	smulhi.u32 $0x10624DD3, s19;
	s20 =	spop (v2sf)  }
0x31: {  	(v2sf) =	vpush v2, $0xF;
	s2 =	smulhi.u32 $0x10624DD3, s20;
	s3 =	spop (v2sf)  }
0x32: {  	s1 =	sshra.s32 s20, $0x1F;
	s5 =	smulhi.u32 $0x10624DD3, s3  }
0x33: {  	s6 =	spop (v2sf);
	s9 =	smul.u32 $0x10624DD3, s1  }
0x34: {  	s21 =	sshra.s32 s3, $0x1F;
	s7 =	smulhi.u32 $0x10624DD3, s6  }
0x35: {  	s6 =	sshra.s32 s6, $0x1F;
	s10 =	smul.u32 $0x10624DD3, s21  }
0x36: {  	(v2sf) =	vpush v2, $0x9;
	s8 =	spop (v2sf);
	s11 =	smul.u32 $0x10624DD3, s6  }
0x37: {  	s3 =	spop (v2sf);
	s16 =	smulhi.u32 $0x10624DD3, s8  }
0x38: {  	(v2sf) =	vpush v2, $0xA;
	s14 =	sshra.s32 s8, $0x1F;
	s22 =	sshra.s32 s3, $0x1F;
	s12 =	spop (v2sf)  }
0x39: {  	(v2sf) =	vpush v2, $0x5;
	s5 =	sadd.s32 s10, s5;
	s1 =	smul.u32 $0x10624DD3, s22;
	s23 =	spop (v2sf)  }
0x3a: {  	s24 =	sshra.s32 s12, $0x1F;
	s8 =	sshra.s32 s5, $0xB;
	s12 =	smulhi.u32 $0x10624DD3, s12  }
0x3b: {  	s0 =	sshrl.u32 s5, $0x1F;
	s6 =	sshra.s32 s5, $0x1F;
	s5 =	smul.u32 $0x10624DD3, s14  }
0x3c: {  	s13 =	sshra.s32 s19, $0x1F;
	s15 =	smulhi.u32 $0x10624DD3, s23  }
0x3d: {  	(v2sf) =	vpush v2, $0xB;
	s20 =	sadd.s32 s9, s2;
	s25 =	spop (v2sf);
	s26 =	smul.u32 $0x10624DD3, s24  }
0x3e: {  	(v2sf) =	vpush v2, $0x6;
	s31 =	sadd.s32 s11, s7;
	s17 =	sshra.s32 s23, $0x1F;
	s10 =	smulhi.u32 $0x10624DD3, s25  }
0x3f: {  	s21 =	spop (v2sf);
	s23 =	sshra.s32 s25, $0x1F;
	s17 =	smul.u32 $0x10624DD3, s17  }
0x40: {  	s14 =	spop (v2sf);
	s22 =	sadd.s32 s26, s12;
	s23 =	smul.u32 $0x10624DD3, s23  }
0x41: {  	s18 =	sshra.s32 s14, $0x1F;
	s28 =	sadd.s32 s17, s15;
	s15 =	smulhi.u32 $0x10624DD3, s3  }
0x42: {  	s24 =	sshrl.u32 s22, $0x1F;
	s30 =	sshra.s32 s22, $0xB;
	s22 =	smul.u32 $0x10624DD3, s18  }
0x43: {  	s7 =	sshra.s32 s20, $0x1F;
	s3 =	sadd.s32 s5, s16;
	s18 =	smul.u32 $0x10624DD3, s13  }
0x44: {  	s14 =	smulhi.u32 $0x10624DD3, s14;
	s13 =	sshrl.u32 s3, $0x1F;
	v3 =	vmov s30;
	s30 =	simm.s32 $0x40  }
0x45: {  	s17 =	sadd.s32 s18, s4;
	s4 =	sshra.s32 s3, $0xB;
	s19 =	spop (v2sf)  }
0x46: {  	v4 =	vmov s24;
	s24 =	sshra.s32 s17, $0xB;
	s26 =	sshra.s32 s19, $0x1F;
	s12 =	smulhi.u32 $0x10624DD3, s19  }
0x47: {  	s19 =	spop (v2sf);
	s25 =	smul.u32 $0x10624DD3, s26;
	s26 =	sshra.s32 s28, $0xB  }
0x48: {  	s2 =	spop (v2sf);
	s16 =	sshra.s32 s19, $0x1F;
	s9 =	smulhi.u32 $0x10624DD3, s19  }
0x49: {  	s28 =	sshrl.u32 s28, $0x1F;
	s19 =	sshra.s32 s21, $0x1F;
	s18 =	smulhi.u32 $0x10624DD3, s2  }
0x4a: {  	s11 =	smul.u32 $0x10624DD3, s16;
	s5 =	sadd.s32 s25, s12;
	s25 =	sshra.s32 s3, $0x1F  }
0x4b: {  	s3 =	sshra.s32 s2, $0x1F;
	s2 =	smulhi.u32 $0x10624DD3, s21;
	s21 =	sshra.s32 s31, $0x1F  }
0x4c: {  	s16 =	sshra.s32 s20, $0xB;
	s12 =	sshrl.u32 s20, $0x1F;
	s20 =	spop (v2sf);
	v5 =	vmov s21  }
0x4d: {  	v3 =	vsel vm0, s26, v3;
	v4 =	vsel vm0, s28, v4;
	s28 =	smulhi.u32 $0x10624DD3, s20;
	s21 =	spop (v2sf);
	v5 =	vsel vm3, s24, v5;
	s24 =	sshra.s32 s17, $0x1F  }
.LBB2_2:
0x4e: {  	s26 =	sshrl.u32 s5, $0x1F  }
0x4f: {  	s19 =	smul.u32 $0x10624DD3, s19;
	s20 =	sshra.s32 s20, $0x1F;
	v5 =	vsel vm9, s24, v5;
	s14 =	sadd.s32 s22, s14  }
0x50: {  	s17 =	sshrl.u32 s17, $0x1F;
	s3 =	smul.u32 $0x10624DD3, s3;
	s1 =	sadd.s32 s1, s15;
	v5 =	vsel vm0, s16, v5  }
0x51: {  	s10 =	sadd.s32 s23, s10;
	v6 =	vmov s17;
	s22 =	sshrl.u32 s14, $0x1F;
	s15 =	sshrl.u32 s1, $0x1F;
	v5 =	vsel vm10, s7, v5  }
0x52: {  	s23 =	sshra.s32 s21, $0x1F;
	v6 =	vnsel vm3, $0x0, v6;
	s24 =	sshrl.u32 s10, $0x1F;
	s17 =	sshra.s32 s10, $0xB;
	v5 =	vsel vm1, s8, v5  }
0x53: {  	s16 =	smulhi.u32 $0x10624DD3, s21;
	s2 =	sadd.s32 s19, s2;
	s3 =	sadd.s32 s3, s18;
	v6 =	vsel vm0, s12, v6;
	v4 =	vsel vm1, s24, v4;
	v3 =	vsel vm1, s17, v3  }
0x54: {  	s19 =	smul.u32 $0x10624DD3, s20;
	s21 =	sshrl.u32 s2, $0x1F;
	s2 =	sshra.s32 s2, $0xB;
	v5 =	vsel vm11, s6, v5;
	v6 =	vsel vm1, s0, v6;
	v4 =	vsel vm2, s22, v4  }
0x55: {  	s18 =	sshra.s32 s1, $0xB;
	s1 =	sshra.s32 s1, $0x1F;
	s12 =	smul.u32 $0x10624DD3, s23;
	v7 =	vmov s21;
	v8 =	vmov s2;
	v5 =	vsel vm2, s4, v5  }
0x56: {  	s20 =	sshrl.u32 s3, $0x1F;
	s24 =	sadd.s32 s11, s9;
	s22 =	sshra.s32 s5, $0xB;
	v6 =	vsel vm2, s13, v6;
	v7 =	vsel vm0, s26, v7;
	v5 =	vsel vm12, s25, v5  }
0x57: {  	s23 =	sshra.s32 s3, $0xB;
	s10 =	sshrl.u32 s24, $0x1F;
	v8 =	vsel vm0, s22, v8;
	s13 =	sshra.s32 s24, $0xB;
	v6 =	vsel vm4, s15, v6;
	v5 =	vsel vm4, s18, v5  }
0x58: {  	s7 =	sadd.s32 s19, s28;
	s0 =	sadd.s32 s12, s16;
	s25 =	sshra.s32 s14, $0xB;
	v7 =	vsel vm1, s10, v7;
	v8 =	vsel vm1, s13, v8;
	v5 =	vsel vm13, s1, v5  }
0x59: {  	s3 =	sshra.s32 s3, $0x1F;
	s11 =	sshra.s32 s7, $0xB;
	s12 =	sshrl.u32 s0, $0x1F;
	v6 =	vsel vm5, s20, v6;
	v3 =	vsel vm2, s25, v3;
	v5 =	vsel vm5, s23, v5  }
0x5a: {  	s14 =	sshra.s32 s0, $0xB;
	v8 =	vsel vm2, s11, v8;
	s1 =	sshrl.u32 s7, $0x1F;
	v6 =	vsel vm6, s12, v6;
	v5 =	vsel vm14, s3, v5  }
0x5b: {  	s15 =	sshrl.u32 s31, $0x1F;
	s0 =	sshra.s32 s0, $0x1F;
	v3 =	vcombine.low v8, v3;
	v7 =	vsel vm2, s1, v7;
	v5 =	vsel vm6, s14, v5  }
0x5c: {  	s16 =	sshra.s32 s31, $0xB;
	v6 =	vsel vm7, s15, v6;
	v4 =	vcombine.low v7, v4;
	v5 =	vsel vm15, s0, v5  }
0x5d: {  	v3 =	vperm.xlane v3, v0;
	v6 =	vperm.xlane v6, v1;
	v5 =	vsel vm7, s16, v5  }
0x5e: {  	v4 =	vperm.xlane v4, v0;
	v5 =	vperm.xlane v5, v1;
	_ =	sdelay $0x1  }
0x5f: {  	v4 =	vsel vm8, v6, v4;
	v3 =	vsel vm8, v5, v3  }
0x60: {  	v3 =	vadd.s32 v4, v3  }
0x61: {  	v3 =	vmul.u32 $0x7D00, v3;
	_ =	sdelay $0x1  }
0x62: {  	s17 =	smov.u32 s30;
	v2 =	vsub.s32 v2, v3  }
0x63: {  	s18 =	sshra.s32 s17, $0x2;
	[tilespmem:s29+$0x0] =	vst v2  }
0x64: {  	v2 =	vld [tilespmem:s18+$0x0];
	_ =	sdelay $0x4  }
0x65: {  	(v2sf) =	vpush v2, $0x0  }
0x66: {  	(v2sf) =	vpush v2, $0x1  }
0x67: {  	(v2sf) =	vpush v2, $0x2;
	_ =	sdelay $0x1  }
0x68: {  	(v2sf) =	vpush v2, $0x7;
	_ =	sdelay $0x1  }
0x69: {  	(v2sf) =	vpush v2, $0x3  }
0x6a: {  	(v2sf) =	vpush v2, $0x4;
	_ =	sdelay $0x1  }
0x6b: {  	(v2sf) =	vpush v2, $0xC  }
0x6c: {  	(v2sf) =	vpush v2, $0xD;
	_ =	sdelay $0x2  }
0x6d: {  	(v2sf) =	vpush v2, $0xE;
	_ =	sdelay $0x1  }
0x6e: {  	(v2sf) =	vpush v2, $0x8;
	s19 =	spop (v2sf)  }
0x6f: {  	(v2sf) =	vpush v2, $0xF;
	s5 =	smulhi.u32 $0x10624DD3, s19;
	s20 =	spop (v2sf)  }
0x70: {  	s21 =	smulhi.u32 $0x10624DD3, s20;
	s22 =	spop (v2sf)  }
0x71: {  	p0 =	sne.s32 s30, $0x1C0;
	(v2sf) =	vpush v2, $0x9;
	s0 =	sshra.s32 s20, $0x1F;
	s23 =	smulhi.u32 $0x10624DD3, s22  }
0x72: {  	s30 =	sadd.s32 $0x40, s30;
	s24 =	spop (v2sf);
	s0 =	smul.u32 $0x10624DD3, s0  }
0x73: {  	[dreg:$0x2] =	wrdreg s18;
	s2 =	sshra.s32 s22, $0x1F;
	s28 =	smulhi.u32 $0x10624DD3, s24  }
0x74: {  	s4 =	sshra.s32 s24, $0x1F;
	s25 =	spop (v2sf);
	s15 =	smul.u32 $0x10624DD3, s2  }
0x75: {  	s26 =	sshra.s32 s25, $0x1F;
	s9 =	spop (v2sf);
	s31 =	smul.u32 $0x10624DD3, s4  }
0x76: {  	(v2sf) =	vpush v2, $0xA;
	s21 =	sadd.s32 s0, s21;
	s13 =	smulhi.u32 $0x10624DD3, s25;
	s14 =	sshra.s32 s9, $0x1F  }
0x77: {  	s17 =	spop (v2sf);
	s3 =	sadd.s32 s15, s23;
	s1 =	smul.u32 $0x10624DD3, s14  }
0x78: {  	s18 =	spop (v2sf);
	s8 =	sshra.s32 s3, $0xB;
	s2 =	smulhi.u32 $0x10624DD3, s17  }
0x79: {  	(v2sf) =	vpush v2, $0x5;
	s0 =	sshrl.u32 s3, $0x1F;
	s6 =	sshra.s32 s3, $0x1F;
	s3 =	smul.u32 $0x10624DD3, s26  }
0x7a: {  	s11 =	sshra.s32 s19, $0x1F;
	s19 =	sshra.s32 s17, $0x1F;
	s15 =	smulhi.u32 $0x10624DD3, s18  }
0x7b: {  	s16 =	sshra.s32 s21, $0xB;
	(v2sf) =	vpush v2, $0xB;
	s20 =	spop (v2sf);
	s22 =	smul.u32 $0x10624DD3, s19  }
0x7c: {  	s12 =	sshrl.u32 s21, $0x1F;
	s4 =	sshra.s32 s18, $0x1F;
	(v2sf) =	vpush v2, $0x6;
	s10 =	smulhi.u32 $0x10624DD3, s20  }
0x7d: {  	s23 =	sshra.s32 s20, $0x1F;
	s24 =	spop (v2sf);
	s4 =	smul.u32 $0x10624DD3, s4  }
0x7e: {  	s31 =	sadd.s32 s31, s28;
	s25 =	spop (v2sf);
	s23 =	smul.u32 $0x10624DD3, s23  }
0x7f: {  	s2 =	sadd.s32 s22, s2;
	s18 =	sshra.s32 s25, $0x1F;
	s14 =	smulhi.u32 $0x10624DD3, s25  }
0x80: {  	s26 =	spop (v2sf);
	s25 =	sadd.s32 s4, s15;
	s15 =	smulhi.u32 $0x10624DD3, s9  }
0x81: {  	s17 =	sshrl.u32 s2, $0x1F;
	s22 =	sshra.s32 s26, $0x1F;
	s26 =	smulhi.u32 $0x10624DD3, s26  }
0x82: {  	s3 =	sadd.s32 s3, s13;
	s2 =	sshra.s32 s2, $0xB;
	v4 =	vmov s17;
	s17 =	smul.u32 $0x10624DD3, s11  }
0x83: {  	s19 =	sshra.s32 s24, $0x1F;
	s4 =	sshra.s32 s25, $0xB;
	v3 =	vmov s2;
	s29 =	smul.u32 $0x10624DD3, s22  }
0x84: {  	s13 =	sshrl.u32 s3, $0x1F;
	s22 =	smul.u32 $0x10624DD3, s18;
	v3 =	vsel vm0, s4, v3;
	s4 =	sshra.s32 s3, $0xB  }
0x85: {  	s17 =	sadd.s32 s17, s5;
	s5 =	sadd.s32 s29, s26;
	s20 =	spop (v2sf)  }
0x86: {  	s29 =	rddreg [dreg:$0x2];
	s7 =	sshra.s32 s20, $0x1F;
	s9 =	smulhi.u32 $0x10624DD3, s20  }
.Ltmp2:
0x87: {  	s20 =	sshrl.u32 s25, $0x1F;
	s25 =	sshra.s32 s3, $0x1F;
	(pc) =	sbr.rel @p0 .LBB2_2-.Ltmp2, $4  }
0x88: {  	s11 =	smul.u32 $0x10624DD3, s7;
	s7 =	sshra.s32 s31, $0x1F;
	s2 =	spop (v2sf)  }
0x89: {  	v5 =	vmov s7;
	s7 =	sshra.s32 s21, $0x1F;
	s18 =	smulhi.u32 $0x10624DD3, s2;
	s3 =	sshra.s32 s2, $0x1F  }
0x8a: {  	v4 =	vsel vm0, s20, v4;
	s2 =	smulhi.u32 $0x10624DD3, s24;
	s24 =	sshra.s32 s17, $0xB;
	s20 =	spop (v2sf)  }
0x8b: {  	v5 =	vsel vm3, s24, v5;
	s24 =	sshra.s32 s17, $0x1F;
	s28 =	smulhi.u32 $0x10624DD3, s20;
	s21 =	spop (v2sf)  }
0x8c: {  	s14 =	sadd.s32 s22, s14;
	s10 =	sadd.s32 s23, s10;
	s19 =	smul.u32 $0x10624DD3, s19  }
0x8d: {  	v5 =	vsel vm9, s24, v5;
	s17 =	sshrl.u32 s17, $0x1F;
	s20 =	sshra.s32 s20, $0x1F;
	s3 =	smul.u32 $0x10624DD3, s3  }
0x8e: {  	s1 =	sadd.s32 s1, s15;
	s24 =	sshra.s32 s21, $0x1F;
	v5 =	vsel vm0, s16, v5;
	s16 =	sshrl.u32 s5, $0x1F  }
0x8f: {  	v6 =	vmov s17;
	s26 =	sshrl.u32 s14, $0x1F;
	s17 =	sshrl.u32 s1, $0x1F;
	s22 =	sshra.s32 s1, $0xB;
	v5 =	vsel vm10, s7, v5  }
0x90: {  	s23 =	smul.u32 $0x10624DD3, s20;
	s2 =	sadd.s32 s19, s2;
	v6 =	vnsel vm3, $0x0, v6;
	s19 =	sshrl.u32 s10, $0x1F;
	v5 =	vsel vm1, s8, v5  }
0x91: {  	s1 =	sshra.s32 s1, $0x1F;
	s7 =	smul.u32 $0x10624DD3, s24;
	s3 =	sadd.s32 s3, s18;
	v6 =	vsel vm0, s12, v6;
	v4 =	vsel vm1, s19, v4;
	v5 =	vsel vm11, s6, v5  }
0x92: {  	v6 =	vsel vm1, s0, v6;
	s0 =	smulhi.u32 $0x10624DD3, s21;
	s21 =	sshra.s32 s10, $0xB;
	v4 =	vsel vm2, s26, v4;
	s26 =	sshrl.u32 s2, $0x1F;
	v5 =	vsel vm2, s4, v5  }
0x93: {  	s18 =	sshra.s32 s14, $0xB;
	s24 =	sshrl.u32 s3, $0x1F;
	s2 =	sshra.s32 s2, $0xB;
	v6 =	vsel vm2, s13, v6;
	v3 =	vsel vm1, s21, v3;
	v7 =	vmov s26  }
0x94: {  	s15 =	sshra.s32 s3, $0xB;
	s19 =	sadd.s32 s23, s28;
	s3 =	sshra.s32 s3, $0x1F;
	v8 =	vmov s2;
	v5 =	vsel vm12, s25, v5;
	v6 =	vsel vm4, s17, v6  }
0x95: {  	s23 =	sshrl.u32 s19, $0x1F;
	s13 =	sshra.s32 s5, $0xB;
	s17 =	sadd.s32 s11, s9;
	v7 =	vsel vm0, s16, v7;
	v3 =	vsel vm2, s18, v3;
	v5 =	vsel vm4, s22, v5  }
0x96: {  	s0 =	sadd.s32 s7, s0;
	v8 =	vsel vm0, s13, v8;
	s20 =	sshrl.u32 s17, $0x1F;
	v6 =	vsel vm5, s24, v6;
	s21 =	sshra.s32 s17, $0xB;
	v5 =	vsel vm13, s1, v5  }
0x97: {  	s22 =	sshra.s32 s0, $0xB;
	s24 =	sshra.s32 s0, $0x1F;
	s0 =	sshrl.u32 s0, $0x1F;
	v7 =	vsel vm1, s20, v7;
	v8 =	vsel vm1, s21, v8;
	v5 =	vsel vm5, s15, v5  }
0x98: {  	s1 =	sshra.s32 s19, $0xB;
	v6 =	vsel vm6, s0, v6;
	v7 =	vsel vm2, s23, v7;
	v5 =	vsel vm14, s3, v5  }
0x99: {  	s26 =	sshrl.u32 s31, $0x1F;
	v8 =	vsel vm2, s1, v8;
	v4 =	vcombine.low v7, v4;
	v5 =	vsel vm6, s22, v5  }
0x9a: {  	s25 =	sshra.s32 s31, $0xB;
	v6 =	vsel vm7, s26, v6;
	v3 =	vcombine.low v8, v3;
	v5 =	vsel vm15, s24, v5  }
0x9b: {  	v6 =	vperm.xlane v6, v1;
	v4 =	vperm.xlane v4, v0;
	v5 =	vsel vm7, s25, v5  }
0x9c: {  	v3 =	vperm.xlane v3, v0;
	v5 =	vperm.xlane v5, v1;
	_ =	sdelay $0x1  }
0x9d: {  	v4 =	vsel vm8, v6, v4;
	v3 =	vsel vm8, v5, v3  }
0x9e: {  	v3 =	vadd.s32 v4, v3  }
0x9f: {  	v3 =	vmul.u32 $0x7D00, v3;
	_ =	sdelay $0x1  }
0xa0: {  	s2 =	simm.s32 $0x0;
	v2 =	vsub.s32 v2, v3  }
0xa1: {  	s4 =	simm.s32 $0x80;
	s5 =	simm.s32 $0xD00;
	s3 =	rddreg [dreg:$0x4];
	[tilespmem:s29+$0x0] =	vst v2  }
0xa2: {  	[tilespmem:s5], [sflag:$0x1] =	stream.indirect.gather [hbm4b:s3+s4], $0x80, s2, s4, $0xb8;
	[tilespmem:$0x10D00] =	vst v63  }
0xa3: {  	s6 =	rddreg [dreg:$0x8];
	s7 =	simm.s32 $0x8D00;
	s29 =	simm.s32 $0x80  }
0xa4: {  	[tilespmem:s7], [sflag:$0x1] =	stream.indirect.gather [hbm4b:s6+s4], $0x80, s2, s4, $0xb8;
	[tilespmem:$0x10D00] =	vst v63  }
0xa5: {  	v2 =	vld [tilespmem:s29+$0x0];
	_ =	sdelay $0x4  }
0xa6: {  	(v2sf) =	vpush v2, $0x0  }
0xa7: {  	(v2sf) =	vpush v2, $0x1  }
0xa8: {  	(v2sf) =	vpush v2, $0x2;
	_ =	sdelay $0x1  }
0xa9: {  	(v2sf) =	vpush v2, $0x7;
	_ =	sdelay $0x2  }
0xaa: {  	(v2sf) =	vpush v2, $0x3  }
0xab: {  	(v2sf) =	vpush v2, $0x4;
	_ =	sdelay $0x1  }
0xac: {  	(v2sf) =	vpush v2, $0xC  }
0xad: {  	(v2sf) =	vpush v2, $0xD;
	_ =	sdelay $0x3  }
0xae: {  	(v2sf) =	vpush v2, $0xE;
	s8 =	spop (v2sf)  }
0xaf: {  	(v2sf) =	vpush v2, $0x8;
	s4 =	smulhi.u32 $0x10624DD3, s8;
	s9 =	spop (v2sf)  }
0xb0: {  	(v2sf) =	vpush v2, $0xF;
	s10 =	smulhi.u32 $0x10624DD3, s9;
	s11 =	spop (v2sf)  }
0xb1: {  	s1 =	sshra.s32 s9, $0x1F;
	s12 =	smulhi.u32 $0x10624DD3, s11  }
0xb2: {  	s13 =	spop (v2sf);
	s15 =	smul.u32 $0x10624DD3, s1  }
0xb3: {  	(v2sf) =	vpush v2, $0x9;
	s17 =	sshra.s32 s11, $0x1F;
	s7 =	smulhi.u32 $0x10624DD3, s13  }
0xb4: {  	s6 =	sshra.s32 s13, $0x1F;
	s19 =	smul.u32 $0x10624DD3, s17  }
0xb5: {  	(v2sf) =	vpush v2, $0xA;
	s14 =	spop (v2sf);
	s11 =	smul.u32 $0x10624DD3, s6  }
0xb6: {  	(v2sf) =	vpush v2, $0x5;
	s13 =	sshra.s32 s8, $0x1F;
	s3 =	spop (v2sf);
	s25 =	smulhi.u32 $0x10624DD3, s14  }
0xb7: {  	s23 =	sshra.s32 s14, $0x1F;
	s18 =	sshra.s32 s3, $0x1F;
	s14 =	smulhi.u32 $0x10624DD3, s3  }
0xb8: {  	s21 =	spop (v2sf);
	s5 =	sadd.s32 s19, s12;
	s1 =	smul.u32 $0x10624DD3, s18  }
0xb9: {  	s22 =	spop (v2sf);
	s8 =	sshra.s32 s5, $0xB;
	s12 =	smulhi.u32 $0x10624DD3, s21  }
0xba: {  	s0 =	sshrl.u32 s5, $0x1F;
	s6 =	sshra.s32 s5, $0x1F;
	s5 =	smul.u32 $0x10624DD3, s23  }
0xbb: {  	s30 =	simm.s32 $0x240;
	s24 =	sshra.s32 s21, $0x1F;
	s16 =	smulhi.u32 $0x10624DD3, s22  }
0xbc: {  	(v2sf) =	vpush v2, $0xB;
	s20 =	sadd.s32 s15, s10;
	s15 =	smul.u32 $0x10624DD3, s24;
	s19 =	sshra.s32 s22, $0x1F  }
0xbd: {  	(v2sf) =	vpush v2, $0x6;
	s3 =	sshra.s32 s20, $0x1F;
	s26 =	spop (v2sf);
	s10 =	smul.u32 $0x10624DD3, s19  }
0xbe: {  	s31 =	sadd.s32 s11, s7;
	s9 =	smulhi.u32 $0x10624DD3, s26;
	s21 =	spop (v2sf)  }
0xbf: {  	s23 =	sshra.s32 s26, $0x1F;
	s22 =	spop (v2sf);
	s16 =	sadd.s32 s10, s16  }
0xc0: {  	s18 =	sshra.s32 s22, $0x1F;
	s28 =	smulhi.u32 $0x10624DD3, s22;
	s22 =	sshra.s32 s16, $0xB  }
0xc1: {  	s11 =	sshrl.u32 s20, $0x1F;
	s23 =	smul.u32 $0x10624DD3, s23;
	[dreg:$0x12] =	wrdreg s22  }
0xc2: {  	s25 =	sadd.s32 s5, s25;
	s22 =	smul.u32 $0x10624DD3, s18;
	s24 =	spop (v2sf)  }
0xc3: {  	s26 =	sadd.s32 s15, s12;
	s15 =	sshra.s32 s24, $0x1F;
	s17 =	smulhi.u32 $0x10624DD3, s24  }
0xc4: {  	s24 =	sshrl.u32 s26, $0x1F;
	s19 =	spop (v2sf);
	s12 =	smul.u32 $0x10624DD3, s15  }
0xc5: {  	s26 =	sshra.s32 s26, $0xB;
	s2 =	spop (v2sf);
	s15 =	smul.u32 $0x10624DD3, s13  }
0xc6: {  	s5 =	sshra.s32 s19, $0x1F;
	s10 =	smulhi.u32 $0x10624DD3, s19;
	s13 =	sshrl.u32 s25, $0x1F  }
0xc7: {  	s19 =	sshra.s32 s21, $0x1F;
	v3 =	vmov s26;
	s26 =	rddreg [dreg:$0x12];
	s18 =	smulhi.u32 $0x10624DD3, s2  }
0xc8: {  	s5 =	smul.u32 $0x10624DD3, s5;
	s2 =	sshra.s32 s2, $0x1F;
	s7 =	sadd.s32 s15, s4  }
0xc9: {  	s4 =	sshra.s32 s25, $0xB;
	s15 =	sshrl.u32 s16, $0x1F;
	s12 =	sadd.s32 s12, s17  }
0xca: {  	s25 =	sshra.s32 s25, $0x1F;
	s17 =	smulhi.u32 $0x10624DD3, s21;
	s21 =	sshra.s32 s31, $0x1F  }
0xcb: {  	v4 =	vmov s24;
	s16 =	sshra.s32 s20, $0xB;
	s20 =	spop (v2sf);
	v5 =	vmov s21;
	s21 =	sshra.s32 s7, $0xB  }
0xcc: {  	v3 =	vsel vm0, s26, v3;
	v4 =	vsel vm0, s15, v4;
	s15 =	smulhi.u32 $0x10624DD3, s20;
	s24 =	sshra.s32 s7, $0x1F;
	v5 =	vsel vm3, s21, v5;
	s21 =	spop (v2sf)  }
.LBB2_4:
0xcd: {  	s26 =	sshrl.u32 s12, $0x1F  }
0xce: {  	s19 =	smul.u32 $0x10624DD3, s19;
	s20 =	sshra.s32 s20, $0x1F;
	v5 =	vsel vm9, s24, v5;
	s22 =	sadd.s32 s22, s28  }
0xcf: {  	s7 =	sshrl.u32 s7, $0x1F;
	s2 =	smul.u32 $0x10624DD3, s2;
	s1 =	sadd.s32 s1, s14;
	v5 =	vsel vm0, s16, v5  }
0xd0: {  	s9 =	sadd.s32 s23, s9;
	v6 =	vmov s7;
	s7 =	sshrl.u32 s1, $0x1F;
	s24 =	sshra.s32 s1, $0xB;
	v5 =	vsel vm10, s3, v5  }
0xd1: {  	s16 =	sadd.s32 s19, s17;
	v6 =	vnsel vm3, $0x0, v6;
	s19 =	sshrl.u32 s9, $0x1F;
	s23 =	sshra.s32 s9, $0xB;
	v5 =	vsel vm1, s8, v5  }
0xd2: {  	s1 =	sshra.s32 s1, $0x1F;
	s3 =	sshrl.u32 s22, $0x1F;
	s17 =	sshra.s32 s21, $0x1F;
	v6 =	vsel vm0, s11, v6;
	v4 =	vsel vm1, s19, v4;
	v3 =	vsel vm1, s23, v3  }
0xd3: {  	s8 =	smul.u32 $0x10624DD3, s20;
	s14 =	sshrl.u32 s16, $0x1F;
	s20 =	sshra.s32 s16, $0xB;
	v5 =	vsel vm11, s6, v5;
	v6 =	vsel vm1, s0, v6;
	v4 =	vsel vm2, s3, v4  }
0xd4: {  	s5 =	sadd.s32 s5, s10;
	s11 =	smul.u32 $0x10624DD3, s17;
	s19 =	sshra.s32 s22, $0xB;
	v7 =	vmov s14;
	v8 =	vmov s20;
	v5 =	vsel vm2, s4, v5  }
0xd5: {  	s2 =	sadd.s32 s2, s18;
	s17 =	sshra.s32 s12, $0xB;
	s0 =	smulhi.u32 $0x10624DD3, s21;
	v3 =	vsel vm2, s19, v3;
	v6 =	vsel vm2, s13, v6;
	v5 =	vsel vm12, s25, v5  }
0xd6: {  	s18 =	sshra.s32 s2, $0xB;
	s22 =	sshrl.u32 s5, $0x1F;
	s5 =	sshra.s32 s5, $0xB;
	v7 =	vsel vm0, s26, v7;
	v8 =	vsel vm0, s17, v8;
	v5 =	vsel vm4, s24, v5  }
0xd7: {  	s13 =	sshrl.u32 s2, $0x1F;
	s21 =	sadd.s32 s8, s15;
	v6 =	vsel vm4, s7, v6;
	s0 =	sadd.s32 s11, s0;
	v7 =	vsel vm1, s22, v7;
	v5 =	vsel vm13, s1, v5  }
0xd8: {  	s2 =	sshra.s32 s2, $0x1F;
	s23 =	sshra.s32 s21, $0xB;
	v8 =	vsel vm1, s5, v8;
	v6 =	vsel vm5, s13, v6;
	s24 =	sshrl.u32 s0, $0x1F;
	v5 =	vsel vm5, s18, v5  }
0xd9: {  	s25 =	sshra.s32 s0, $0xB;
	v8 =	vsel vm2, s23, v8;
	s1 =	sshrl.u32 s21, $0x1F;
	v6 =	vsel vm6, s24, v6;
	v5 =	vsel vm14, s2, v5  }
0xda: {  	s26 =	sshrl.u32 s31, $0x1F;
	s0 =	sshra.s32 s0, $0x1F;
	v3 =	vcombine.low v8, v3;
	v7 =	vsel vm2, s1, v7;
	v5 =	vsel vm6, s25, v5  }
0xdb: {  	s6 =	sshra.s32 s31, $0xB;
	v6 =	vsel vm7, s26, v6;
	v4 =	vcombine.low v7, v4;
	v5 =	vsel vm15, s0, v5  }
0xdc: {  	v3 =	vperm.xlane v3, v0;
	v6 =	vperm.xlane v6, v1;
	v5 =	vsel vm7, s6, v5  }
0xdd: {  	v4 =	vperm.xlane v4, v0;
	v5 =	vperm.xlane v5, v1;
	_ =	sdelay $0x1  }
0xde: {  	v4 =	vsel vm8, v6, v4;
	v3 =	vsel vm8, v5, v3  }
0xdf: {  	v3 =	vadd.s32 v4, v3  }
0xe0: {  	v3 =	vmul.u32 $0x7D00, v3;
	_ =	sdelay $0x1  }
0xe1: {  	s7 =	smov.u32 s30;
	v2 =	vsub.s32 v2, v3  }
0xe2: {  	s8 =	sshra.s32 s7, $0x2;
	[tilespmem:s29+$0x0] =	vst v2  }
0xe3: {  	v2 =	vld [tilespmem:s8+$0x0];
	_ =	sdelay $0x4  }
0xe4: {  	(v2sf) =	vpush v2, $0x0  }
0xe5: {  	(v2sf) =	vpush v2, $0x1  }
0xe6: {  	(v2sf) =	vpush v2, $0x2;
	_ =	sdelay $0x1  }
0xe7: {  	(v2sf) =	vpush v2, $0x7;
	_ =	sdelay $0x1  }
0xe8: {  	(v2sf) =	vpush v2, $0x3;
	_ =	sdelay $0x1  }
0xe9: {  	(v2sf) =	vpush v2, $0x4  }
0xea: {  	(v2sf) =	vpush v2, $0xC;
	_ =	sdelay $0x1  }
0xeb: {  	(v2sf) =	vpush v2, $0xD;
	_ =	sdelay $0x2  }
0xec: {  	(v2sf) =	vpush v2, $0xE  }
0xed: {  	s9 =	spop (v2sf)  }
0xee: {  	(v2sf) =	vpush v2, $0x8;
	s12 =	smulhi.u32 $0x10624DD3, s9;
	s10 =	spop (v2sf)  }
0xef: {  	(v2sf) =	vpush v2, $0xF;
	s11 =	smulhi.u32 $0x10624DD3, s10;
	s13 =	spop (v2sf)  }
0xf0: {  	p0 =	sne.s32 s30, $0x33C0;
	(v2sf) =	vpush v2, $0x9;
	s0 =	sshra.s32 s10, $0x1F;
	s14 =	smulhi.u32 $0x10624DD3, s13  }
0xf1: {  	s30 =	sadd.s32 $0x40, s30;
	s16 =	spop (v2sf);
	s0 =	smul.u32 $0x10624DD3, s0  }
0xf2: {  	[dreg:$0x3] =	wrdreg s8;
	s2 =	sshra.s32 s13, $0x1F;
	s15 =	smulhi.u32 $0x10624DD3, s16  }
0xf3: {  	s4 =	sshra.s32 s16, $0x1F;
	s17 =	spop (v2sf);
	s22 =	smul.u32 $0x10624DD3, s2  }
0xf4: {  	s5 =	sshra.s32 s9, $0x1F;
	(v2sf) =	vpush v2, $0xA;
	s18 =	sshra.s32 s17, $0x1F;
	s31 =	smul.u32 $0x10624DD3, s4  }
0xf5: {  	s10 =	spop (v2sf);
	s21 =	sadd.s32 s0, s11;
	s13 =	smulhi.u32 $0x10624DD3, s17  }
0xf6: {  	s20 =	sshra.s32 s10, $0x1F;
	s23 =	spop (v2sf);
	s7 =	smul.u32 $0x10624DD3, s18  }
0xf7: {  	s16 =	sshra.s32 s21, $0xB;
	s3 =	sadd.s32 s22, s14;
	s14 =	smulhi.u32 $0x10624DD3, s10  }
0xf8: {  	s11 =	sshrl.u32 s21, $0x1F;
	s1 =	smul.u32 $0x10624DD3, s20;
	s24 =	spop (v2sf)  }
0xf9: {  	(v2sf) =	vpush v2, $0x5;
	s25 =	sshra.s32 s23, $0x1F;
	s8 =	sshra.s32 s3, $0xB;
	s2 =	smulhi.u32 $0x10624DD3, s23  }
0xfa: {  	(v2sf) =	vpush v2, $0xB;
	s0 =	sshrl.u32 s3, $0x1F;
	s6 =	sshra.s32 s3, $0x1F;
	s26 =	smulhi.u32 $0x10624DD3, s24  }
0xfb: {  	s31 =	sadd.s32 s31, s15;
	s20 =	spop (v2sf);
	s22 =	smul.u32 $0x10624DD3, s25;
	(v2sf) =	vpush v2, $0x6  }
0xfc: {  	s4 =	sshra.s32 s24, $0x1F;
	s7 =	sadd.s32 s7, s13;
	s9 =	smulhi.u32 $0x10624DD3, s20  }
0xfd: {  	s23 =	sshra.s32 s20, $0x1F;
	s3 =	spop (v2sf);
	s4 =	smul.u32 $0x10624DD3, s4  }
0xfe: {  	s15 =	sshra.s32 s31, $0x1F;
	s24 =	spop (v2sf);
	s23 =	smul.u32 $0x10624DD3, s23  }
0xff: {  	s2 =	sadd.s32 s22, s2;
	s25 =	spop (v2sf);
	s28 =	smulhi.u32 $0x10624DD3, s24  }
0x100: {  	s20 =	sshra.s32 s24, $0x1F;
	s18 =	sshrl.u32 s2, $0x1F;
	s24 =	smulhi.u32 $0x10624DD3, s25  }
0x101: {  	s26 =	sadd.s32 s4, s26;
	s17 =	sshra.s32 s25, $0x1F;
	s22 =	smul.u32 $0x10624DD3, s20  }
0x102: {  	v4 =	vmov s18;
	s4 =	sshra.s32 s26, $0xB;
	s26 =	sshrl.u32 s26, $0x1F;
	s29 =	smul.u32 $0x10624DD3, s17  }
0x103: {  	s2 =	sshra.s32 s2, $0xB;
	v4 =	vsel vm0, s26, v4;
	s26 =	smul.u32 $0x10624DD3, s5;
	s25 =	spop (v2sf)  }
0x104: {  	s13 =	sshrl.u32 s7, $0x1F;
	v3 =	vmov s2;
	s17 =	sshra.s32 s25, $0x1F;
	s10 =	smulhi.u32 $0x10624DD3, s25  }
0x105: {  	s19 =	sshra.s32 s3, $0x1F;
	v3 =	vsel vm0, s4, v3;
	s4 =	sshra.s32 s7, $0xB;
	s5 =	smul.u32 $0x10624DD3, s17  }
.Ltmp3:
0x106: {  	s25 =	sshra.s32 s7, $0x1F;
	s7 =	sadd.s32 s26, s12;
	(pc) =	sbr.rel @p0 .LBB2_4-.Ltmp3, $4  }
0x107: {  	s12 =	sadd.s32 s29, s24;
	s29 =	rddreg [dreg:$0x3];
	s17 =	smulhi.u32 $0x10624DD3, s3  }
0x108: {  	s3 =	sshra.s32 s21, $0x1F;
	s26 =	sshra.s32 s7, $0xB;
	s2 =	spop (v2sf)  }
0x109: {  	v5 =	vmov s15;
	s24 =	sshra.s32 s7, $0x1F;
	s18 =	smulhi.u32 $0x10624DD3, s2;
	s20 =	spop (v2sf)  }
0x10a: {  	v5 =	vsel vm3, s26, v5;
	s2 =	sshra.s32 s2, $0x1F;
	s15 =	smulhi.u32 $0x10624DD3, s20;
	s21 =	spop (v2sf)  }
0x10b: {  	s19 =	smul.u32 $0x10624DD3, s19;
	s22 =	sadd.s32 s22, s28;
	s9 =	sadd.s32 s23, s9  }
0x10c: {  	v5 =	vsel vm9, s24, v5;
	s7 =	sshrl.u32 s7, $0x1F;
	s2 =	smul.u32 $0x10624DD3, s2;
	s1 =	sadd.s32 s1, s14  }
0x10d: {  	s23 =	sadd.s32 s5, s10;
	s26 =	smulhi.u32 $0x10624DD3, s21;
	v5 =	vsel vm0, s16, v5;
	v6 =	vmov s7;
	s24 =	sshrl.u32 s9, $0x1F  }
0x10e: {  	s28 =	sshrl.u32 s1, $0x1F;
	s30 =	sshra.s32 s9, $0xB;
	s9 =	sshra.s32 s1, $0xB;
	v5 =	vsel vm10, s3, v5;
	v6 =	vnsel vm3, $0x0, v6;
	v4 =	vsel vm1, s24, v4  }
0x10f: {  	s16 =	sadd.s32 s19, s17;
	s19 =	sshra.s32 s20, $0x1F;
	s20 =	sshrl.u32 s22, $0x1F;
	v3 =	vsel vm1, s30, v3;
	v5 =	vsel vm1, s8, v5;
	v6 =	vsel vm0, s11, v6  }
0x110: {  	s1 =	sshra.s32 s1, $0x1F;
	s17 =	sshra.s32 s21, $0x1F;
	v4 =	vsel vm2, s20, v4;
	s10 =	sshrl.u32 s16, $0x1F;
	v5 =	vsel vm11, s6, v5;
	v6 =	vsel vm1, s0, v6  }
0x111: {  	s2 =	sadd.s32 s2, s18;
	s3 =	smul.u32 $0x10624DD3, s19;
	s11 =	sshrl.u32 s12, $0x1F;
	v7 =	vmov s10;
	v5 =	vsel vm2, s4, v5;
	v6 =	vsel vm2, s13, v6  }
0x112: {  	s18 =	sshrl.u32 s23, $0x1F;
	s13 =	sshra.s32 s16, $0xB;
	v7 =	vsel vm0, s11, v7;
	s16 =	sshra.s32 s22, $0xB;
	v5 =	vsel vm12, s25, v5;
	v6 =	vsel vm4, s28, v6  }
0x113: {  	s7 =	smul.u32 $0x10624DD3, s17;
	s14 =	sshrl.u32 s2, $0x1F;
	s3 =	sadd.s32 s3, s15;
	v8 =	vmov s13;
	v3 =	vsel vm2, s16, v3;
	v5 =	vsel vm4, s9, v5  }
0x114: {  	s17 =	sshra.s32 s12, $0xB;
	s15 =	sshra.s32 s2, $0xB;
	v7 =	vsel vm1, s18, v7;
	s20 =	sshrl.u32 s3, $0x1F;
	v6 =	vsel vm5, s14, v6;
	v5 =	vsel vm13, s1, v5  }
0x115: {  	s0 =	sshra.s32 s23, $0xB;
	s6 =	sadd.s32 s7, s26;
	s2 =	sshra.s32 s2, $0x1F;
	v8 =	vsel vm0, s17, v8;
	v7 =	vsel vm2, s20, v7;
	v5 =	vsel vm5, s15, v5  }
0x116: {  	s19 =	sshra.s32 s6, $0xB;
	s21 =	sshra.s32 s3, $0xB;
	s23 =	sshrl.u32 s6, $0x1F;
	v8 =	vsel vm1, s0, v8;
	v4 =	vcombine.low v7, v4;
	v5 =	vsel vm14, s2, v5  }
0x117: {  	s22 =	sshra.s32 s6, $0x1F;
	s25 =	sshrl.u32 s31, $0x1F;
	v6 =	vsel vm6, s23, v6;
	v8 =	vsel vm2, s21, v8;
	v5 =	vsel vm6, s19, v5  }
0x118: {  	s24 =	sshra.s32 s31, $0xB;
	v6 =	vsel vm7, s25, v6;
	v3 =	vcombine.low v8, v3;
	v5 =	vsel vm15, s22, v5  }
0x119: {  	v4 =	vperm.xlane v4, v0;
	v6 =	vperm.xlane v6, v1;
	v5 =	vsel vm7, s24, v5  }
0x11a: {  	v3 =	vperm.xlane v3, v0;
	v5 =	vperm.xlane v5, v1;
	_ =	sdelay $0x1  }
0x11b: {  	v4 =	vsel vm8, v6, v4;
	v3 =	vsel vm8, v5, v3  }
0x11c: {  	v3 =	vadd.s32 v4, v3  }
0x11d: {  	v3 =	vmul.u32 $0x7D00, v3;
	_ =	sdelay $0x1  }
0x11e: {  	v2 =	vsub.s32 v2, v3  }
0x11f: {  	s15 =	simm.s32 $0x1;
	[tilespmem:s29+$0x0] =	vst v2  }
0x120: {  	_ =	swait.ge [sflag:s15], $0x4000  }
0x121: {  	[sflag:s15] =	ssyncset.done $0x0  }
0x122: {  	[sflag:s15] =	ssyncadd.s32 $0xFFFFC000  }
0x123: {  	_ =	swait.ge [sflag:s15], $0x4000  }
0x124: {  	s13 =	simm.s32 $0xD00;
	[sflag:s15] =	ssyncset.done $0x0  }
0x125: {  	s0 =	simm.s32 $0x0;
	s26 =	rddreg [dreg:$0xa];
	[sflag:s15] =	ssyncadd.s32 $0xFFFFC000  }
0x126: {  	[hbm4b:s26+s0] =	stream.linear.scatter [tilespmem:s13], [sflag:$0x3], $0x4000, $0x38;
	[tilespmem:$0x10D00] =	vst v63  }
0x127: {  	s14 =	simm.s32 $0x8D00;
	s28 =	rddreg [dreg:$0xb]  }
0x128: {  	[hbm4b:s28+s0] =	stream.linear.scatter [tilespmem:s14], [sflag:$0x3], $0x4000, $0x38;
	[tilespmem:$0x10D00] =	vst v63  }
0x129: {  	s12 =	simm.s32 $0x80;
	s16 =	simm.s32 $0x4D00;
	s8 =	rddreg [dreg:$0x4]  }
0x12a: {  	[tilespmem:s16], [sflag:$0x2] =	stream.indirect.gather [hbm4b:s8+s12], $0x80, s12, s12, $0xb8;
	[tilespmem:$0x10D00] =	vst v63  }
0x12b: {  	s18 =	simm.s32 $0x2;
	s17 =	simm.s32 $0xCD00;
	s5 =	rddreg [dreg:$0x8]  }
0x12c: {  	[tilespmem:s17], [sflag:$0x2] =	stream.indirect.gather [hbm4b:s5+s12], $0x80, s12, s12, $0xb8;
	[tilespmem:$0x10D00] =	vst v63  }
0x12d: {  	_ =	swait.ge [sflag:s18], $0x4000  }
0x12e: {  	[sflag:s18] =	ssyncset.done $0x0  }
0x12f: {  	[sflag:s18] =	ssyncadd.s32 $0xFFFFC000  }
0x130: {  	_ =	swait.ge [sflag:s18], $0x4000  }
0x131: {  	[sflag:s18] =	ssyncset.done $0x0  }
0x132: {  	s29 =	rddreg [dreg:$0xc];
	[sflag:s18] =	ssyncadd.s32 $0xFFFFC000  }
0x133: {  	[hbm4b:s29+s0] =	stream.linear.scatter [tilespmem:s16], [sflag:$0x4], $0x4000, $0x38;
	[tilespmem:$0x10D00] =	vst v63  }
0x134: {  	s19 =	simm.s32 $0x3;
	s30 =	rddreg [dreg:$0xd]  }
0x135: {  	[hbm4b:s30+s0] =	stream.linear.scatter [tilespmem:s17], [sflag:$0x4], $0x4000, $0x38;
	[tilespmem:$0x10D00] =	vst v63  }
0x136: {  	_ =	swait.ge [sflag:s19], $0x4000  }
0x137: {  	[sflag:s19] =	ssyncset.done $0x0  }
0x138: {  	[sflag:s19] =	ssyncadd.s32 $0xFFFFC000  }
0x139: {  	_ =	swait.ge [sflag:s19], $0x4000  }
0x13a: {  	s2 =	rddreg [dreg:$0xe]  }
0x13b: {  	s9 =	rddreg [dreg:$0x5]  }
0x13c: {  	s7 =	simm.s32 $0x0;
	[sflag:s19] =	ssyncset.done $0x0;
	s10 =	rddreg [dreg:$0x6]  }
0x13d: {  	s31 =	simm.s32 $0x100;
	s6 =	rddreg [dreg:$0xf];
	[sflag:s19] =	ssyncadd.s32 $0xFFFFC000  }
0x13e: {  	[tilespmem:s13], [sflag:$0x1] =	stream.indirect.gather [hbm4b:s8+s12], $0x80, s31, s12, $0xb8;
	[tilespmem:$0x10D00] =	vst v63  }
0x13f: {  	s20 =	simm.s32 $0x4;
	s1 =	simm.s32 $0x200;
	s11 =	rddreg [dreg:$0x10]  }
0x140: {  	[tilespmem:s14], [sflag:$0x1] =	stream.indirect.gather [hbm4b:s5+s12], $0x80, s31, s12, $0xb8;
	[tilespmem:$0x10D00] =	vst v63  }
.LBB2_6:
0x141: {  	_ =	swait.ge [sflag:s15], $0x4000  }
0x142: {  	[sflag:s15] =	ssyncset.done $0x0  }
0x143: {  	[sflag:s15] =	ssyncadd.s32 $0xFFFFC000  }
0x144: {  	_ =	swait.ge [sflag:s15], $0x4000  }
0x145: {  	s3 =	sshrl.u32 s2, $0x3;
	[sflag:s15] =	ssyncset.done $0x0  }
0x146: {  	s4 =	sadd.s32 s9, s3;
	[sflag:s15] =	ssyncadd.s32 $0xFFFFC000  }
0x147: {  	[hbm4b:s4+s7] =	stream.linear.scatter [tilespmem:s13], [sflag:$0x3], $0x4000, $0x38;
	[tilespmem:$0x10D00] =	vst v63  }
0x148: {  	s3 =	sadd.s32 s10, s3  }
0x149: {  	[hbm4b:s3+s7] =	stream.linear.scatter [tilespmem:s14], [sflag:$0x3], $0x4000, $0x38;
	[tilespmem:$0x10D00] =	vst v63  }
0x14a: {  	_ =	swait.ge [sflag:s20], $0x4000  }
0x14b: {  	[sflag:s20] =	ssyncset.done $0x0  }
0x14c: {  	[sflag:s20] =	ssyncadd.s32 $0xFFFFC000  }
0x14d: {  	_ =	swait.ge [sflag:s20], $0x4000  }
0x14e: {  	[sflag:s20] =	ssyncset.done $0x0  }
0x14f: {  	s29 =	sadd.s32 $0xFFFFFF80, s1;
	[sflag:s20] =	ssyncadd.s32 $0xFFFFC000  }
0x150: {  	[tilespmem:s16], [sflag:$0x2] =	stream.indirect.gather [hbm4b:s8+s12], $0x80, s29, s12, $0xb8;
	[tilespmem:$0x10D00] =	vst v63  }
0x151: {  	_ = 	snop  }
0x152: {  	[tilespmem:s17], [sflag:$0x2] =	stream.indirect.gather [hbm4b:s5+s12], $0x80, s29, s12, $0xb8;
	[tilespmem:$0x10D00] =	vst v63  }
0x153: {  	_ =	swait.ge [sflag:s18], $0x4000  }
0x154: {  	[sflag:s18] =	ssyncset.done $0x0  }
0x155: {  	[sflag:s18] =	ssyncadd.s32 $0xFFFFC000  }
0x156: {  	_ =	swait.ge [sflag:s18], $0x4000  }
0x157: {  	[sflag:s18] =	ssyncset.done $0x0  }
0x158: {  	s30 =	sadd.s32 s0, s11;
	[sflag:s18] =	ssyncadd.s32 $0xFFFFC000  }
0x159: {  	[hbm4b:s30+s7] =	stream.linear.scatter [tilespmem:s16], [sflag:$0x4], $0x4000, $0x38;
	[tilespmem:$0x10D00] =	vst v63  }
0x15a: {  	s31 =	sadd.s32 s0, s6  }
0x15b: {  	[hbm4b:s31+s7] =	stream.linear.scatter [tilespmem:s17], [sflag:$0x4], $0x4000, $0x38;
	[tilespmem:$0x10D00] =	vst v63  }
0x15c: {  	p0 =	seq.s32 s0, $0xB000;
	_ =	swait.ge [sflag:s19], $0x4000  }
.Ltmp4:
0x15d: {  	[sflag:s19] =	ssyncset.done $0x0;
	(pc) =	sbr.rel @p0 .LBB2_8-.Ltmp4, $4  }
0x15e: {  	[sflag:s19] =	ssyncadd.s32 $0xFFFFC000  }
0x15f: {  	_ =	swait.ge [sflag:s19], $0x4000  }
0x160: {  	[sflag:s19] =	ssyncset.done $0x0  }
0x161: {  	[sflag:s19] =	ssyncadd.s32 $0xFFFFC000  }
.Ltmp5:
0x162: {  	(pc) =	sbr.rel .LBB2_6-.Ltmp5, $4  }
0x163: {  	[tilespmem:s13], [sflag:$0x1] =	stream.indirect.gather [hbm4b:s8+s12], $0x80, s1, s12, $0xb8;
	[tilespmem:$0x10D00] =	vst v63  }
0x164: {  	_ = 	snop  }
0x165: {  	[tilespmem:s14], [sflag:$0x1] =	stream.indirect.gather [hbm4b:s5+s12], $0x80, s1, s12, $0xb8;
	[tilespmem:$0x10D00] =	vst v63  }
0x166: {  	s2 =	sadd.s32 $0x8000, s2;
	s0 =	sadd.s32 $0x1000, s0;
	s1 =	sadd.s32 $0x100, s1  }
.LBB2_9:
0x167: {  	_ =	sfence.sel $0x180000  }
0x168: {  	[bflag:$0x0] =	sbarrier.arrive $0xFFFF  }
0x169: {  	_ =	strace $0x9000004A  }
0x16a: {  	s0 =	stileid.u32;
	[bflag:$0x2] =	sbarrier.arrive $0xFFFF  }
0x16b: {  	p0 =	sne.s32 s0, $0x0;
	s0 =	rddreg [dreg:$0x1]  }
0x16c: {  	s0 =	sadd.s32 @!p0 $0x100000, s0  }
0x16d: {  	[sflag:s0] =	ssyncadd.tile.s32 @!p0 $0x1;
	_ =	shalt  }
.Lfunc_end2:
_tile_overlayer_lowered:
.L_overlay_start_2:
0x16e: {  	(tag) =	ssettag $0x2  }
0x16f: {  	s0 =	rddreg [dreg:$0x0];
	s2 =	stileid.u32  }
0x170: {  	s1 =	rddreg [dreg:$0x1];
	p0 =	sne.s32 s2, $0x0  }
0x171: {  	s3 =	rddreg [dreg:$0x2];
	[bflag:$0x3] =	sbarrier.arrive $0xFFFF;
	s2 =	simm.s32 @!p0 $0x1C05  }
0x172: {  	[timem:s3], [sflag:s2] =	dma.local @!p0 [hbm:s0], s1  }
0x173: {  	s0 =	simm.s32 @!p0 $0x5  }
0x174: {  	_ =	swait.ge @!p0 [sflag:s0], s1  }
0x175: {  	s1 =	ssub.s32 @!p0 $0x0, s1;
	[sflag:s0] =	ssyncset.done @!p0 $0x0  }
0x176: {  	[sflag:s0] =	ssyncadd.s32 @!p0 s1  }
0x177: {  	[bflag:$0x3] =	sbarrier.arrive $0xFFFF  }
0x178: {  	_ =	shalt  }

// kernel: kernel.7.cloned.1.call-start
scs
__scs_entry_jumppad:
0x0: {  	(pc) =	sbr.rel $0x88, $3  }
0x1: {  	(tag) =	ssettag $0x0;
	lr =	simm.s32 $0x1  }
0x2: {  	[smem:$0x3F9A] =	sst lr;
	_ =	strace $0xD0000000  }
0x3: {  	_ = 	snop  }
0x4: {  	_ = 	snop  }
0x5: {  	_ = 	snop  }
0x6: {  	_ = 	snop  }
0x7: {  	_ = 	snop  }
__scs_overlays_trampoline_lowered:
0x8: {  	[smem:$0x3FA9] =	sst s0  }
0x9: {  	[smem:$0x3FAA] =	sst s1  }
0xa: {  	[smem:$0x3FAB] =	sst s2  }
0xb: {  	[smem:$0x3FAC] =	sst s3  }
0xc: {  	[smem:$0x3FAD] =	sst s4  }
0xd: {  	[smem:$0x3FAE] =	sst s5  }
0xe: {  	[smem:$0x3FAF] =	sst s6  }
0xf: {  	[smem:$0x3FB0] =	sst s7  }
0x10: {  	[smem:$0x3FB1] =	sst s8  }
0x11: {  	[smem:$0x3FB2] =	sst s9;
	s0 =	simm.s32 @!p0 $0x0  }
0x12: {  	s1 =	sld [smem:$0x3F98];
	s0 =	simm.s32 @p0 $0x1  }
0x13: {  	[smem:$0x3FB3] =	sst s0;
	s0 =	simm.s32 @!p1 $0x0  }
0x14: {  	s2 =	sld [smem:$0x3F97];
	s0 =	simm.s32 @p1 $0x1  }
0x15: {  	[smem:$0x3FB4] =	sst s0;
	s0 =	simm.s32 @!p2 $0x0  }
0x16: {  	s3 =	sld [smem:$0x3FDB];
	s0 =	simm.s32 @p2 $0x1  }
0x17: {  	s4 =	simm.s32 $0x1BF5;
	[smem:$0x3FB6] =	sst s0  }
0x18: {  	s0 =	sld [smem:$0x3F99];
	_ =	swait.ge [sflag:s4], $0x0  }
0x19: {  	s7 =	sld [smem:$0x3F9A]  }
0x1a: {  	s8 =	sadd.s32 $0xFFFFE003, lr  }
0x1b: {  	s9 =	sadd.s32 $0xFFFFFEF7, lr;
	s5 =	simm.s32 $0xFFFFFFFF;
	p2 =	slt.u32 s8, $0xFFFFF086  }
0x1c: {  	p1 =	slt.u32 s9, $0xF7A;
	s5 =	simm.s32 @!p2 $0x0  }
0x1d: {  	s5 =	simm.s32 @p1 $0x1;
	p0 =	seq.s32 s7, s2  }
0x1e: {  	s7 =	smul.u32 @!p0 $0xF7A, s2;
	p2 =	seq.s32 @!p0 s5, $0x0  }
0x1f: {  	s9 =	smul.u32 $0xF7A, s1;
	s8 =	simm.s32 @!p0 $0x1BF5;
	p2 =	por !p2, p0  }
0x20: {  	[sflag:s8] =	ssyncset.s32 @!p0 $0xFFFFF086;
	s6 =	sadd.s32 @!p0 s3, s7;
	s7 =	simm.s32 @!p0 $0x108  }
0x21: {  	s3 =	sadd.s32 s3, s9;
	s6 =	sadd.s32 @!p0 $0x88, s6;
	s7 =	simm.s32 @p2 $0x1082  }
0x22: {  	[simem:s7], [sflag:s8] =	dma.local @!p0 [hbm:s6], $0xF7A  }
0x23: {  	s9 =	sor.u32 $0xD0000000, s2;
	s6 =	simm.s32 $0x108;
	_ =	swait.ge @!p0 [sflag:s8], $0x0  }
0x24: {  	s3 =	sadd.s32 $0x88, s3;
	s6 =	simm.s32 @!p1 $0x1082;
	[sflag:s4] =	ssyncset.s32 $0xFFFFF086  }
0x25: {  	[simem:s6], [sflag:s4] =	dma.local [hbm:s3], $0xF7A  }
0x26: {  	[smem:$0x3F9A] =	sst s1;
	(tag) =	ssettag s2;
	_ =	strace s9  }
0x27: {  	s1 =	sld [smem:$0x3FAA]  }
0x28: {  	s2 =	sld [smem:$0x3FAB]  }
0x29: {  	s4 =	sld [smem:$0x3FAD]  }
0x2a: {  	p0 =	seq.s32 s5, $0x0;
	s5 =	sld [smem:$0x3FAE]  }
0x2b: {  	s6 =	sld [smem:$0x3FAF]  }
0x2c: {  	s7 =	sld [smem:$0x3FB0]  }
0x2d: {  	s3 =	simm.s32 $0x108;
	s8 =	sld [smem:$0x3FB1]  }
0x2e: {  	s3 =	simm.s32 @!p0 $0x1082;
	s9 =	sld [smem:$0x3FB2]  }
0x2f: {  	lr =	sadd.s32 s0, s3;
	s0 =	sld [smem:$0x3FA9]  }
0x30: {  	s3 =	sld [smem:$0x3FAC]  }
0x31: {  	[smem:$0x3FB5] =	sst s10  }
0x32: {  	s10 =	sld [smem:$0x3FB3];
	_ =	sdelay $0x3  }
0x33: {  	p0 =	seq.s32 s10, $0x1;
	s10 =	sld [smem:$0x3FB5];
	_ =	sdelay $0x3  }
0x34: {  	[smem:$0x3FB5] =	sst s10  }
0x35: {  	s10 =	sld [smem:$0x3FB4];
	_ =	sdelay $0x3  }
0x36: {  	p1 =	seq.s32 s10, $0x1;
	s10 =	sld [smem:$0x3FB5];
	_ =	sdelay $0x3  }
0x37: {  	[smem:$0x3FB5] =	sst s10  }
0x38: {  	s10 =	sld [smem:$0x3FB6]  }
0x39: {  	_ = 	snop;
	(pc) =	sbr.ind lr, $3  }
0x3a: {  	_ = 	snop  }
0x3b: {  	_ = 	snop  }
0x3c: {  	p2 =	seq.s32 s10, $0x1;
	s10 =	sld [smem:$0x3FB5]  }
0x3d: {  	_ =	shalt  }
0x3e: {  	_ =	shalt  }
0x3f: {  	_ =	shalt  }
0x40: {  	_ =	shalt  }
0x41: {  	_ =	shalt  }
0x42: {  	_ =	shalt  }
0x43: {  	_ =	shalt  }
0x44: {  	_ =	shalt  }
0x45: {  	_ =	shalt  }
0x46: {  	_ =	shalt  }
0x47: {  	_ =	shalt  }
0x48: {  	_ =	shalt  }
0x49: {  	_ =	shalt  }
0x4a: {  	_ =	shalt  }
0x4b: {  	_ =	shalt  }
0x4c: {  	_ =	shalt  }
0x4d: {  	_ =	shalt  }
0x4e: {  	_ =	shalt  }
0x4f: {  	_ =	shalt  }
0x50: {  	_ =	shalt  }
0x51: {  	_ =	shalt  }
0x52: {  	_ =	shalt  }
0x53: {  	_ =	shalt  }
0x54: {  	_ =	shalt  }
0x55: {  	_ =	shalt  }
0x56: {  	_ =	shalt  }
0x57: {  	_ =	shalt  }
0x58: {  	_ =	shalt  }
0x59: {  	_ =	shalt  }
0x5a: {  	_ =	shalt  }
0x5b: {  	_ =	shalt  }
0x5c: {  	_ =	shalt  }
0x5d: {  	_ =	shalt  }
0x5e: {  	_ =	shalt  }
0x5f: {  	_ =	shalt  }
0x60: {  	_ =	shalt  }
0x61: {  	_ =	shalt  }
0x62: {  	_ =	shalt  }
0x63: {  	_ =	shalt  }
0x64: {  	_ =	shalt  }
0x65: {  	_ =	shalt  }
0x66: {  	_ =	shalt  }
0x67: {  	_ =	shalt  }
0x68: {  	_ =	shalt  }
0x69: {  	_ =	shalt  }
0x6a: {  	_ =	shalt  }
0x6b: {  	_ =	shalt  }
0x6c: {  	_ =	shalt  }
0x6d: {  	_ =	shalt  }
0x6e: {  	_ =	shalt  }
0x6f: {  	_ =	shalt  }
0x70: {  	_ =	shalt  }
0x71: {  	_ =	shalt  }
0x72: {  	_ =	shalt  }
0x73: {  	_ =	shalt  }
0x74: {  	_ =	shalt  }
0x75: {  	_ =	shalt  }
0x76: {  	_ =	shalt  }
0x77: {  	_ =	shalt  }
0x78: {  	_ =	shalt  }
0x79: {  	_ =	shalt  }
0x7a: {  	_ =	shalt  }
0x7b: {  	_ =	shalt  }
0x7c: {  	_ =	shalt  }
0x7d: {  	_ =	shalt  }
0x7e: {  	_ =	shalt  }
0x7f: {  	_ =	shalt  }
0x80: {  	_ =	shalt  }
0x81: {  	_ =	shalt  }
0x82: {  	_ =	shalt  }
0x83: {  	_ =	shalt  }
0x84: {  	_ =	shalt  }
0x85: {  	_ =	shalt  }
0x86: {  	_ =	shalt  }
0x87: {  	_ =	shalt  }
.Lfunc_end0:
.L_simem_size_0:
called_computation_lowered:
.L_overlay_start_0:
0x88: {  	s2 =	sld [smem:$0x3FD9]  }
0x89: {  	s3 =	sld [smem:$0x3FFE];
	_ =	sdelay $0x1  }
0x8a: {  	s1 =	srdreg.scid  }
0x8b: {  	s0 =	sand.u32 $0x1, s1  }
0x8c: {  	s17 =	sshll.u32 s0, $0xA;
	s2 =	sadd.s32 s3, s2  }
0x8d: {  	s2 =	sadd.s32 s2, s17  }
0x8e: {  	[smem:$0x3FC1] =	sst s2  }
0x8f: {  	_ = 	snop  }
0x90: {  	s2 =	sld [smem:$0x3FD0];
	(tm) =	ssettm $0x1  }
0x91: {  	s18 =	sld [smem:$0x3FFB];
	_ =	sdelay $0x3  }
0x92: {  	_ =	strace s18  }
0x93: {  	s3 =	sld [smem:$0x3FFC];
	_ =	sdelay $0x3  }
0x94: {  	_ =	strace s3  }
0x95: {  	s3 =	sld [smem:$0x3FFD];
	_ =	sdelay $0x3  }
0x96: {  	_ =	strace s3  }
0x97: {  	_ =	strace $0x8FFFFFFF  }
0x98: {  	s19 =	sld [smem:$0x3FDB];
	_ =	sdelay $0x1  }
0x99: {  	s4 =	simm.s32 $_scs_section_size  }
0x9a: {  	s5 =	simm.s32 $_size__tile_overlayer_lowered;
	s6 =	simm.s32 $_tile_overlayer_lowered  }
0x9b: {  	s22 =	simm.s32 $0x1BFF;
	s21 =	sshll.u32 s6, $0x1;
	s3 =	sadd.s32 s4, s19  }
0x9c: {  	s7 =	simm.s32 $0x0;
	s20 =	sshll.u32 s5, $0x1;
	s5 =	sadd.s32 s21, s3  }
0x9d: {  	[timem:s7], [sflag:s22] =	dma.local [hbm:s5], s20  }
0x9e: {  	_ =	swait.ge [sflag:s22], s20  }
0x9f: {  	s4 =	ssub.s32 $0x0, s20;
	[sflag:s22] =	ssyncset.done $0x0  }
0xa0: {  	[sflag:s22] =	ssyncadd.s32 s4;
	_ =	sdelay $0x1  }
0xa1: {  	s23 =	simm.s32 $0x1B8B  }
0xa2: {  	_ =	swait.ge [sflag:s23], $0x1  }
0xa3: {  	[sflag:s23] =	ssyncset.done $0x0  }
0xa4: {  	s25 =	simm.s32 $0x1B8E;
	s24 =	sld [smem:$0x3FFE];
	[sflag:s23] =	ssyncadd.s32 $0xFFFFFFFF  }
0xa5: {  	s26 =	simm.s32 $execute0_lowered;
	[smem:$0x3FD2] =	sst s25  }
0xa6: {  	s5 =	sshll.u32 s26, $0x1;
	_ =	strace $0x80000046;
	[dreg:$0x1] =	wrdreg $0xFFFFFFFF  }
0xa7: {  	s28 =	simm.s32 $_size_execute0_lowered;
	s3 =	sadd.s32 s3, s5;
	[dreg:$0x0] =	wrdreg $0x0  }
0xa8: {  	s5 =	sshll.u32 s28, $0x1;
	[dreg:$0x2] =	wrdreg s3  }
0xa9: {  	[dreg:$0x3] =	wrdreg s5  }
0xaa: {  	[dreg:$0x4] =	wrdreg $0xC0  }
0xab: {  	_ =	task [dreg:s7], $0x5FFFF  }
0xac: {  	[dreg:$0x1] =	wrdreg $0xFFFFFFFF  }
0xad: {  	[dreg:$0x0] =	wrdreg $0x60  }
0xae: {  	[dreg:$0x2] =	wrdreg s2  }
0xaf: {  	[dreg:$0x3] =	wrdreg s24  }
0xb0: {  	[dreg:$0x4] =	wrdreg $0x9  }
0xb1: {  	_ =	task.clear_ibuf [dreg:s7], $0x5FFFF;
	_ =	strace $0x90000046  }
0xb2: {  	s29 =	simm.s32 $0x9;
	_ =	strace $0x80000048  }
0xb3: {  	_ =	swait.ge [sflag:s29], $0x1  }
0xb4: {  	[sflag:s29] =	ssyncadd.s32 $0xFFFFFFFF  }
0xb5: {  	_ =	strace $0x90000048  }
0xb6: {  	_ =	sfence  }
0xb7: {  	s30 =	sld [smem:$0x0];
	_ =	sdelay $0x2  }
0xb8: {  	s31 =	sshll.u32 s1, $0xD;
	s1 =	sshrl.u32 s1, $0x2  }
0xb9: {  	s3 =	sand.u32 $0x4000, s31;
	s1 =	sadd.s32 s1, s30  }
0xba: {  	s0 =	sor.u32 s3, s0;
	s1 =	sshll.u32 s1, $0x11  }
0xbb: {  	s0 =	sor.u32 s1, s0  }
0xbc: {  	s0 =	sadd.s32 $0x8F2B, s0  }
0xbd: {  	[sflag:s0] =	ssyncadd.remote.s32 $0x1  }
0xbe: {  	_ =	sfence.sel $0xFFFF  }
0xbf: {  	[dreg:$0x0] =	wrdreg $0xFFFFFFFF;
	(pc) =	sbr.abs _section_cstart, $3  }
0xc0: {  	[dreg:$0x1] =	wrdreg $0xFFFFFFFF  }
0xc1: {  	_ =	task.clear_ibuf [dreg:s7], $0x2FFFF;
	_ =	strace $0x9FFFFFFF  }
0xc2: {  	(tm) =	ssettm $0x7FFFFFFF  }
0xc3: {  	_ =	shalt  }
tec
execute0_lowered:
.L_overlay_start_1:
0x0: {  	(tag) =	ssettag $0x1  }
0x1: {  	s0 =	rddreg [dreg:$0x0]  }
0x2: {  	s1 =	rddreg [dreg:$0x1]  }
0x3: {  	s2 =	srdreg.scid;
	s8 =	stileid.u32  }
0x4: {  	s10 =	simm.s32 $0x0;
	s2 =	sand.u32 $0x1, s2;
	s3 =	sshll.u32 s8, $0x1  }
0x5: {  	[smem:$0x7FF] =	sst s10;
	s11 =	sadd.s32 $0x1600, s1;
	s6 =	sadd.s32 $0xFB600, s1  }
0x6: {  	s8 =	smul.u32 $0xC0000, s8;
	s9 =	sadd.s32 $0x27B600, s1;
	s19 =	sadd.s32 $0x7E600, s1  }
0x7: {  	s3 =	sor.u32 s2, s3;
	s5 =	ssub.s32 $0x2, s2;
	s2 =	smul.u32 $0x60000, s2  }
0x8: {  	_ =	strace $0x80000047;
	[dreg:$0x5] =	wrdreg s11;
	s4 =	smul.u32 $0x180, s3  }
0x9: {  	[dreg:$0x7] =	wrdreg s19;
	s3 =	smul.u32 $0x60000, s3;
	s7 =	sshrl.u32 s5, $0x1  }
0xa: {  	s5 =	ssub.s32 s5, s7;
	s23 =	sadd.s32 s2, s8;
	s0 =	sadd.s32 s0, s4  }
0xb: {  	s20 =	sshrl.u32 s3, $0x3;
	s21 =	smax.u32 s5, $0x1;
	[dreg:$0x6] =	wrdreg s0  }
0xc: {  	s25 =	sor.u32 $0x8000, s23;
	[dreg:$0x8] =	wrdreg s21;
	s22 =	sadd.s32 s6, s20  }
0xd: {  	s24 =	sadd.s32 s9, s20;
	s0 =	sor.u32 $0x800, s20;
	[dreg:$0x9] =	wrdreg s22  }
0xe: {  	v0 =	vimm.s32 $0xECA86420;
	vm0 =	vcmask $0xB08;
	vm1 =	vcmask $0x1310;
	s1 =	sor.u32 $0xC000, s23;
	[dreg:$0xa] =	wrdreg s24;
	s26 =	sadd.s32 s6, s0  }
0xf: {  	vm2 =	vcmask $0x1B18;
	vm3 =	vcmask $0x300;
	vm4 =	vcmask $0x2320;
	s2 =	sshrl.u32 s25, $0x3;
	s0 =	sadd.s32 s9, s0;
	[dreg:$0xb] =	wrdreg s26  }
.Ltmp0:
0x10: {  	vm5 =	vcmask $0x2B28;
	vm6 =	vcmask $0x3330;
	vm7 =	vcmask $0x3B38;
	s28 =	sadd.s32 s2, s9;
	[dreg:$0xc] =	wrdreg s0;
	(pc) =	sbr.rel .LBB2_1-.Ltmp0, $4  }
0x11: {  	v1 =	vlaneseq.u32;
	vm8 =	vmmov $0xff;
	vm9 =	vcmask $0x704;
	s29 =	sshrl.u32 s1, $0x3;
	s30 =	sadd.s32 s2, s6;
	[dreg:$0xd] =	wrdreg s28  }
0x12: {  	vm10 =	vcmask $0xF0C;
	vm11 =	vcmask $0x1714;
	v0 =	vunpack.c.l.s4.s8 v0;
	s31 =	sadd.s32 s29, s9;
	[dreg:$0xe] =	wrdreg s30  }
0x13: {  	vm12 =	vcmask $0x1F1C;
	vm13 =	vcmask $0x2724;
	vm14 =	vcmask $0x2F2C;
	s6 =	sadd.s32 s29, s6;
	[dreg:$0xf] =	wrdreg s31  }
0x14: {  	vm15 =	vcmask $0x3734;
	v1 =	vmul.u32 $0x2, v1;
	v0 =	vunpack.c.0.s8.s32 v0;
	s1 =	simm.s32 $0x0;
	[dreg:$0x10] =	wrdreg s6  }
.LBB2_8:
0x15: {  	_ =	swait.ge [sflag:s18], $0x4000  }
0x16: {  	[sflag:s18] =	ssyncset.done $0x0  }
0x17: {  	[sflag:s18] =	ssyncadd.s32 $0xFFFFC000  }
0x18: {  	_ =	swait.ge [sflag:s18], $0x4000  }
0x19: {  	s1 =	rddreg [dreg:$0x11]  }
0x1a: {  	s0 =	rddreg [dreg:$0x8];
	s1 =	sadd.s32 $0x1, s1  }
0x1b: {  	p0 =	sne.s32 s1, s0  }
.Ltmp1:
0x1c: {  	_ = 	snop;
	(pc) =	sbr.rel @!p0 .LBB2_9-.Ltmp1, $3  }
0x1d: {  	_ =	sdelay $0x1  }
0x1e: {  	[sflag:s18] =	ssyncset.done $0x0  }
0x1f: {  	[sflag:s18] =	ssyncadd.s32 $0xFFFFC000  }
.LBB2_1:
0x20: {  	[dreg:$0x11] =	wrdreg s1  }
0x21: {  	s0 =	rddreg [dreg:$0x6];
	s19 =	simm.s32 $0x5  }
0x22: {  	[tilespmem:s10], [sflag:$0x5] =	stream.linear.gather [hbm4b:s0+s10], $0xC00, $0x38;
	[tilespmem:$0x10C00] =	vst v63  }
0x23: {  	_ =	swait.ge [sflag:s19], $0xC00  }
0x24: {  	[sflag:s19] =	ssyncset.done $0x0  }
0x25: {  	s28 =	simm.s32 $0x0;
	[sflag:s19] =	ssyncadd.s32 $0xFFFFF400  }
0x26: {  	v2 =	vld [tilespmem:s28+$0x0];
	_ =	sdelay $0x4  }
0x27: {  	(v2sf) =	vpush v2, $0x0  }
0x28: {  	(v2sf) =	vpush v2, $0x1  }
0x29: {  	(v2sf) =	vpush v2, $0x2;
	_ =	sdelay $0x1  }
0x2a: {  	(v2sf) =	vpush v2, $0x7;
	_ =	sdelay $0x2  }
0x2b: {  	(v2sf) =	vpush v2, $0x3  }
0x2c: {  	(v2sf) =	vpush v2, $0x4;
	_ =	sdelay $0x1  }
0x2d: {  	(v2sf) =	vpush v2, $0xC  }
0x2e: {  	(v2sf) =	vpush v2, $0xD;
	_ =	sdelay $0x2  }
0x2f: {  	(v2sf) =	vpush v2, $0xE  }
0x30: {  	s20 =	spop (v2sf)  }
0x31: {  	(v2sf) =	vpush v2, $0x8;
	s8 =	smulhi.u32 $0x10624DD3, s20;
	s21 =	spop (v2sf)  }
0x32: {  	(v2sf) =	vpush v2, $0xF;
	s2 =	smulhi.u32 $0x10624DD3, s21;
	s3 =	spop (v2sf)  }
0x33: {  	s1 =	sshra.s32 s21, $0x1F;
	s4 =	smulhi.u32 $0x10624DD3, s3  }
0x34: {  	s5 =	spop (v2sf);
	s1 =	smul.u32 $0x10624DD3, s1  }
0x35: {  	(v2sf) =	vpush v2, $0x9;
	s3 =	sshra.s32 s3, $0x1F;
	s9 =	smulhi.u32 $0x10624DD3, s5  }
0x36: {  	s5 =	sshra.s32 s5, $0x1F;
	s3 =	smul.u32 $0x10624DD3, s3  }
0x37: {  	s6 =	spop (v2sf);
	s5 =	smul.u32 $0x10624DD3, s5  }
0x38: {  	(v2sf) =	vpush v2, $0xA;
	s12 =	sshra.s32 s20, $0x1F;
	s10 =	spop (v2sf);
	s15 =	smulhi.u32 $0x10624DD3, s6  }
0x39: {  	(v2sf) =	vpush v2, $0x5;
	s6 =	sshra.s32 s6, $0x1F;
	s19 =	sadd.s32 s1, s2;
	s7 =	sshra.s32 s10, $0x1F  }
0x3a: {  	s11 =	spop (v2sf);
	s25 =	sadd.s32 s3, s4;
	s6 =	smul.u32 $0x10624DD3, s6  }
0x3b: {  	s31 =	smul.u32 $0x10624DD3, s7;
	s22 =	spop (v2sf);
	s23 =	sshra.s32 s11, $0x1F  }
0x3c: {  	s4 =	sshra.s32 s25, $0xB;
	s0 =	sshrl.u32 s25, $0x1F;
	s11 =	smulhi.u32 $0x10624DD3, s11  }
0x3d: {  	s1 =	sshra.s32 s25, $0x1F;
	s30 =	sadd.s32 s5, s9;
	s14 =	smulhi.u32 $0x10624DD3, s22  }
0x3e: {  	(v2sf) =	vpush v2, $0xB;
	s9 =	sshrl.u32 s19, $0x1F;
	s24 =	spop (v2sf);
	s16 =	smul.u32 $0x10624DD3, s23  }
0x3f: {  	(v2sf) =	vpush v2, $0x6;
	s5 =	sshra.s32 s19, $0x1F;
	s26 =	sshra.s32 s22, $0x1F;
	s7 =	smulhi.u32 $0x10624DD3, s24  }
0x40: {  	s20 =	spop (v2sf);
	s22 =	sshra.s32 s24, $0x1F;
	s3 =	smul.u32 $0x10624DD3, s26  }
0x41: {  	s15 =	sadd.s32 s6, s15;
	s13 =	spop (v2sf);
	s22 =	smul.u32 $0x10624DD3, s22  }
0x42: {  	s16 =	sadd.s32 s16, s11;
	s17 =	sshra.s32 s13, $0x1F;
	s13 =	smulhi.u32 $0x10624DD3, s13  }
0x43: {  	s25 =	sshrl.u32 s16, $0x1F;
	s3 =	sadd.s32 s3, s14;
	s26 =	sshra.s32 s16, $0xB  }
0x44: {  	s14 =	smulhi.u32 $0x10624DD3, s10;
	s11 =	sshra.s32 s3, $0xB;
	s18 =	spop (v2sf)  }
0x45: {  	[dreg:$0x12] =	wrdreg s11;
	s21 =	sshra.s32 s18, $0x1F;
	s18 =	smulhi.u32 $0x10624DD3, s18  }
0x46: {  	s10 =	sshrl.u32 s15, $0x1F;
	v3 =	vmov s26;
	s26 =	rddreg [dreg:$0x12];
	s24 =	smul.u32 $0x10624DD3, s21  }
0x47: {  	s11 =	sshra.s32 s15, $0xB;
	s23 =	spop (v2sf);
	s21 =	smul.u32 $0x10624DD3, s17  }
0x48: {  	s2 =	spop (v2sf);
	s29 =	sshra.s32 s23, $0x1F;
	s17 =	smul.u32 $0x10624DD3, s12  }
0x49: {  	s6 =	smulhi.u32 $0x10624DD3, s23;
	s23 =	sshrl.u32 s3, $0x1F;
	s3 =	sshra.s32 s2, $0x1F  }
0x4a: {  	s16 =	sadd.s32 s17, s8;
	s12 =	sadd.s32 s24, s18;
	s17 =	smulhi.u32 $0x10624DD3, s2  }
0x4b: {  	s24 =	sshra.s32 s15, $0x1F;
	s8 =	smul.u32 $0x10624DD3, s29;
	s18 =	sshra.s32 s20, $0x1F  }
0x4c: {  	s2 =	smulhi.u32 $0x10624DD3, s20;
	s15 =	sshra.s32 s19, $0xB;
	s20 =	sshra.s32 s30, $0x1F  }
0x4d: {  	v4 =	vmov s25;
	s29 =	simm.s32 $0x40;
	s19 =	spop (v2sf);
	v5 =	vmov s20;
	s20 =	sshra.s32 s16, $0xB  }
0x4e: {  	v3 =	vsel vm0, s26, v3;
	v4 =	vsel vm0, s23, v4;
	s26 =	smulhi.u32 $0x10624DD3, s19;
	s23 =	sshra.s32 s16, $0x1F;
	v5 =	vsel vm3, s20, v5;
	s20 =	spop (v2sf)  }
.LBB2_2:
0x4f: {  	s25 =	sshrl.u32 s12, $0x1F;
	s18 =	smul.u32 $0x10624DD3, s18  }
0x50: {  	s19 =	sshra.s32 s19, $0x1F;
	v5 =	vsel vm9, s23, v5;
	s13 =	sadd.s32 s21, s13;
	s16 =	sshrl.u32 s16, $0x1F  }
0x51: {  	s3 =	smul.u32 $0x10624DD3, s3;
	s6 =	sadd.s32 s8, s6;
	v5 =	vsel vm0, s15, v5;
	s7 =	sadd.s32 s22, s7  }
0x52: {  	v6 =	vmov s16;
	s14 =	sadd.s32 s31, s14;
	s21 =	sshrl.u32 s13, $0x1F;
	s22 =	sshra.s32 s20, $0x1F;
	v5 =	vsel vm10, s5, v5  }
0x53: {  	s2 =	sadd.s32 s18, s2;
	v6 =	vnsel vm3, $0x0, v6;
	s23 =	sshrl.u32 s7, $0x1F;
	s16 =	sshra.s32 s7, $0xB;
	v5 =	vsel vm1, s4, v5  }
0x54: {  	s15 =	sshrl.u32 s14, $0x1F;
	s3 =	sadd.s32 s3, s17;
	s18 =	smul.u32 $0x10624DD3, s19;
	v6 =	vsel vm0, s9, v6;
	v4 =	vsel vm1, s23, v4;
	v3 =	vsel vm1, s16, v3  }
0x55: {  	s17 =	sshra.s32 s14, $0xB;
	s9 =	smul.u32 $0x10624DD3, s22;
	v5 =	vsel vm11, s1, v5;
	v6 =	vsel vm1, s0, v6;
	v4 =	vsel vm2, s21, v4;
	s21 =	sshrl.u32 s2, $0x1F  }
0x56: {  	s19 =	sshrl.u32 s3, $0x1F;
	s22 =	sshra.s32 s12, $0xB;
	s2 =	sshra.s32 s2, $0xB;
	v5 =	vsel vm2, s11, v5;
	v6 =	vsel vm2, s10, v6;
	v7 =	vmov s21  }
0x57: {  	s23 =	sshra.s32 s3, $0xB;
	s3 =	sshra.s32 s3, $0x1F;
	s0 =	smulhi.u32 $0x10624DD3, s20;
	v8 =	vmov s2;
	v5 =	vsel vm12, s24, v5;
	v6 =	vsel vm4, s15, v6  }
0x58: {  	s12 =	sshra.s32 s6, $0xB;
	s20 =	sshra.s32 s14, $0x1F;
	s24 =	sshra.s32 s13, $0xB;
	v7 =	vsel vm0, s25, v7;
	v8 =	vsel vm0, s22, v8;
	v5 =	vsel vm4, s17, v5  }
0x59: {  	s5 =	sadd.s32 s18, s26;
	s0 =	sadd.s32 s9, s0;
	s9 =	sshrl.u32 s6, $0x1F;
	v6 =	vsel vm5, s19, v6;
	v3 =	vsel vm2, s24, v3;
	v5 =	vsel vm13, s20, v5  }
0x5a: {  	s10 =	sshra.s32 s5, $0xB;
	s5 =	sshrl.u32 s5, $0x1F;
	v7 =	vsel vm1, s9, v7;
	s11 =	sshrl.u32 s0, $0x1F;
	v8 =	vsel vm1, s12, v8;
	v5 =	vsel vm5, s23, v5  }
0x5b: {  	s13 =	sshra.s32 s0, $0xB;
	v6 =	vsel vm6, s11, v6;
	v7 =	vsel vm2, s5, v7;
	v5 =	vsel vm14, s3, v5  }
0x5c: {  	s14 =	sshrl.u32 s30, $0x1F;
	s0 =	sshra.s32 s0, $0x1F;
	v8 =	vsel vm2, s10, v8;
	v4 =	vcombine.low v7, v4;
	v5 =	vsel vm6, s13, v5  }
0x5d: {  	s15 =	sshra.s32 s30, $0xB;
	v3 =	vcombine.low v8, v3;
	v6 =	vsel vm7, s14, v6;
	v5 =	vsel vm15, s0, v5  }
0x5e: {  	v6 =	vperm.xlane v6, v1;
	v4 =	vperm.xlane v4, v0;
	v5 =	vsel vm7, s15, v5  }
0x5f: {  	v3 =	vperm.xlane v3, v0;
	v5 =	vperm.xlane v5, v1;
	_ =	sdelay $0x1  }
0x60: {  	v4 =	vsel vm8, v6, v4;
	v3 =	vsel vm8, v5, v3  }
0x61: {  	v3 =	vadd.s32 v4, v3  }
0x62: {  	v3 =	vmul.u32 $0x7D00, v3;
	_ =	sdelay $0x1  }
0x63: {  	s16 =	smov.u32 s29;
	v2 =	vsub.s32 v2, v3  }
0x64: {  	s17 =	sshra.s32 s16, $0x2;
	[tilespmem:s28+$0x0] =	vst v2  }
0x65: {  	v2 =	vld [tilespmem:s17+$0x0];
	_ =	sdelay $0x4  }
0x66: {  	(v2sf) =	vpush v2, $0x0  }
0x67: {  	(v2sf) =	vpush v2, $0x1  }
0x68: {  	(v2sf) =	vpush v2, $0x2;
	_ =	sdelay $0x1  }
0x69: {  	(v2sf) =	vpush v2, $0x7;
	_ =	sdelay $0x1  }
0x6a: {  	(v2sf) =	vpush v2, $0x3  }
0x6b: {  	(v2sf) =	vpush v2, $0x4;
	_ =	sdelay $0x1  }
0x6c: {  	(v2sf) =	vpush v2, $0xC  }
0x6d: {  	(v2sf) =	vpush v2, $0xD;
	_ =	sdelay $0x3  }
0x6e: {  	(v2sf) =	vpush v2, $0xE  }
0x6f: {  	s18 =	spop (v2sf)  }
0x70: {  	(v2sf) =	vpush v2, $0x8;
	s12 =	smulhi.u32 $0x10624DD3, s18;
	s19 =	spop (v2sf)  }
0x71: {  	s20 =	smulhi.u32 $0x10624DD3, s19;
	s21 =	spop (v2sf)  }
0x72: {  	p0 =	sne.s32 s29, $0x1C0;
	(v2sf) =	vpush v2, $0xF;
	s0 =	sshra.s32 s19, $0x1F;
	s22 =	smulhi.u32 $0x10624DD3, s21  }
0x73: {  	s29 =	sadd.s32 $0x40, s29;
	(v2sf) =	vpush v2, $0x9;
	s23 =	spop (v2sf);
	s0 =	smul.u32 $0x10624DD3, s0  }
0x74: {  	[dreg:$0x3] =	wrdreg s17;
	s2 =	sshra.s32 s21, $0x1F;
	s26 =	smulhi.u32 $0x10624DD3, s23  }
0x75: {  	s4 =	sshra.s32 s23, $0x1F;
	s24 =	spop (v2sf);
	s11 =	smul.u32 $0x10624DD3, s2  }
0x76: {  	(v2sf) =	vpush v2, $0xA;
	s25 =	sshra.s32 s24, $0x1F;
	s10 =	spop (v2sf);
	s30 =	smul.u32 $0x10624DD3, s4  }
0x77: {  	s20 =	sadd.s32 s0, s20;
	s5 =	smulhi.u32 $0x10624DD3, s24;
	s9 =	sshra.s32 s10, $0x1F  }
0x78: {  	s13 =	spop (v2sf);
	s3 =	sadd.s32 s11, s22;
	s31 =	smul.u32 $0x10624DD3, s9  }
0x79: {  	s14 =	spop (v2sf);
	s4 =	sshra.s32 s3, $0xB;
	s2 =	smulhi.u32 $0x10624DD3, s13  }
0x7a: {  	(v2sf) =	vpush v2, $0x5;
	s0 =	sshrl.u32 s3, $0x1F;
	s1 =	sshra.s32 s3, $0x1F;
	s3 =	smul.u32 $0x10624DD3, s25  }
0x7b: {  	s8 =	sshra.s32 s18, $0x1F;
	s16 =	sshra.s32 s13, $0x1F;
	s11 =	smulhi.u32 $0x10624DD3, s14  }
0x7c: {  	s15 =	sshra.s32 s20, $0xB;
	(v2sf) =	vpush v2, $0xB;
	s30 =	sadd.s32 s30, s26;
	s19 =	smul.u32 $0x10624DD3, s16  }
0x7d: {  	s17 =	sshra.s32 s14, $0x1F;
	s18 =	spop (v2sf);
	(v2sf) =	vpush v2, $0x6;
	s14 =	smulhi.u32 $0x10624DD3, s10  }
0x7e: {  	s9 =	sshrl.u32 s20, $0x1F;
	s26 =	sshra.s32 s30, $0x1F;
	s7 =	smulhi.u32 $0x10624DD3, s18  }
0x7f: {  	s22 =	sshra.s32 s18, $0x1F;
	s23 =	spop (v2sf);
	s24 =	smul.u32 $0x10624DD3, s17  }
0x80: {  	s3 =	sadd.s32 s3, s5;
	s5 =	smul.u32 $0x10624DD3, s8;
	s18 =	sshra.s32 s23, $0x1F  }
0x81: {  	s21 =	spop (v2sf);
	s2 =	sadd.s32 s19, s2;
	s22 =	smul.u32 $0x10624DD3, s22  }
0x82: {  	s10 =	sshrl.u32 s3, $0x1F;
	s25 =	spop (v2sf);
	s13 =	smulhi.u32 $0x10624DD3, s21  }
0x83: {  	s17 =	sshra.s32 s21, $0x1F;
	s21 =	sshra.s32 s25, $0x1F;
	s25 =	smulhi.u32 $0x10624DD3, s25  }
0x84: {  	s16 =	sshrl.u32 s2, $0x1F;
	s24 =	sadd.s32 s24, s11;
	s28 =	smul.u32 $0x10624DD3, s21  }
0x85: {  	s2 =	sshra.s32 s2, $0xB;
	s21 =	smul.u32 $0x10624DD3, s17;
	s19 =	spop (v2sf)  }
0x86: {  	v4 =	vmov s16;
	s11 =	sshra.s32 s24, $0xB;
	v3 =	vmov s2;
	s16 =	sshra.s32 s19, $0x1F;
	s6 =	smulhi.u32 $0x10624DD3, s19  }
0x87: {  	v3 =	vsel vm0, s11, v3;
	s11 =	sshra.s32 s3, $0xB;
	s19 =	sshrl.u32 s24, $0x1F;
	s8 =	smul.u32 $0x10624DD3, s16  }
.Ltmp2:
0x88: {  	s24 =	sshra.s32 s3, $0x1F;
	s16 =	sadd.s32 s5, s12;
	(pc) =	sbr.rel @p0 .LBB2_2-.Ltmp2, $4  }
0x89: {  	s5 =	sshra.s32 s20, $0x1F;
	s12 =	sadd.s32 s28, s25;
	s2 =	spop (v2sf)  }
0x8a: {  	s28 =	rddreg [dreg:$0x3];
	s17 =	smulhi.u32 $0x10624DD3, s2;
	s3 =	sshra.s32 s2, $0x1F  }
0x8b: {  	v5 =	vmov s26;
	v4 =	vsel vm0, s19, v4;
	s2 =	smulhi.u32 $0x10624DD3, s23;
	s23 =	sshra.s32 s16, $0xB;
	s19 =	spop (v2sf)  }
0x8c: {  	v5 =	vsel vm3, s23, v5;
	s23 =	sshra.s32 s16, $0x1F;
	s26 =	smulhi.u32 $0x10624DD3, s19;
	s20 =	spop (v2sf)  }
0x8d: {  	s13 =	sadd.s32 s21, s13;
	s7 =	sadd.s32 s22, s7;
	s18 =	smul.u32 $0x10624DD3, s18  }
0x8e: {  	v5 =	vsel vm9, s23, v5;
	s16 =	sshrl.u32 s16, $0x1F;
	s19 =	sshra.s32 s19, $0x1F;
	s3 =	smul.u32 $0x10624DD3, s3  }
0x8f: {  	s14 =	sadd.s32 s31, s14;
	s22 =	sshra.s32 s20, $0x1F;
	s6 =	sadd.s32 s8, s6;
	v5 =	vsel vm0, s15, v5  }
0x90: {  	s15 =	sshrl.u32 s12, $0x1F;
	v6 =	vmov s16;
	s23 =	sshrl.u32 s13, $0x1F;
	s25 =	sshrl.u32 s7, $0x1F;
	v5 =	vsel vm10, s5, v5  }
0x91: {  	s21 =	smul.u32 $0x10624DD3, s19;
	s2 =	sadd.s32 s18, s2;
	v6 =	vnsel vm3, $0x0, v6;
	s18 =	sshrl.u32 s14, $0x1F;
	v5 =	vsel vm1, s4, v5  }
0x92: {  	s3 =	sadd.s32 s3, s17;
	v4 =	vsel vm1, s25, v4;
	s17 =	sshra.s32 s7, $0xB;
	v6 =	vsel vm0, s9, v6;
	s4 =	smul.u32 $0x10624DD3, s22;
	v5 =	vsel vm11, s1, v5  }
0x93: {  	s25 =	sshra.s32 s12, $0xB;
	s9 =	smulhi.u32 $0x10624DD3, s20;
	s20 =	sshra.s32 s14, $0xB;
	v4 =	vsel vm2, s23, v4;
	v6 =	vsel vm1, s0, v6;
	v5 =	vsel vm2, s11, v5  }
0x94: {  	s22 =	sshrl.u32 s3, $0x1F;
	s23 =	sshra.s32 s14, $0x1F;
	v3 =	vsel vm1, s17, v3;
	s14 =	sshra.s32 s13, $0xB;
	v6 =	vsel vm2, s10, v6;
	v5 =	vsel vm12, s24, v5  }
0x95: {  	v3 =	vsel vm2, s14, v3;
	s0 =	sadd.s32 s4, s9;
	s24 =	sshrl.u32 s2, $0x1F;
	v6 =	vsel vm4, s18, v6;
	s2 =	sshra.s32 s2, $0xB;
	v5 =	vsel vm4, s20, v5  }
0x96: {  	s12 =	sshra.s32 s3, $0xB;
	s7 =	sadd.s32 s21, s26;
	s17 =	sshra.s32 s0, $0xB;
	v7 =	vmov s24;
	v8 =	vmov s2;
	v6 =	vsel vm5, s22, v6  }
0x97: {  	s20 =	sshra.s32 s0, $0x1F;
	s0 =	sshrl.u32 s0, $0x1F;
	v5 =	vsel vm13, s23, v5;
	v7 =	vsel vm0, s15, v7;
	s15 =	sshrl.u32 s6, $0x1F;
	v8 =	vsel vm0, s25, v8  }
0x98: {  	s16 =	sshra.s32 s6, $0xB;
	s3 =	sshra.s32 s3, $0x1F;
	s18 =	sshrl.u32 s7, $0x1F;
	v6 =	vsel vm6, s0, v6;
	v5 =	vsel vm5, s12, v5;
	v7 =	vsel vm1, s15, v7  }
0x99: {  	s19 =	sshra.s32 s7, $0xB;
	v8 =	vsel vm1, s16, v8;
	v5 =	vsel vm14, s3, v5;
	v7 =	vsel vm2, s18, v7  }
0x9a: {  	s22 =	sshrl.u32 s30, $0x1F;
	v8 =	vsel vm2, s19, v8;
	v5 =	vsel vm6, s17, v5;
	v4 =	vcombine.low v7, v4  }
0x9b: {  	s21 =	sshra.s32 s30, $0xB;
	v6 =	vsel vm7, s22, v6;
	v3 =	vcombine.low v8, v3;
	v5 =	vsel vm15, s20, v5  }
0x9c: {  	v6 =	vperm.xlane v6, v1;
	v5 =	vsel vm7, s21, v5;
	v4 =	vperm.xlane v4, v0  }
0x9d: {  	v3 =	vperm.xlane v3, v0;
	v5 =	vperm.xlane v5, v1;
	_ =	sdelay $0x1  }
0x9e: {  	v4 =	vsel vm8, v6, v4;
	v3 =	vsel vm8, v5, v3  }
0x9f: {  	v3 =	vadd.s32 v4, v3  }
0xa0: {  	v3 =	vmul.u32 $0x7D00, v3;
	_ =	sdelay $0x1  }
0xa1: {  	s26 =	simm.s32 $0xC00;
	v2 =	vsub.s32 v2, v3  }
0xa2: {  	s24 =	rddreg [dreg:$0x5];
	s23 =	simm.s32 $0x0;
	s25 =	simm.s32 $0x80;
	[tilespmem:s28+$0x0] =	vst v2  }
0xa3: {  	[tilespmem:s26], [sflag:$0x1] =	stream.indirect.gather [hbm4b:s24+s25], $0x80, s23, s25, $0xb8;
	[tilespmem:$0x10C00] =	vst v63  }
0xa4: {  	s5 =	simm.s32 $0x8C00;
	s4 =	rddreg [dreg:$0x7];
	s28 =	simm.s32 $0x80  }
0xa5: {  	[tilespmem:s5], [sflag:$0x1] =	stream.indirect.gather [hbm4b:s4+s25], $0x80, s23, s25, $0xb8;
	[tilespmem:$0x10C00] =	vst v63  }
0xa6: {  	v2 =	vld [tilespmem:s28+$0x0];
	_ =	sdelay $0x4  }
0xa7: {  	(v2sf) =	vpush v2, $0x0  }
0xa8: {  	(v2sf) =	vpush v2, $0x1  }
0xa9: {  	(v2sf) =	vpush v2, $0x2;
	_ =	sdelay $0x1  }
0xaa: {  	(v2sf) =	vpush v2, $0x7;
	_ =	sdelay $0x1  }
0xab: {  	(v2sf) =	vpush v2, $0x3  }
0xac: {  	(v2sf) =	vpush v2, $0x4;
	_ =	sdelay $0x1  }
0xad: {  	(v2sf) =	vpush v2, $0xC;
	_ =	sdelay $0x1  }
0xae: {  	(v2sf) =	vpush v2, $0xD;
	_ =	sdelay $0x1  }
0xaf: {  	(v2sf) =	vpush v2, $0xE  }
0xb0: {  	(v2sf) =	vpush v2, $0x8  }
0xb1: {  	(v2sf) =	vpush v2, $0xF;
	s6 =	spop (v2sf)  }
0xb2: {  	s8 =	smulhi.u32 $0x10624DD3, s6;
	s10 =	spop (v2sf)  }
0xb3: {  	s11 =	smulhi.u32 $0x10624DD3, s10;
	s12 =	spop (v2sf)  }
0xb4: {  	(v2sf) =	vpush v2, $0x9;
	s1 =	sshra.s32 s10, $0x1F;
	s13 =	smulhi.u32 $0x10624DD3, s12  }
0xb5: {  	s15 =	spop (v2sf);
	s1 =	smul.u32 $0x10624DD3, s1  }
0xb6: {  	s3 =	sshra.s32 s12, $0x1F;
	s9 =	smulhi.u32 $0x10624DD3, s15  }
0xb7: {  	(v2sf) =	vpush v2, $0xA;
	s5 =	sshra.s32 s15, $0x1F;
	s16 =	spop (v2sf);
	s3 =	smul.u32 $0x10624DD3, s3  }
0xb8: {  	(v2sf) =	vpush v2, $0x5;
	s7 =	spop (v2sf);
	s5 =	smul.u32 $0x10624DD3, s5  }
0xb9: {  	s10 =	sshra.s32 s6, $0x1F;
	s12 =	smulhi.u32 $0x10624DD3, s16;
	s17 =	sshra.s32 s7, $0x1F  }
0xba: {  	s21 =	sshra.s32 s16, $0x1F;
	s18 =	spop (v2sf);
	s31 =	smul.u32 $0x10624DD3, s17  }
0xbb: {  	s19 =	sadd.s32 s1, s11;
	s25 =	sadd.s32 s3, s13;
	s11 =	smulhi.u32 $0x10624DD3, s18  }
0xbc: {  	s20 =	spop (v2sf);
	s22 =	sshra.s32 s18, $0x1F;
	s17 =	smul.u32 $0x10624DD3, s21  }
0xbd: {  	s4 =	sshra.s32 s25, $0xB;
	s0 =	sshrl.u32 s25, $0x1F;
	s14 =	smulhi.u32 $0x10624DD3, s20  }
0xbe: {  	(v2sf) =	vpush v2, $0xB;
	s1 =	sshra.s32 s25, $0x1F;
	s23 =	spop (v2sf);
	s24 =	smul.u32 $0x10624DD3, s22  }
0xbf: {  	(v2sf) =	vpush v2, $0x6;
	s26 =	sshra.s32 s20, $0x1F;
	s6 =	smulhi.u32 $0x10624DD3, s23;
	s16 =	spop (v2sf)  }
0xc0: {  	s29 =	sshra.s32 s23, $0x1F;
	s3 =	smul.u32 $0x10624DD3, s26;
	s13 =	spop (v2sf)  }
0xc1: {  	s21 =	sadd.s32 s24, s11;
	s18 =	sshra.s32 s13, $0x1F;
	s26 =	smulhi.u32 $0x10624DD3, s13  }
0xc2: {  	s23 =	sshrl.u32 s21, $0x1F;
	s3 =	sadd.s32 s3, s14;
	s13 =	smulhi.u32 $0x10624DD3, s7  }
0xc3: {  	s14 =	sshra.s32 s21, $0xB;
	s21 =	smul.u32 $0x10624DD3, s18;
	s20 =	spop (v2sf)  }
0xc4: {  	s30 =	sadd.s32 s5, s9;
	s12 =	sadd.s32 s17, s12;
	s15 =	smulhi.u32 $0x10624DD3, s20  }
0xc5: {  	s11 =	sshra.s32 s12, $0xB;
	s25 =	sshra.s32 s20, $0x1F;
	s20 =	smul.u32 $0x10624DD3, s10  }
0xc6: {  	s22 =	spop (v2sf);
	s10 =	sshrl.u32 s12, $0x1F;
	s24 =	smul.u32 $0x10624DD3, s25  }
0xc7: {  	s25 =	sshra.s32 s3, $0xB;
	s2 =	spop (v2sf);
	s7 =	smulhi.u32 $0x10624DD3, s22  }
0xc8: {  	s18 =	sshra.s32 s22, $0x1F;
	s22 =	smul.u32 $0x10624DD3, s29;
	s29 =	simm.s32 $0x240  }
0xc9: {  	s5 =	sadd.s32 s20, s8;
	s20 =	sshrl.u32 s3, $0x1F;
	s17 =	smulhi.u32 $0x10624DD3, s2  }
0xca: {  	s2 =	sshra.s32 s2, $0x1F;
	s8 =	sshrl.u32 s19, $0x1F;
	s3 =	sshra.s32 s19, $0x1F  }
0xcb: {  	s9 =	sadd.s32 s24, s15;
	s24 =	sshra.s32 s12, $0x1F;
	s12 =	smul.u32 $0x10624DD3, s18  }
0xcc: {  	s18 =	sshra.s32 s16, $0x1F;
	s15 =	sshra.s32 s19, $0xB;
	s19 =	sshra.s32 s30, $0x1F  }
0xcd: {  	v4 =	vmov s23;
	v3 =	vmov s14;
	s16 =	smulhi.u32 $0x10624DD3, s16;
	s23 =	sshra.s32 s5, $0xB;
	v5 =	vmov s19;
	s19 =	spop (v2sf)  }
0xce: {  	v3 =	vsel vm0, s25, v3;
	v4 =	vsel vm0, s20, v4;
	v5 =	vsel vm3, s23, v5;
	s14 =	smulhi.u32 $0x10624DD3, s19;
	s20 =	spop (v2sf);
	s23 =	sshra.s32 s5, $0x1F  }
.LBB2_4:
0xcf: {  	s25 =	sshrl.u32 s9, $0x1F;
	s18 =	smul.u32 $0x10624DD3, s18  }
0xd0: {  	s19 =	sshra.s32 s19, $0x1F;
	v5 =	vsel vm9, s23, v5;
	s21 =	sadd.s32 s21, s26;
	s5 =	sshrl.u32 s5, $0x1F  }
0xd1: {  	s2 =	smul.u32 $0x10624DD3, s2;
	s26 =	sshra.s32 s20, $0x1F;
	v5 =	vsel vm0, s15, v5;
	s6 =	sadd.s32 s22, s6  }
0xd2: {  	v6 =	vmov s5;
	s5 =	sadd.s32 s31, s13;
	s22 =	smulhi.u32 $0x10624DD3, s20;
	s7 =	sadd.s32 s12, s7;
	v5 =	vsel vm10, s3, v5  }
0xd3: {  	s15 =	sadd.s32 s18, s16;
	v6 =	vnsel vm3, $0x0, v6;
	s18 =	sshrl.u32 s6, $0x1F;
	s23 =	sshra.s32 s6, $0xB;
	v5 =	vsel vm1, s4, v5  }
0xd4: {  	s3 =	sshrl.u32 s21, $0x1F;
	s13 =	sshrl.u32 s5, $0x1F;
	s2 =	sadd.s32 s2, s17;
	v6 =	vsel vm0, s8, v6;
	v4 =	vsel vm1, s18, v4;
	v3 =	vsel vm1, s23, v3  }
0xd5: {  	s6 =	smul.u32 $0x10624DD3, s19;
	s16 =	sshrl.u32 s15, $0x1F;
	s20 =	sshra.s32 s15, $0xB;
	v5 =	vsel vm11, s1, v5;
	v6 =	vsel vm1, s0, v6;
	v4 =	vsel vm2, s3, v4  }
0xd6: {  	s17 =	sshra.s32 s9, $0xB;
	s19 =	sshra.s32 s21, $0xB;
	s21 =	sshrl.u32 s7, $0x1F;
	v7 =	vmov s16;
	v8 =	vmov s20;
	v5 =	vsel vm2, s11, v5  }
0xd7: {  	s8 =	smul.u32 $0x10624DD3, s26;
	s26 =	sshra.s32 s5, $0xB;
	s5 =	sshra.s32 s5, $0x1F;
	v3 =	vsel vm2, s19, v3;
	v6 =	vsel vm2, s10, v6;
	v5 =	vsel vm12, s24, v5  }
0xd8: {  	s18 =	sshra.s32 s2, $0xB;
	s3 =	sadd.s32 s6, s14;
	s11 =	sshrl.u32 s2, $0x1F;
	v7 =	vsel vm0, s25, v7;
	v8 =	vsel vm0, s17, v8;
	v5 =	vsel vm4, s26, v5  }
0xd9: {  	s0 =	sadd.s32 s8, s22;
	s22 =	sshra.s32 s3, $0xB;
	v6 =	vsel vm4, s13, v6;
	v7 =	vsel vm1, s21, v7;
	s24 =	sshra.s32 s7, $0xB;
	v5 =	vsel vm13, s5, v5  }
0xda: {  	s2 =	sshra.s32 s2, $0x1F;
	s3 =	sshrl.u32 s3, $0x1F;
	s23 =	sshrl.u32 s0, $0x1F;
	v6 =	vsel vm5, s11, v6;
	v8 =	vsel vm1, s24, v8;
	v5 =	vsel vm5, s18, v5  }
0xdb: {  	s25 =	sshra.s32 s0, $0xB;
	v7 =	vsel vm2, s3, v7;
	v6 =	vsel vm6, s23, v6;
	v5 =	vsel vm14, s2, v5  }
0xdc: {  	s0 =	sshra.s32 s0, $0x1F;
	s26 =	sshrl.u32 s30, $0x1F;
	v8 =	vsel vm2, s22, v8;
	v4 =	vcombine.low v7, v4;
	v5 =	vsel vm6, s25, v5  }
0xdd: {  	s1 =	sshra.s32 s30, $0xB;
	v3 =	vcombine.low v8, v3;
	v6 =	vsel vm7, s26, v6;
	v5 =	vsel vm15, s0, v5  }
0xde: {  	v4 =	vperm.xlane v4, v0;
	v6 =	vperm.xlane v6, v1;
	v5 =	vsel vm7, s1, v5  }
0xdf: {  	v3 =	vperm.xlane v3, v0;
	v5 =	vperm.xlane v5, v1;
	_ =	sdelay $0x1  }
0xe0: {  	v4 =	vsel vm8, v6, v4;
	v3 =	vsel vm8, v5, v3  }
0xe1: {  	v3 =	vadd.s32 v4, v3  }
0xe2: {  	v3 =	vmul.u32 $0x7D00, v3;
	_ =	sdelay $0x1  }
0xe3: {  	s2 =	smov.u32 s29;
	v2 =	vsub.s32 v2, v3  }
0xe4: {  	s3 =	sshra.s32 s2, $0x2;
	[tilespmem:s28+$0x0] =	vst v2  }
0xe5: {  	v2 =	vld [tilespmem:s3+$0x0];
	_ =	sdelay $0x4  }
0xe6: {  	(v2sf) =	vpush v2, $0x0  }
0xe7: {  	(v2sf) =	vpush v2, $0x1  }
0xe8: {  	(v2sf) =	vpush v2, $0x2;
	_ =	sdelay $0x1  }
0xe9: {  	(v2sf) =	vpush v2, $0x7;
	_ =	sdelay $0x1  }
0xea: {  	(v2sf) =	vpush v2, $0x3;
	_ =	sdelay $0x1  }
0xeb: {  	(v2sf) =	vpush v2, $0x4  }
0xec: {  	(v2sf) =	vpush v2, $0xC;
	_ =	sdelay $0x1  }
0xed: {  	(v2sf) =	vpush v2, $0xD;
	_ =	sdelay $0x1  }
0xee: {  	(v2sf) =	vpush v2, $0xE;
	_ =	sdelay $0x1  }
0xef: {  	(v2sf) =	vpush v2, $0x8;
	s4 =	spop (v2sf)  }
0xf0: {  	(v2sf) =	vpush v2, $0xF;
	s9 =	smulhi.u32 $0x10624DD3, s4;
	s5 =	spop (v2sf)  }
0xf1: {  	(v2sf) =	vpush v2, $0x9;
	s6 =	smulhi.u32 $0x10624DD3, s5;
	s7 =	spop (v2sf)  }
0xf2: {  	p0 =	sne.s32 s29, $0x2FC0;
	s0 =	sshra.s32 s5, $0x1F;
	s8 =	smulhi.u32 $0x10624DD3, s7  }
0xf3: {  	s29 =	sadd.s32 $0x40, s29;
	s10 =	spop (v2sf);
	s0 =	smul.u32 $0x10624DD3, s0  }
0xf4: {  	s12 =	sshra.s32 s4, $0x1F;
	s2 =	sshra.s32 s7, $0x1F;
	s14 =	smulhi.u32 $0x10624DD3, s10  }
0xf5: {  	s4 =	sshra.s32 s10, $0x1F;
	s11 =	spop (v2sf);
	s16 =	smul.u32 $0x10624DD3, s2  }
0xf6: {  	[dreg:$0x4] =	wrdreg s3;
	(v2sf) =	vpush v2, $0xA;
	s13 =	sshra.s32 s11, $0x1F;
	s30 =	smul.u32 $0x10624DD3, s4  }
0xf7: {  	s10 =	spop (v2sf);
	s20 =	sadd.s32 s0, s6;
	s5 =	smulhi.u32 $0x10624DD3, s11  }
0xf8: {  	s15 =	sshra.s32 s10, $0x1F;
	s17 =	spop (v2sf);
	s7 =	smul.u32 $0x10624DD3, s13  }
0xf9: {  	s3 =	sadd.s32 s16, s8;
	s8 =	sshrl.u32 s20, $0x1F;
	s31 =	smul.u32 $0x10624DD3, s15  }
0xfa: {  	s15 =	sshra.s32 s20, $0xB;
	s18 =	spop (v2sf);
	s2 =	smulhi.u32 $0x10624DD3, s17  }
0xfb: {  	(v2sf) =	vpush v2, $0x5;
	s19 =	sshra.s32 s17, $0x1F;
	s4 =	sshra.s32 s3, $0xB;
	s11 =	smulhi.u32 $0x10624DD3, s18  }
0xfc: {  	(v2sf) =	vpush v2, $0xB;
	s0 =	sshrl.u32 s3, $0x1F;
	s22 =	spop (v2sf);
	s23 =	smul.u32 $0x10624DD3, s19  }
0xfd: {  	s1 =	sshra.s32 s3, $0x1F;
	s21 =	sshra.s32 s18, $0x1F;
	(v2sf) =	vpush v2, $0x6;
	s6 =	smulhi.u32 $0x10624DD3, s22  }
0xfe: {  	s22 =	sshra.s32 s22, $0x1F;
	s3 =	spop (v2sf);
	s13 =	smul.u32 $0x10624DD3, s21  }
0xff: {  	s30 =	sadd.s32 s30, s14;
	s24 =	spop (v2sf);
	s22 =	smul.u32 $0x10624DD3, s22  }
0x100: {  	s5 =	sadd.s32 s7, s5;
	s25 =	spop (v2sf);
	s26 =	smulhi.u32 $0x10624DD3, s24  }
0x101: {  	s2 =	sadd.s32 s23, s2;
	s19 =	sshra.s32 s24, $0x1F;
	s23 =	smulhi.u32 $0x10624DD3, s25  }
0x102: {  	s16 =	sshra.s32 s25, $0x1F;
	s25 =	sadd.s32 s13, s11;
	s13 =	smulhi.u32 $0x10624DD3, s10  }
0x103: {  	s14 =	sshra.s32 s30, $0x1F;
	s17 =	sshrl.u32 s2, $0x1F;
	s21 =	smul.u32 $0x10624DD3, s19  }
0x104: {  	v4 =	vmov s17;
	s28 =	smul.u32 $0x10624DD3, s16;
	s17 =	sshra.s32 s25, $0xB;
	s25 =	sshrl.u32 s25, $0x1F  }
0x105: {  	s18 =	sshra.s32 s3, $0x1F;
	v4 =	vsel vm0, s25, v4;
	s25 =	smul.u32 $0x10624DD3, s12;
	s24 =	spop (v2sf)  }
0x106: {  	s2 =	sshra.s32 s2, $0xB;
	s16 =	sshra.s32 s24, $0x1F;
	s7 =	smulhi.u32 $0x10624DD3, s24  }
0x107: {  	s10 =	sshrl.u32 s5, $0x1F;
	s11 =	sshra.s32 s5, $0xB;
	s12 =	smul.u32 $0x10624DD3, s16  }
.Ltmp3:
0x108: {  	s24 =	sshra.s32 s5, $0x1F;
	s5 =	sadd.s32 s25, s9;
	(pc) =	sbr.rel @p0 .LBB2_4-.Ltmp3, $4  }
0x109: {  	s9 =	sadd.s32 s28, s23;
	s28 =	rddreg [dreg:$0x4];
	s16 =	smulhi.u32 $0x10624DD3, s3  }
0x10a: {  	v3 =	vmov s2;
	s3 =	sshra.s32 s20, $0x1F;
	s25 =	sshra.s32 s5, $0xB;
	s2 =	spop (v2sf)  }
0x10b: {  	v5 =	vmov s14;
	v3 =	vsel vm0, s17, v3;
	s23 =	sshra.s32 s5, $0x1F;
	s17 =	smulhi.u32 $0x10624DD3, s2;
	s19 =	spop (v2sf)  }
0x10c: {  	v5 =	vsel vm3, s25, v5;
	s2 =	sshra.s32 s2, $0x1F;
	s14 =	smulhi.u32 $0x10624DD3, s19;
	s20 =	spop (v2sf)  }
0x10d: {  	s18 =	smul.u32 $0x10624DD3, s18  }
0x10e: {  	s21 =	sadd.s32 s21, s26;
	s6 =	sadd.s32 s22, s6;
	s5 =	sshrl.u32 s5, $0x1F  }
0x10f: {  	v5 =	vsel vm9, s23, v5;
	s2 =	smul.u32 $0x10624DD3, s2;
	s13 =	sadd.s32 s31, s13;
	s19 =	sshra.s32 s19, $0x1F  }
0x110: {  	s23 =	sadd.s32 s12, s7;
	s26 =	smulhi.u32 $0x10624DD3, s20;
	v5 =	vsel vm0, s15, v5;
	v6 =	vmov s5;
	s25 =	sshrl.u32 s6, $0x1F  }
0x111: {  	s22 =	sshrl.u32 s21, $0x1F;
	s31 =	sshrl.u32 s13, $0x1F;
	s6 =	sshra.s32 s6, $0xB;
	v5 =	vsel vm10, s3, v5;
	v6 =	vnsel vm3, $0x0, v6;
	v4 =	vsel vm1, s25, v4  }
0x112: {  	s12 =	sshra.s32 s13, $0x1F;
	s16 =	sadd.s32 s18, s16;
	s18 =	sshra.s32 s20, $0x1F;
	v3 =	vsel vm1, s6, v3;
	v5 =	vsel vm1, s4, v5;
	v6 =	vsel vm0, s8, v6  }
0x113: {  	s3 =	smul.u32 $0x10624DD3, s19;
	v4 =	vsel vm2, s22, v4;
	s4 =	sshra.s32 s13, $0xB;
	s13 =	sshra.s32 s16, $0xB;
	v5 =	vsel vm11, s1, v5;
	v6 =	vsel vm1, s0, v6  }
0x114: {  	s2 =	sadd.s32 s2, s17;
	s17 =	sshra.s32 s9, $0xB;
	s5 =	smul.u32 $0x10624DD3, s18;
	v8 =	vmov s13;
	v5 =	vsel vm2, s11, v5;
	v6 =	vsel vm2, s10, v6  }
0x115: {  	s15 =	sshra.s32 s2, $0xB;
	s10 =	sshrl.u32 s16, $0x1F;
	s16 =	sshra.s32 s21, $0xB;
	v8 =	vsel vm0, s17, v8;
	v5 =	vsel vm12, s24, v5;
	v6 =	vsel vm4, s31, v6  }
0x116: {  	s29 =	sadd.s32 s3, s14;
	s0 =	sshra.s32 s23, $0xB;
	s11 =	sshrl.u32 s9, $0x1F;
	v7 =	vmov s10;
	v3 =	vsel vm2, s16, v3;
	v5 =	vsel vm4, s4, v5  }
0x117: {  	s14 =	sshrl.u32 s2, $0x1F;
	s8 =	sadd.s32 s5, s26;
	s21 =	sshra.s32 s29, $0xB;
	v8 =	vsel vm1, s0, v8;
	v7 =	vsel vm0, s11, v7;
	v5 =	vsel vm13, s12, v5  }
0x118: {  	s18 =	sshrl.u32 s23, $0x1F;
	s2 =	sshra.s32 s2, $0x1F;
	s23 =	sshrl.u32 s8, $0x1F;
	v6 =	vsel vm5, s14, v6;
	v8 =	vsel vm2, s21, v8;
	v5 =	vsel vm5, s15, v5  }
0x119: {  	s20 =	sshrl.u32 s29, $0x1F;
	s19 =	sshra.s32 s8, $0xB;
	v7 =	vsel vm1, s18, v7;
	v6 =	vsel vm6, s23, v6;
	v5 =	vsel vm14, s2, v5  }
0x11a: {  	s25 =	sshrl.u32 s30, $0x1F;
	s22 =	sshra.s32 s8, $0x1F;
	v3 =	vcombine.low v8, v3;
	v7 =	vsel vm2, s20, v7;
	v5 =	vsel vm6, s19, v5  }
0x11b: {  	s24 =	sshra.s32 s30, $0xB;
	v6 =	vsel vm7, s25, v6;
	v4 =	vcombine.low v7, v4;
	v5 =	vsel vm15, s22, v5  }
0x11c: {  	v3 =	vperm.xlane v3, v0;
	v6 =	vperm.xlane v6, v1;
	v5 =	vsel vm7, s24, v5  }
0x11d: {  	v4 =	vperm.xlane v4, v0;
	v5 =	vperm.xlane v5, v1;
	_ =	sdelay $0x1  }
0x11e: {  	v4 =	vsel vm8, v6, v4;
	v3 =	vsel vm8, v5, v3  }
0x11f: {  	v3 =	vadd.s32 v4, v3  }
0x120: {  	v3 =	vmul.u32 $0x7D00, v3;
	_ =	sdelay $0x1  }
0x121: {  	v2 =	vsub.s32 v2, v3  }
0x122: {  	s13 =	simm.s32 $0x1;
	[tilespmem:s28+$0x0] =	vst v2  }
0x123: {  	_ =	swait.ge [sflag:s13], $0x4000  }
0x124: {  	[sflag:s13] =	ssyncset.done $0x0  }
0x125: {  	[sflag:s13] =	ssyncadd.s32 $0xFFFFC000  }
0x126: {  	_ =	swait.ge [sflag:s13], $0x4000  }
0x127: {  	s9 =	simm.s32 $0xC00;
	[sflag:s13] =	ssyncset.done $0x0  }
0x128: {  	s0 =	simm.s32 $0x0;
	s26 =	rddreg [dreg:$0x9];
	[sflag:s13] =	ssyncadd.s32 $0xFFFFC000  }
0x129: {  	[hbm4b:s26+s0] =	stream.linear.scatter [tilespmem:s9], [sflag:$0x3], $0x4000, $0x38;
	[tilespmem:$0x10C00] =	vst v63  }
0x12a: {  	s12 =	simm.s32 $0x8C00;
	s28 =	rddreg [dreg:$0xa]  }
0x12b: {  	[hbm4b:s28+s0] =	stream.linear.scatter [tilespmem:s12], [sflag:$0x3], $0x4000, $0x38;
	[tilespmem:$0x10C00] =	vst v63  }
0x12c: {  	s8 =	simm.s32 $0x80;
	s14 =	simm.s32 $0x4C00;
	s11 =	rddreg [dreg:$0x5]  }
0x12d: {  	[tilespmem:s14], [sflag:$0x2] =	stream.indirect.gather [hbm4b:s11+s8], $0x80, s8, s8, $0xb8;
	[tilespmem:$0x10C00] =	vst v63  }
0x12e: {  	s16 =	simm.s32 $0x2;
	s15 =	simm.s32 $0xCC00;
	s4 =	rddreg [dreg:$0x7]  }
0x12f: {  	[tilespmem:s15], [sflag:$0x2] =	stream.indirect.gather [hbm4b:s4+s8], $0x80, s8, s8, $0xb8;
	[tilespmem:$0x10C00] =	vst v63  }
0x130: {  	_ =	swait.ge [sflag:s16], $0x4000  }
0x131: {  	[sflag:s16] =	ssyncset.done $0x0  }
0x132: {  	[sflag:s16] =	ssyncadd.s32 $0xFFFFC000  }
0x133: {  	_ =	swait.ge [sflag:s16], $0x4000  }
0x134: {  	[sflag:s16] =	ssyncset.done $0x0  }
0x135: {  	s29 =	rddreg [dreg:$0xb];
	[sflag:s16] =	ssyncadd.s32 $0xFFFFC000  }
0x136: {  	[hbm4b:s29+s0] =	stream.linear.scatter [tilespmem:s14], [sflag:$0x4], $0x4000, $0x38;
	[tilespmem:$0x10C00] =	vst v63  }
0x137: {  	s17 =	simm.s32 $0x3;
	s30 =	rddreg [dreg:$0xc]  }
0x138: {  	[hbm4b:s30+s0] =	stream.linear.scatter [tilespmem:s15], [sflag:$0x4], $0x4000, $0x38;
	[tilespmem:$0x10C00] =	vst v63  }
0x139: {  	_ =	swait.ge [sflag:s17], $0x4000  }
0x13a: {  	[sflag:s17] =	ssyncset.done $0x0  }
0x13b: {  	[sflag:s17] =	ssyncadd.s32 $0xFFFFC000  }
0x13c: {  	_ =	swait.ge [sflag:s17], $0x4000  }
0x13d: {  	s3 =	rddreg [dreg:$0xd]  }
0x13e: {  	s1 =	simm.s32 $0x200;
	[sflag:s17] =	ssyncset.done $0x0;
	s5 =	rddreg [dreg:$0xe]  }
0x13f: {  	s31 =	simm.s32 $0x100;
	s7 =	rddreg [dreg:$0xf];
	[sflag:s17] =	ssyncadd.s32 $0xFFFFC000  }
0x140: {  	[tilespmem:s9], [sflag:$0x1] =	stream.indirect.gather [hbm4b:s11+s8], $0x80, s31, s8, $0xb8;
	[tilespmem:$0x10C00] =	vst v63  }
0x141: {  	s10 =	simm.s32 $0x0;
	s18 =	simm.s32 $0x4;
	s6 =	rddreg [dreg:$0x10]  }
0x142: {  	[tilespmem:s12], [sflag:$0x1] =	stream.indirect.gather [hbm4b:s4+s8], $0x80, s31, s8, $0xb8;
	[tilespmem:$0x10C00] =	vst v63  }
.LBB2_6:
0x143: {  	_ =	swait.ge [sflag:s13], $0x4000  }
0x144: {  	[sflag:s13] =	ssyncset.done $0x0  }
0x145: {  	[sflag:s13] =	ssyncadd.s32 $0xFFFFC000  }
0x146: {  	_ =	swait.ge [sflag:s13], $0x4000  }
0x147: {  	[sflag:s13] =	ssyncset.done $0x0  }
0x148: {  	s2 =	sadd.s32 s0, s5;
	[sflag:s13] =	ssyncadd.s32 $0xFFFFC000  }
0x149: {  	[hbm4b:s2+s10] =	stream.linear.scatter [tilespmem:s9], [sflag:$0x3], $0x4000, $0x38;
	[tilespmem:$0x10C00] =	vst v63  }
0x14a: {  	s28 =	sadd.s32 s0, s3  }
0x14b: {  	[hbm4b:s28+s10] =	stream.linear.scatter [tilespmem:s12], [sflag:$0x3], $0x4000, $0x38;
	[tilespmem:$0x10C00] =	vst v63  }
0x14c: {  	_ =	swait.ge [sflag:s18], $0x4000  }
0x14d: {  	[sflag:s18] =	ssyncset.done $0x0  }
0x14e: {  	[sflag:s18] =	ssyncadd.s32 $0xFFFFC000  }
0x14f: {  	_ =	swait.ge [sflag:s18], $0x4000  }
0x150: {  	[sflag:s18] =	ssyncset.done $0x0  }
0x151: {  	s29 =	sadd.s32 $0xFFFFFF80, s1;
	[sflag:s18] =	ssyncadd.s32 $0xFFFFC000  }
0x152: {  	[tilespmem:s14], [sflag:$0x2] =	stream.indirect.gather [hbm4b:s11+s8], $0x80, s29, s8, $0xb8;
	[tilespmem:$0x10C00] =	vst v63  }
0x153: {  	_ = 	snop  }
0x154: {  	[tilespmem:s15], [sflag:$0x2] =	stream.indirect.gather [hbm4b:s4+s8], $0x80, s29, s8, $0xb8;
	[tilespmem:$0x10C00] =	vst v63  }
0x155: {  	_ =	swait.ge [sflag:s16], $0x4000  }
0x156: {  	[sflag:s16] =	ssyncset.done $0x0  }
0x157: {  	[sflag:s16] =	ssyncadd.s32 $0xFFFFC000  }
0x158: {  	_ =	swait.ge [sflag:s16], $0x4000  }
0x159: {  	[sflag:s16] =	ssyncset.done $0x0  }
0x15a: {  	s30 =	sadd.s32 s0, s6;
	[sflag:s16] =	ssyncadd.s32 $0xFFFFC000  }
0x15b: {  	[hbm4b:s30+s10] =	stream.linear.scatter [tilespmem:s14], [sflag:$0x4], $0x4000, $0x38;
	[tilespmem:$0x10C00] =	vst v63  }
0x15c: {  	s31 =	sadd.s32 s0, s7  }
0x15d: {  	[hbm4b:s31+s10] =	stream.linear.scatter [tilespmem:s15], [sflag:$0x4], $0x4000, $0x38;
	[tilespmem:$0x10C00] =	vst v63  }
0x15e: {  	p0 =	seq.s32 s0, $0xA000;
	_ =	swait.ge [sflag:s17], $0x4000  }
.Ltmp4:
0x15f: {  	[sflag:s17] =	ssyncset.done $0x0;
	(pc) =	sbr.rel @p0 .LBB2_8-.Ltmp4, $4  }
0x160: {  	[sflag:s17] =	ssyncadd.s32 $0xFFFFC000  }
0x161: {  	_ =	swait.ge [sflag:s17], $0x4000  }
0x162: {  	[sflag:s17] =	ssyncset.done $0x0  }
0x163: {  	[sflag:s17] =	ssyncadd.s32 $0xFFFFC000  }
.Ltmp5:
0x164: {  	(pc) =	sbr.rel .LBB2_6-.Ltmp5, $4  }
0x165: {  	[tilespmem:s9], [sflag:$0x1] =	stream.indirect.gather [hbm4b:s11+s8], $0x80, s1, s8, $0xb8;
	[tilespmem:$0x10C00] =	vst v63  }
0x166: {  	_ = 	snop  }
0x167: {  	[tilespmem:s12], [sflag:$0x1] =	stream.indirect.gather [hbm4b:s4+s8], $0x80, s1, s8, $0xb8;
	[tilespmem:$0x10C00] =	vst v63  }
0x168: {  	s0 =	sadd.s32 $0x1000, s0;
	s1 =	sadd.s32 $0x100, s1  }
.LBB2_9:
0x169: {  	_ =	sfence.sel $0x180000  }
0x16a: {  	[bflag:$0x0] =	sbarrier.arrive $0xFFFF  }
0x16b: {  	_ =	strace $0x90000047  }
0x16c: {  	s0 =	stileid.u32;
	[bflag:$0x2] =	sbarrier.arrive $0xFFFF  }
0x16d: {  	p0 =	sne.s32 s0, $0x0;
	s0 =	rddreg [dreg:$0x2]  }
0x16e: {  	s0 =	sadd.s32 @!p0 $0x100000, s0  }
0x16f: {  	[sflag:s0] =	ssyncadd.tile.s32 @!p0 $0x1;
	_ =	shalt  }
.Lfunc_end2:
_tile_overlayer_lowered:
.L_overlay_start_2:
0x170: {  	(tag) =	ssettag $0x2  }
0x171: {  	s0 =	rddreg [dreg:$0x0];
	s2 =	stileid.u32  }
0x172: {  	s1 =	rddreg [dreg:$0x1];
	p0 =	sne.s32 s2, $0x0  }
0x173: {  	s3 =	rddreg [dreg:$0x2];
	[bflag:$0x3] =	sbarrier.arrive $0xFFFF;
	s2 =	simm.s32 @!p0 $0x1C05  }
0x174: {  	[timem:s3], [sflag:s2] =	dma.local @!p0 [hbm:s0], s1  }
0x175: {  	s0 =	simm.s32 @!p0 $0x5  }
0x176: {  	_ =	swait.ge @!p0 [sflag:s0], s1  }
0x177: {  	s1 =	ssub.s32 @!p0 $0x0, s1;
	[sflag:s0] =	ssyncset.done @!p0 $0x0  }
0x178: {  	[sflag:s0] =	ssyncadd.s32 @!p0 s1  }
0x179: {  	[bflag:$0x3] =	sbarrier.arrive $0xFFFF  }
0x17a: {  	_ =	shalt  }

</sc_bundles>
